<compile_context>
chip_gen: v7x
topology: tpu7x:2x2x1
jax: 0.10.2.dev20260603
libtpu: 0.0.44.dev20260713+nightly
codegen_flags: <defaults>
</compile_context>

<pallas_src>
import functools

import jax
import jax.numpy as jnp
from jax import lax
from jax.experimental import pallas as pl
from jax.experimental.pallas import tpu as pltpu
from jax.experimental.pallas import tpu_sc as plsc

F32 = jnp.float32
N = 4096
E = 262144
D = 128
NH = 8
DH = 16

NC, NS = 2, 16
NW = NC * NS
EPT = E // NW
EB = 128
NB = EPT // EB
RPS = N // NS

def _mesh():
    return plsc.VectorSubcoreMesh(
        core_axis_name="c", subcore_axis_name="s", num_cores=NC, num_subcores=NS)


def _deg_body(dst2d, zeros_n, deg_out, dstv, ones, acc, dsem):
    c = lax.axis_index("c")
    s = lax.axis_index("s")
    wid = c * NS + s
    pltpu.sync_copy(dst2d.at[pl.ds(wid * NB, NB)], dstv)
    for i in range(EB // 16):
        ones[pl.ds(i * 16, 16)] = jnp.ones((16,), F32)
    pltpu.sync_copy(zeros_n.at[pl.ds(s * RPS, RPS)], acc.at[pl.ds(s * RPS, RPS)])
    plsc.subcore_barrier()

    def body(r, carry):
        for b in range(8):
            pltpu.async_copy(ones, acc.at[dstv.at[8 * r + b]], dsem, add=True)
        for _ in range(8):
            pltpu.make_async_copy(ones, acc.at[pl.ds(0, EB)], dsem).wait()
        return carry

    lax.fori_loop(0, NB // 8, body, 0)
    plsc.subcore_barrier()
    pltpu.sync_copy(acc.at[pl.ds(s * RPS, RPS)], deg_out.at[c, pl.ds(s * RPS, RPS)])


@functools.cache
def _build_deg():
    return pl.kernel(
        _deg_body,
        out_type=jax.ShapeDtypeStruct((NC, N), F32),
        mesh=_mesh(),
        scratch_types=[
            pltpu.VMEM((NB, EB), jnp.int32),
            pltpu.VMEM((EB,), F32),
            pltpu.VMEM_SHARED((N,), F32),
            pltpu.SemaphoreType.DMA,
        ],
    )


def _deg_call(dst2d, zeros_n):
    return _build_deg()(dst2d, zeros_n)


NBUF = 4
NR = NB // NBUF


def _scatter_body(src2d, dst2d, m_hbm, zeros_nd, s_out,
                  srcv, dstv, r0, r1, r2, r3, acc,
                  g0, g1, g2, g3, s0, s1, s2, s3):
    rows = (r0, r1, r2, r3)
    gsem = (g0, g1, g2, g3)
    ssem = (s0, s1, s2, s3)
    c = lax.axis_index("c")
    s = lax.axis_index("s")
    wid = c * NS + s
    pltpu.sync_copy(src2d.at[pl.ds(wid * NB, NB)], srcv)
    pltpu.sync_copy(dst2d.at[pl.ds(wid * NB, NB)], dstv)
    pltpu.sync_copy(zeros_nd.at[pl.ds(s * RPS, RPS)], acc.at[pl.ds(s * RPS, RPS)])
    plsc.subcore_barrier()

    def wait_gather(b):
        pltpu.make_async_copy(m_hbm.at[pl.ds(0, EB)], rows[b], gsem[b]).wait()

    def wait_scatter(b):
        pltpu.make_async_copy(rows[b], acc.at[pl.ds(0, EB)], ssem[b]).wait()

    for b in range(3):
        pltpu.async_copy(m_hbm.at[srcv.at[b]], rows[b], gsem[b])

    def body(r, carry):
        for b in range(NBUF):
            j = NBUF * r + b
            wait_gather(b)
            pltpu.async_copy(rows[b], acc.at[dstv.at[j]], ssem[b], add=True)
            bn = (b + 3) % NBUF
            if b == 0:
                @pl.when(r > 0)
                def _():
                    wait_scatter(bn)
                pltpu.async_copy(m_hbm.at[srcv.at[j + 3]], rows[bn], gsem[bn])
            else:
                @pl.when(r < NR - 1)
                def _():
                    wait_scatter(bn)
                    pltpu.async_copy(m_hbm.at[srcv.at[j + 3]], rows[bn], gsem[bn])
        return carry

    lax.fori_loop(0, NR, body, 0)
    for b in range(NBUF):
        wait_scatter(b)
    plsc.subcore_barrier()
    pltpu.sync_copy(acc.at[pl.ds(s * RPS, RPS)], s_out.at[c, pl.ds(s * RPS, RPS)])


@functools.cache
def _build_scatter():
    return pl.kernel(
        _scatter_body,
        out_type=jax.ShapeDtypeStruct((NC, N, D), F32),
        mesh=_mesh(),
        scratch_types=(
            [pltpu.VMEM((NB, EB), jnp.int32)] * 2
            + [pltpu.VMEM((EB, D), F32)] * NBUF
            + [pltpu.VMEM_SHARED((N, D), F32)]
            + [pltpu.SemaphoreType.DMA] * (2 * NBUF)
        ),
    )


def _scatter_call(src2d, dst2d, m_hbm, zeros_nd):
    return _build_scatter()(src2d, dst2d, m_hbm, zeros_nd)


_DN_T = (((1,), (1,)), ((), ()))


def _tc_u0_body(x_ref, w0_ref, u_ref):
    u_ref[...] = lax.dot_general(x_ref[...], w0_ref[...], _DN_T,
                                 preferred_element_type=F32)


def _tc_u0(x, w0):
    return pl.pallas_call(
        _tc_u0_body, out_shape=jax.ShapeDtypeStruct((N, D), F32))(x, w0)


def _tc0_body(parts_ref, u_ref, dinv_ref, m0_ref):
    degT = jnp.transpose(parts_ref[...])
    deg = jnp.sum(degT, axis=1, keepdims=True) + 1.0
    dinv = lax.rsqrt(deg)
    dinv_ref[...] = dinv
    m0_ref[...] = u_ref[...] * dinv


def _tc0(parts, u):
    return pl.pallas_call(
        _tc0_body,
        out_shape=(jax.ShapeDtypeStruct((N, 1), F32),
                   jax.ShapeDtypeStruct((N, D), F32)),
    )(parts, u)


def _tc_mid_body(sp_ref, mp_ref, dinv_ref, b_ref, gs_ref, be_ref, w_ref, out_ref):
    dinv = dinv_ref[...]
    z = (sp_ref[0] + sp_ref[1] + mp_ref[...]) * dinv + b_ref[...]
    h = jnp.maximum(z * gs_ref[...] + be_ref[...], 0.0)
    u = lax.dot_general(h, w_ref[...], _DN_T, preferred_element_type=F32)
    out_ref[...] = u * dinv


def _tc_mid(sp, mp, dinv, b, gs, be, w):
    return pl.pallas_call(
        _tc_mid_body,
        out_shape=jax.ShapeDtypeStruct((N, D), F32),
    )(sp, mp, dinv, b, gs, be, w)


def _tc_qkv_body(sp_ref, mp_ref, dinv_ref, b_ref, wqkv_ref, bqkv_ref,
                 q_ref, kt_ref, v_ref):
    h = (sp_ref[0] + sp_ref[1] + mp_ref[...]) * dinv_ref[...] + b_ref[...]
    qkv = lax.dot_general(h, wqkv_ref[...], _DN_T, preferred_element_type=F32)
    qkv = qkv + bqkv_ref[...]
    q_ref[...] = qkv[:, :D]
    kt_ref[...] = jnp.transpose(qkv[:, D:2 * D]).astype(jnp.bfloat16)
    v_ref[...] = qkv[:, 2 * D:].astype(jnp.bfloat16)


def _tc_qkv(sp, mp, dinv, b, wqkv, bqkv):
    return pl.pallas_call(
        _tc_qkv_body,
        out_shape=(jax.ShapeDtypeStruct((N, D), F32),
                   jax.ShapeDtypeStruct((D, N), jnp.bfloat16),
                   jax.ShapeDtypeStruct((N, D), jnp.bfloat16)),
    )(sp, mp, dinv, b, wqkv, bqkv)


QBLK = 512
_LOG2E = 1.4426950408889634


def _tc_attn_body(q_ref, kt_ref, v_ref, wo_ref, bo_ref, wc1_ref, bc1_ref,
                  wc2_ref, bc2_ref, out_ref):
    q = q_ref[...]
    v = v_ref[...]
    ones_col = jnp.ones((N, 1), jnp.bfloat16)
    cols = []
    for h in range(NH):
        qh = (q[:, h * DH:(h + 1) * DH] * (0.25 * _LOG2E)).astype(jnp.bfloat16)
        kth = kt_ref[h * DH:(h + 1) * DH, :]
        sc = jnp.dot(qh, kth, preferred_element_type=F32)
        m = jnp.max(sc, axis=1, keepdims=True)
        ex = jnp.exp2((sc - m).astype(jnp.bfloat16))
        vext = jnp.concatenate([v[:, h * DH:(h + 1) * DH], ones_col], axis=1)
        od = jnp.dot(ex, vext, preferred_element_type=F32)
        cols.append(od[:, :DH] / od[:, DH:])
    a = jnp.concatenate(cols, axis=1)
    a = lax.dot_general(a, wo_ref[...], _DN_T, preferred_element_type=F32) + bo_ref[...]
    z = lax.dot_general(a, wc1_ref[...], _DN_T, preferred_element_type=F32) + bc1_ref[...]
    z = jnp.maximum(z, 0.0)
    out_ref[...] = lax.dot_general(z, wc2_ref[...], _DN_T,
                                   preferred_element_type=F32) + bc2_ref[...]


def _tc_attn(q, kt, v, wo, bo, wc1, bc1, wc2, bc2):
    nq = N // QBLK
    whole = lambda shape: pl.BlockSpec(shape, lambda i: tuple(0 for _ in shape))
    return pl.pallas_call(
        _tc_attn_body,
        grid=(nq,),
        in_specs=[
            pl.BlockSpec((QBLK, D), lambda i: (i, 0)),
            whole((D, N)),
            whole((N, D)),
            whole((D, D)),
            whole((1, D)),
            whole((D // 2, D)),
            whole((1, D // 2)),
            whole((16, D // 2)),
            whole((1, 16)),
        ],
        out_specs=pl.BlockSpec((QBLK, 16), lambda i: (i, 0)),
        out_shape=jax.ShapeDtypeStruct((N, 16), F32),
    )(q, kt, v, wo, bo, wc1, bc1, wc2, bc2)


def kernel(x, edge_index, W0, b0, g0, be0, W1, b1, g1, be1, W2, b2,
           Wqkv, bqkv, Wo, bo, Wc1, bc1, Wc2, bc2):
    src2d = edge_index[0].reshape(E // EB, EB)
    dst2d = edge_index[1].reshape(E // EB, EB)
    zeros_n = jnp.zeros((N,), F32)
    zeros_nd = jnp.zeros((N, D), F32)

    bnc = 1.0 / jnp.sqrt(jnp.float32(1.0 + 1e-5))
    gs0 = (g0 * bnc).reshape(1, D)
    gs1 = (g1 * bnc).reshape(1, D)

    deg_parts = _deg_call(dst2d, zeros_n)
    u0 = _tc_u0(x, W0)
    dinv, m0 = _tc0(deg_parts, u0)

    s0 = _scatter_call(src2d, dst2d, m0, zeros_nd)
    m1 = _tc_mid(s0, m0, dinv, b0.reshape(1, D), gs0, be0.reshape(1, D), W1)

    s1 = _scatter_call(src2d, dst2d, m1, zeros_nd)
    m2 = _tc_mid(s1, m1, dinv, b1.reshape(1, D), gs1, be1.reshape(1, D), W2)

    s2 = _scatter_call(src2d, dst2d, m2, zeros_nd)
    q, kt, v = _tc_qkv(s2, m2, dinv, b2.reshape(1, D), Wqkv, bqkv.reshape(1, 3 * D))

    return _tc_attn(q, kt, v, Wo, bo.reshape(1, D), Wc1, bc1.reshape(1, D // 2),
                    Wc2, bc2.reshape(1, 16))

# --- scband reference (transcript-rebuilt; emitter-appended) ---
"""Pipeline reference for scband-entity-classification-gnn-47845935677471 (READ-ONLY COPY).

The authoritative reference and input builder live on the scoring server;
editing this copy changes nothing except your own understanding.
"""

import jax, jax.numpy as jnp
import numpy as np

N = 4096
E = 262144
D_IN = 128
D_H = 128
N_CLASSES = 16
N_HEADS = 8


def setup_inputs(seed: int = 0) -> dict:
    key = jax.random.key(seed)
    ks = jax.random.split(key, 16)

    def lin(k, o, i):
        return (jax.random.normal(k, (o, i), dtype=jnp.float32) / np.sqrt(i)).astype(jnp.float32)

    inp = {}
    inp['x'] = jax.random.normal(ks[0], (N, D_IN), dtype=jnp.float32)
    inp['edge_index'] = jax.random.randint(ks[1], (2, E), 0, N, dtype=jnp.int32)
    # GCNConv 0 (input_dim -> hidden_dim) + BatchNorm1d (eval mode)
    inp['W0'] = lin(ks[2], D_H, D_IN)
    inp['b0'] = jnp.zeros((D_H,), jnp.float32)
    inp['g0'] = jnp.ones((D_H,), jnp.float32)
    inp['be0'] = jnp.zeros((D_H,), jnp.float32)
    # GCNConv 1 (hidden -> hidden) + BatchNorm1d
    inp['W1'] = lin(ks[3], D_H, D_H)
    inp['b1'] = jnp.zeros((D_H,), jnp.float32)
    inp['g1'] = jnp.ones((D_H,), jnp.float32)
    inp['be1'] = jnp.zeros((D_H,), jnp.float32)
    # GCNConv 2 (hidden -> hidden), no BN
    inp['W2'] = lin(ks[4], D_H, D_H)
    inp['b2'] = jnp.zeros((D_H,), jnp.float32)
    # MultiheadAttention (8 heads, batch_first)
    inp['Wqkv'] = lin(ks[5], 3 * D_H, D_H)
    inp['bqkv'] = jnp.zeros((3 * D_H,), jnp.float32)
    inp['Wo'] = lin(ks[6], D_H, D_H)
    inp['bo'] = jnp.zeros((D_H,), jnp.float32)
    # Classifier: Linear(128,64) -> ReLU -> Dropout(eval) -> Linear(64,16)
    inp['Wc1'] = lin(ks[7], D_H // 2, D_H)
    inp['bc1'] = jnp.zeros((D_H // 2,), jnp.float32)
    inp['Wc2'] = lin(ks[8], N_CLASSES, D_H // 2)
    inp['bc2'] = jnp.zeros((N_CLASSES,), jnp.float32)
    return inp


def reference(x, edge_index, W0, b0, g0, be0, W1, b1, g1, be1, W2, b2,
              Wqkv, bqkv, Wo, bo, Wc1, bc1, Wc2, bc2):
    n = x.shape[0]
    # GCN normalization with added self loops (PyG GCNConv semantics)
    loop = jnp.arange(n, dtype=edge_index.dtype)
    src = jnp.concatenate([edge_index[0], loop])
    dst = jnp.concatenate([edge_index[1], loop])
    deg = jnp.zeros((n,), jnp.float32).at[dst].add(1.0)
    dinv = jnp.where(deg > 0, 1.0 / jnp.sqrt(deg), 0.0)
    norm = dinv[src] * dinv[dst]

    def gcn(h, W, b):
        m = h @ W.T
        out = jnp.zeros((n, W.shape[0]), jnp.float32).at[dst].add(m[src] * norm[:, None])
        return out + b

    eps = 1e-5

    def bn(h, g, be):
        # eval-mode BatchNorm1d: running_mean=0, running_var=1
        return h / jnp.sqrt(1.0 + eps) * g + be

    h = jax.nn.relu(bn(gcn(x, W0, b0), g0, be0))
    # dropout is identity in eval mode
    h = jax.nn.relu(bn(gcn(h, W1, b1), g1, be1))
    h = gcn(h, W2, b2)

    # MultiheadAttention over all nodes (batch of 1)
    d = h.shape[1]
    dh = d // N_HEADS
    qkv = h @ Wqkv.T + bqkv
    q, k, v = jnp.split(qkv, 3, axis=1)

    def heads(t):
        return t.reshape(n, N_HEADS, dh).transpose(1, 0, 2)

    qh, kh, vh = heads(q), heads(k), heads(v)
    scores = (qh @ kh.transpose(0, 2, 1)) / jnp.sqrt(jnp.float32(dh))
    attn = jax.nn.softmax(scores, axis=-1)
    a = (attn @ vh).transpose(1, 0, 2).reshape(n, d)
    a = a @ Wo.T + bo

    z = jax.nn.relu(a @ Wc1.T + bc1)
    return z @ Wc2.T + bc2

if __name__ == "__main__":
    import jax
    _d = setup_inputs()
    print(jax.jit(kernel)(*tuple(_d.values())))

</pallas_src>

<mosaic_0001>
#map = affine_map<(d0, d1) -> (0, 0)>
#map1 = affine_map<(d0, d1) -> (0, 0, 0)>
module attributes {stable_mosaic.version = 14 : i64} {
  func.func @_scatter_body(%arg0: i32, %arg1: i32, %arg2: memref<2048x128xi32, #tpu.memory_space<hbm>>, %arg3: memref<2048x128xi32, #tpu.memory_space<hbm>>, %arg4: memref<4096x128xf32, #tpu.memory_space<hbm>>, %arg5: memref<4096x128xf32, #tpu.memory_space<hbm>>, %arg6: memref<2x4096x128xf32, #tpu.memory_space<hbm>>, %arg7: memref<64x128xi32, #tpu.memory_space<vmem>>, %arg8: memref<64x128xi32, #tpu.memory_space<vmem>>, %arg9: memref<128x128xf32, #tpu.memory_space<vmem>>, %arg10: memref<128x128xf32, #tpu.memory_space<vmem>>, %arg11: memref<128x128xf32, #tpu.memory_space<vmem>>, %arg12: memref<128x128xf32, #tpu.memory_space<vmem>>, %arg13: memref<4096x128xf32, #tpu.memory_space<vmem_shared>>, %arg14: memref<!tpu.dma_semaphore, #tpu.memory_space<semaphore_mem>>, %arg15: memref<!tpu.dma_semaphore, #tpu.memory_space<semaphore_mem>>, %arg16: memref<!tpu.dma_semaphore, #tpu.memory_space<semaphore_mem>>, %arg17: memref<!tpu.dma_semaphore, #tpu.memory_space<semaphore_mem>>, %arg18: memref<!tpu.dma_semaphore, #tpu.memory_space<semaphore_mem>>, %arg19: memref<!tpu.dma_semaphore, #tpu.memory_space<semaphore_mem>>, %arg20: memref<!tpu.dma_semaphore, #tpu.memory_space<semaphore_mem>>, %arg21: memref<!tpu.dma_semaphore, #tpu.memory_space<semaphore_mem>>) attributes {dimension_semantics = [#tpu.dimension_semantics<core_parallel>, #tpu.dimension_semantics<subcore_parallel>], iteration_bounds = array<i64: 2, 16>, scalar_prefetch = 0 : i64, scratch_operands = 15 : i64, tpu.core_type = #tpu.core_type<sc_vector_subcore>, window_params = [{transform_indices = #map}, {transform_indices = #map}, {transform_indices = #map}, {transform_indices = #map}, {transform_indices = #map1}]} {
    %mul3A = arith.constant 16 : i32
    %mul3A_0 = arith.muli %arg0, %mul3A : i32
    %add3A = arith.addi %mul3A_0, %arg1 : i32
    %mul3A_1 = arith.constant 64 : i32
    %mul3A_2 = arith.muli %add3A, %mul3A_1 : i32
    "tpu.region"() ({
      %run_scoped3A = tpu.sem_alloc : memref<!tpu.dma_semaphore, #tpu.memory_space<semaphore_mem>>
      %dma_start3A_62 = arith.constant 0 : i32
      %dma_start3A_63 = tpu.memref_slice %arg2[%mul3A_2, %dma_start3A_62] : memref<2048x128xi32, #tpu.memory_space<hbm>> -> memref<64x128xi32, #tpu.memory_space<hbm>>
      %dma_start3A_64 = arith.constant 0 : i32
      %dma_start3A_65 = tpu.memref_slice %arg2[%mul3A_2, %dma_start3A_64] : memref<2048x128xi32, #tpu.memory_space<hbm>> -> memref<64x128xi32, #tpu.memory_space<hbm>>
      tpu.enqueue_dma source(%dma_start3A_65 : memref<64x128xi32, #tpu.memory_space<hbm>>) target(%arg7 : memref<64x128xi32, #tpu.memory_space<vmem>>) target_semaphore(%run_scoped3A : memref<!tpu.dma_semaphore, #tpu.memory_space<semaphore_mem>>)
      %dma_wait3A_66 = arith.constant 0 : i32
      %dma_wait3A_67 = tpu.memref_slice %arg2[%mul3A_2, %dma_wait3A_66] : memref<2048x128xi32, #tpu.memory_space<hbm>> -> memref<64x128xi32, #tpu.memory_space<hbm>>
      %dma_wait3A_68 = arith.constant 0 : i32
      %dma_wait3A_69 = tpu.memref_slice %arg2[%mul3A_2, %dma_wait3A_68] : memref<2048x128xi32, #tpu.memory_space<hbm>> -> memref<64x128xi32, #tpu.memory_space<hbm>>
      tpu.wait_dma2 semaphore(%run_scoped3A : memref<!tpu.dma_semaphore, #tpu.memory_space<semaphore_mem>>) src(%dma_wait3A_69 : memref<64x128xi32, #tpu.memory_space<hbm>>) dst(%arg7 : memref<64x128xi32, #tpu.memory_space<vmem>>)
      tpu.yield
    }) : () -> ()
    %mul3A_3 = arith.constant 64 : i32
    %mul3A_4 = arith.muli %add3A, %mul3A_3 : i32
    "tpu.region"() ({
      %run_scoped3A = tpu.sem_alloc : memref<!tpu.dma_semaphore, #tpu.memory_space<semaphore_mem>>
      %dma_start3A_62 = arith.constant 0 : i32
      %dma_start3A_63 = tpu.memref_slice %arg3[%mul3A_4, %dma_start3A_62] : memref<2048x128xi32, #tpu.memory_space<hbm>> -> memref<64x128xi32, #tpu.memory_space<hbm>>
      %dma_start3A_64 = arith.constant 0 : i32
      %dma_start3A_65 = tpu.memref_slice %arg3[%mul3A_4, %dma_start3A_64] : memref<2048x128xi32, #tpu.memory_space<hbm>> -> memref<64x128xi32, #tpu.memory_space<hbm>>
      tpu.enqueue_dma source(%dma_start3A_65 : memref<64x128xi32, #tpu.memory_space<hbm>>) target(%arg8 : memref<64x128xi32, #tpu.memory_space<vmem>>) target_semaphore(%run_scoped3A : memref<!tpu.dma_semaphore, #tpu.memory_space<semaphore_mem>>)
      %dma_wait3A_66 = arith.constant 0 : i32
      %dma_wait3A_67 = tpu.memref_slice %arg3[%mul3A_4, %dma_wait3A_66] : memref<2048x128xi32, #tpu.memory_space<hbm>> -> memref<64x128xi32, #tpu.memory_space<hbm>>
      %dma_wait3A_68 = arith.constant 0 : i32
      %dma_wait3A_69 = tpu.memref_slice %arg3[%mul3A_4, %dma_wait3A_68] : memref<2048x128xi32, #tpu.memory_space<hbm>> -> memref<64x128xi32, #tpu.memory_space<hbm>>
      tpu.wait_dma2 semaphore(%run_scoped3A : memref<!tpu.dma_semaphore, #tpu.memory_space<semaphore_mem>>) src(%dma_wait3A_69 : memref<64x128xi32, #tpu.memory_space<hbm>>) dst(%arg8 : memref<64x128xi32, #tpu.memory_space<vmem>>)
      tpu.yield
    }) : () -> ()
    %mul3A_5 = arith.constant 256 : i32
    %mul3A_6 = arith.muli %arg1, %mul3A_5 : i32
    %mul3A_7 = arith.constant 256 : i32
    %mul3A_8 = arith.muli %arg1, %mul3A_7 : i32
    "tpu.region"() ({
      %run_scoped3A = tpu.sem_alloc : memref<!tpu.dma_semaphore, #tpu.memory_space<semaphore_mem>>
      %dma_start3A_62 = arith.constant 0 : i32
      %dma_start3A_63 = tpu.memref_slice %arg13[%mul3A_8, %dma_start3A_62] : memref<4096x128xf32, #tpu.memory_space<vmem_shared>> -> memref<256x128xf32, #tpu.memory_space<vmem_shared>>
      %dma_start3A_64 = arith.constant 0 : i32
      %dma_start3A_65 = tpu.memref_slice %arg5[%mul3A_6, %dma_start3A_64] : memref<4096x128xf32, #tpu.memory_space<hbm>> -> memref<256x128xf32, #tpu.memory_space<hbm>>
      tpu.enqueue_dma source(%dma_start3A_65 : memref<256x128xf32, #tpu.memory_space<hbm>>) target(%dma_start3A_63 : memref<256x128xf32, #tpu.memory_space<vmem_shared>>) target_semaphore(%run_scoped3A : memref<!tpu.dma_semaphore, #tpu.memory_space<semaphore_mem>>)
      %dma_wait3A_66 = arith.constant 0 : i32
      %dma_wait3A_67 = tpu.memref_slice %arg13[%mul3A_8, %dma_wait3A_66] : memref<4096x128xf32, #tpu.memory_space<vmem_shared>> -> memref<256x128xf32, #tpu.memory_space<vmem_shared>>
      %dma_wait3A_68 = arith.constant 0 : i32
      %dma_wait3A_69 = tpu.memref_slice %arg5[%mul3A_6, %dma_wait3A_68] : memref<4096x128xf32, #tpu.memory_space<hbm>> -> memref<256x128xf32, #tpu.memory_space<hbm>>
      tpu.wait_dma2 semaphore(%run_scoped3A : memref<!tpu.dma_semaphore, #tpu.memory_space<semaphore_mem>>) src(%dma_wait3A_69 : memref<256x128xf32, #tpu.memory_space<hbm>>) dst(%dma_wait3A_67 : memref<256x128xf32, #tpu.memory_space<vmem_shared>>)
      tpu.yield
    }) : () -> ()
    %barrier3A = arith.constant 0 : index
    tpu.barrier barrier_id(%barrier3A)
    %dma_start3A = arith.constant 0 : i32
    %dma_start3A_9 = arith.constant 0 : i32
    %dma_start3A_10 = tpu.memref_slice %arg7[%dma_start3A, %dma_start3A_9] : memref<64x128xi32, #tpu.memory_space<vmem>> -> memref<1x128xi32, #tpu.memory_space<vmem>>
    %dma_start3A_11 = tpu.memref_squeeze %dma_start3A_10 : memref<1x128xi32, #tpu.memory_space<vmem>> -> memref<128xi32, #tpu.memory_space<vmem>>
    %dma_start3A_12 = arith.constant 0 : i32
    %dma_start3A_13 = arith.constant 0 : i32
    %dma_start3A_14 = tpu.memref_slice %arg4[%dma_start3A_12, %dma_start3A_13] : memref<4096x128xf32, #tpu.memory_space<hbm>> -> memref<4096x128xf32, #tpu.memory_space<hbm>>
    tpu.enqueue_indirect_dma source(%dma_start3A_14 : memref<4096x128xf32, #tpu.memory_space<hbm>>) target(%arg9 : memref<128x128xf32, #tpu.memory_space<vmem>>) offsets(%dma_start3A_11 : memref<128xi32, #tpu.memory_space<vmem>>) semaphore(%arg14 : memref<!tpu.dma_semaphore, #tpu.memory_space<semaphore_mem>>)
    %dma_start3A_15 = arith.constant 1 : i32
    %dma_start3A_16 = arith.constant 0 : i32
    %dma_start3A_17 = tpu.memref_slice %arg7[%dma_start3A_15, %dma_start3A_16] : memref<64x128xi32, #tpu.memory_space<vmem>> -> memref<1x128xi32, #tpu.memory_space<vmem>>
    %dma_start3A_18 = tpu.memref_squeeze %dma_start3A_17 : memref<1x128xi32, #tpu.memory_space<vmem>> -> memref<128xi32, #tpu.memory_space<vmem>>
    %dma_start3A_19 = arith.constant 0 : i32
    %dma_start3A_20 = arith.constant 0 : i32
    %dma_start3A_21 = tpu.memref_slice %arg4[%dma_start3A_19, %dma_start3A_20] : memref<4096x128xf32, #tpu.memory_space<hbm>> -> memref<4096x128xf32, #tpu.memory_space<hbm>>
    tpu.enqueue_indirect_dma source(%dma_start3A_21 : memref<4096x128xf32, #tpu.memory_space<hbm>>) target(%arg10 : memref<128x128xf32, #tpu.memory_space<vmem>>) offsets(%dma_start3A_18 : memref<128xi32, #tpu.memory_space<vmem>>) semaphore(%arg15 : memref<!tpu.dma_semaphore, #tpu.memory_space<semaphore_mem>>)
    %dma_start3A_22 = arith.constant 2 : i32
    %dma_start3A_23 = arith.constant 0 : i32
    %dma_start3A_24 = tpu.memref_slice %arg7[%dma_start3A_22, %dma_start3A_23] : memref<64x128xi32, #tpu.memory_space<vmem>> -> memref<1x128xi32, #tpu.memory_space<vmem>>
    %dma_start3A_25 = tpu.memref_squeeze %dma_start3A_24 : memref<1x128xi32, #tpu.memory_space<vmem>> -> memref<128xi32, #tpu.memory_space<vmem>>
    %dma_start3A_26 = arith.constant 0 : i32
    %dma_start3A_27 = arith.constant 0 : i32
    %dma_start3A_28 = tpu.memref_slice %arg4[%dma_start3A_26, %dma_start3A_27] : memref<4096x128xf32, #tpu.memory_space<hbm>> -> memref<4096x128xf32, #tpu.memory_space<hbm>>
    tpu.enqueue_indirect_dma source(%dma_start3A_28 : memref<4096x128xf32, #tpu.memory_space<hbm>>) target(%arg11 : memref<128x128xf32, #tpu.memory_space<vmem>>) offsets(%dma_start3A_25 : memref<128xi32, #tpu.memory_space<vmem>>) semaphore(%arg16 : memref<!tpu.dma_semaphore, #tpu.memory_space<semaphore_mem>>)
    %scan3A = arith.constant 0 : i32
    %scan3A_29 = arith.constant 0 : i32
    %scan3A_30 = arith.constant 16 : i32
    %scan3A_31 = arith.addi %scan3A_29, %scan3A_30 : i32
    %scan3A_32 = arith.constant 1 : i32
    scf.for %scan3A_62 = %scan3A_29 to %scan3A_31 step %scan3A_32  : i32 {
      %mul3A_63 = arith.constant 4 : i32
      %mul3A_64 = arith.muli %mul3A_63, %scan3A_62 : i32
      %add3A_65 = arith.constant 0 : i32
      %add3A_66 = arith.addi %mul3A_64, %add3A_65 : i32
      %dma_wait3A_67 = arith.constant 0 : i32
      %dma_wait3A_68 = arith.constant 0 : i32
      %dma_wait3A_69 = tpu.memref_slice %arg4[%dma_wait3A_67, %dma_wait3A_68] : memref<4096x128xf32, #tpu.memory_space<hbm>> -> memref<128x128xf32, #tpu.memory_space<hbm>>
      %dma_wait3A_70 = arith.constant 0 : i32
      %dma_wait3A_71 = arith.constant 0 : i32
      %dma_wait3A_72 = tpu.memref_slice %arg4[%dma_wait3A_70, %dma_wait3A_71] : memref<4096x128xf32, #tpu.memory_space<hbm>> -> memref<128x128xf32, #tpu.memory_space<hbm>>
      tpu.wait_dma2 semaphore(%arg14 : memref<!tpu.dma_semaphore, #tpu.memory_space<semaphore_mem>>) src(%dma_wait3A_72 : memref<128x128xf32, #tpu.memory_space<hbm>>) dst(%arg9 : memref<128x128xf32, #tpu.memory_space<vmem>>)
      %dma_start3A_73 = arith.constant 0 : i32
      %dma_start3A_74 = tpu.memref_slice %arg8[%add3A_66, %dma_start3A_73] : memref<64x128xi32, #tpu.memory_space<vmem>> -> memref<1x128xi32, #tpu.memory_space<vmem>>
      %dma_start3A_75 = tpu.memref_squeeze %dma_start3A_74 : memref<1x128xi32, #tpu.memory_space<vmem>> -> memref<128xi32, #tpu.memory_space<vmem>>
      %dma_start3A_76 = arith.constant 0 : i32
      %dma_start3A_77 = arith.constant 0 : i32
      %dma_start3A_78 = tpu.memref_slice %arg13[%dma_start3A_76, %dma_start3A_77] : memref<4096x128xf32, #tpu.memory_space<vmem_shared>> -> memref<4096x128xf32, #tpu.memory_space<vmem_shared>>
      tpu.enqueue_indirect_dma source(%arg9 : memref<128x128xf32, #tpu.memory_space<vmem>>) target(%dma_start3A_78 : memref<4096x128xf32, #tpu.memory_space<vmem_shared>>) offsets(%dma_start3A_75 : memref<128xi32, #tpu.memory_space<vmem>>) semaphore(%arg18 : memref<!tpu.dma_semaphore, #tpu.memory_space<semaphore_mem>>) {add = true}
      %gt3A = arith.constant 0 : i32
      %gt3A_79 = arith.cmpi sgt, %scan3A_62, %gt3A : i32
      %convert_element_type3A = arith.extui %gt3A_79 : i1 to i32
      %cond3A = arith.constant 0 : i32
      %cond3A_80 = arith.cmpi ne, %convert_element_type3A, %cond3A : i32
      scf.if %cond3A_80 {
        %dma_wait3A_151 = arith.constant 0 : i32
        %dma_wait3A_152 = arith.constant 0 : i32
        %dma_wait3A_153 = tpu.memref_slice %arg13[%dma_wait3A_151, %dma_wait3A_152] : memref<4096x128xf32, #tpu.memory_space<vmem_shared>> -> memref<128x128xf32, #tpu.memory_space<vmem_shared>>
        %dma_wait3A_154 = arith.constant 0 : i32
        %dma_wait3A_155 = arith.constant 0 : i32
        %dma_wait3A_156 = tpu.memref_slice %arg13[%dma_wait3A_154, %dma_wait3A_155] : memref<4096x128xf32, #tpu.memory_space<vmem_shared>> -> memref<128x128xf32, #tpu.memory_space<vmem_shared>>
        tpu.wait_dma2 semaphore(%arg21 : memref<!tpu.dma_semaphore, #tpu.memory_space<semaphore_mem>>) src(%arg12 : memref<128x128xf32, #tpu.memory_space<vmem>>) dst(%dma_wait3A_156 : memref<128x128xf32, #tpu.memory_space<vmem_shared>>)
      } else {
      }
      %add3A_81 = arith.constant 3 : i32
      %add3A_82 = arith.addi %add3A_66, %add3A_81 : i32
      %dma_start3A_83 = arith.constant 0 : i32
      %dma_start3A_84 = tpu.memref_slice %arg7[%add3A_82, %dma_start3A_83] : memref<64x128xi32, #tpu.memory_space<vmem>> -> memref<1x128xi32, #tpu.memory_space<vmem>>
      %dma_start3A_85 = tpu.memref_squeeze %dma_start3A_84 : memref<1x128xi32, #tpu.memory_space<vmem>> -> memref<128xi32, #tpu.memory_space<vmem>>
      %dma_start3A_86 = arith.constant 0 : i32
      %dma_start3A_87 = arith.constant 0 : i32
      %dma_start3A_88 = tpu.memref_slice %arg4[%dma_start3A_86, %dma_start3A_87] : memref<4096x128xf32, #tpu.memory_space<hbm>> -> memref<4096x128xf32, #tpu.memory_space<hbm>>
      tpu.enqueue_indirect_dma source(%dma_start3A_88 : memref<4096x128xf32, #tpu.memory_space<hbm>>) target(%arg12 : memref<128x128xf32, #tpu.memory_space<vmem>>) offsets(%dma_start3A_85 : memref<128xi32, #tpu.memory_space<vmem>>) semaphore(%arg17 : memref<!tpu.dma_semaphore, #tpu.memory_space<semaphore_mem>>)
      %mul3A_89 = arith.constant 4 : i32
      %mul3A_90 = arith.muli %mul3A_89, %scan3A_62 : i32
      %add3A_91 = arith.constant 1 : i32
      %add3A_92 = arith.addi %mul3A_90, %add3A_91 : i32
      %dma_wait3A_93 = arith.constant 0 : i32
      %dma_wait3A_94 = arith.constant 0 : i32
      %dma_wait3A_95 = tpu.memref_slice %arg4[%dma_wait3A_93, %dma_wait3A_94] : memref<4096x128xf32, #tpu.memory_space<hbm>> -> memref<128x128xf32, #tpu.memory_space<hbm>>
      %dma_wait3A_96 = arith.constant 0 : i32
      %dma_wait3A_97 = arith.constant 0 : i32
      %dma_wait3A_98 = tpu.memref_slice %arg4[%dma_wait3A_96, %dma_wait3A_97] : memref<4096x128xf32, #tpu.memory_space<hbm>> -> memref<128x128xf32, #tpu.memory_space<hbm>>
      tpu.wait_dma2 semaphore(%arg15 : memref<!tpu.dma_semaphore, #tpu.memory_space<semaphore_mem>>) src(%dma_wait3A_98 : memref<128x128xf32, #tpu.memory_space<hbm>>) dst(%arg10 : memref<128x128xf32, #tpu.memory_space<vmem>>)
      %dma_start3A_99 = arith.constant 0 : i32
      %dma_start3A_100 = tpu.memref_slice %arg8[%add3A_92, %dma_start3A_99] : memref<64x128xi32, #tpu.memory_space<vmem>> -> memref<1x128xi32, #tpu.memory_space<vmem>>
      %dma_start3A_101 = tpu.memref_squeeze %dma_start3A_100 : memref<1x128xi32, #tpu.memory_space<vmem>> -> memref<128xi32, #tpu.memory_space<vmem>>
      %dma_start3A_102 = arith.constant 0 : i32
      %dma_start3A_103 = arith.constant 0 : i32
      %dma_start3A_104 = tpu.memref_slice %arg13[%dma_start3A_102, %dma_start3A_103] : memref<4096x128xf32, #tpu.memory_space<vmem_shared>> -> memref<4096x128xf32, #tpu.memory_space<vmem_shared>>
      tpu.enqueue_indirect_dma source(%arg10 : memref<128x128xf32, #tpu.memory_space<vmem>>) target(%dma_start3A_104 : memref<4096x128xf32, #tpu.memory_space<vmem_shared>>) offsets(%dma_start3A_101 : memref<128xi32, #tpu.memory_space<vmem>>) semaphore(%arg19 : memref<!tpu.dma_semaphore, #tpu.memory_space<semaphore_mem>>) {add = true}
      %lt3A = arith.constant 15 : i32
      %lt3A_105 = arith.cmpi slt, %scan3A_62, %lt3A : i32
      %convert_element_type3A_106 = arith.extui %lt3A_105 : i1 to i32
      %cond3A_107 = arith.constant 0 : i32
      %cond3A_108 = arith.cmpi ne, %convert_element_type3A_106, %cond3A_107 : i32
      scf.if %cond3A_108 {
        %dma_wait3A_151 = arith.constant 0 : i32
        %dma_wait3A_152 = arith.constant 0 : i32
        %dma_wait3A_153 = tpu.memref_slice %arg13[%dma_wait3A_151, %dma_wait3A_152] : memref<4096x128xf32, #tpu.memory_space<vmem_shared>> -> memref<128x128xf32, #tpu.memory_space<vmem_shared>>
        %dma_wait3A_154 = arith.constant 0 : i32
        %dma_wait3A_155 = arith.constant 0 : i32
        %dma_wait3A_156 = tpu.memref_slice %arg13[%dma_wait3A_154, %dma_wait3A_155] : memref<4096x128xf32, #tpu.memory_space<vmem_shared>> -> memref<128x128xf32, #tpu.memory_space<vmem_shared>>
        tpu.wait_dma2 semaphore(%arg18 : memref<!tpu.dma_semaphore, #tpu.memory_space<semaphore_mem>>) src(%arg9 : memref<128x128xf32, #tpu.memory_space<vmem>>) dst(%dma_wait3A_156 : memref<128x128xf32, #tpu.memory_space<vmem_shared>>)
        %add3A_157 = arith.constant 3 : i32
        %add3A_158 = arith.addi %add3A_92, %add3A_157 : i32
        %dma_start3A_159 = arith.constant 0 : i32
        %dma_start3A_160 = tpu.memref_slice %arg7[%add3A_158, %dma_start3A_159] : memref<64x128xi32, #tpu.memory_space<vmem>> -> memref<1x128xi32, #tpu.memory_space<vmem>>
        %dma_start3A_161 = tpu.memref_squeeze %dma_start3A_160 : memref<1x128xi32, #tpu.memory_space<vmem>> -> memref<128xi32, #tpu.memory_space<vmem>>
        %dma_start3A_162 = arith.constant 0 : i32
        %dma_start3A_163 = arith.constant 0 : i32
        %dma_start3A_164 = tpu.memref_slice %arg4[%dma_start3A_162, %dma_start3A_163] : memref<4096x128xf32, #tpu.memory_space<hbm>> -> memref<4096x128xf32, #tpu.memory_space<hbm>>
        tpu.enqueue_indirect_dma source(%dma_start3A_164 : memref<4096x128xf32, #tpu.memory_space<hbm>>) target(%arg9 : memref<128x128xf32, #tpu.memory_space<vmem>>) offsets(%dma_start3A_161 : memref<128xi32, #tpu.memory_space<vmem>>) semaphore(%arg14 : memref<!tpu.dma_semaphore, #tpu.memory_space<semaphore_mem>>)
      } else {
      }
      %mul3A_109 = arith.constant 4 : i32
      %mul3A_110 = arith.muli %mul3A_109, %scan3A_62 : i32
      %add3A_111 = arith.constant 2 : i32
      %add3A_112 = arith.addi %mul3A_110, %add3A_111 : i32
      %dma_wait3A_113 = arith.constant 0 : i32
      %dma_wait3A_114 = arith.constant 0 : i32
      %dma_wait3A_115 = tpu.memref_slice %arg4[%dma_wait3A_113, %dma_wait3A_114] : memref<4096x128xf32, #tpu.memory_space<hbm>> -> memref<128x128xf32, #tpu.memory_space<hbm>>
      %dma_wait3A_116 = arith.constant 0 : i32
      %dma_wait3A_117 = arith.constant 0 : i32
      %dma_wait3A_118 = tpu.memref_slice %arg4[%dma_wait3A_116, %dma_wait3A_117] : memref<4096x128xf32, #tpu.memory_space<hbm>> -> memref<128x128xf32, #tpu.memory_space<hbm>>
      tpu.wait_dma2 semaphore(%arg16 : memref<!tpu.dma_semaphore, #tpu.memory_space<semaphore_mem>>) src(%dma_wait3A_118 : memref<128x128xf32, #tpu.memory_space<hbm>>) dst(%arg11 : memref<128x128xf32, #tpu.memory_space<vmem>>)
      %dma_start3A_119 = arith.constant 0 : i32
      %dma_start3A_120 = tpu.memref_slice %arg8[%add3A_112, %dma_start3A_119] : memref<64x128xi32, #tpu.memory_space<vmem>> -> memref<1x128xi32, #tpu.memory_space<vmem>>
      %dma_start3A_121 = tpu.memref_squeeze %dma_start3A_120 : memref<1x128xi32, #tpu.memory_space<vmem>> -> memref<128xi32, #tpu.memory_space<vmem>>
      %dma_start3A_122 = arith.constant 0 : i32
      %dma_start3A_123 = arith.constant 0 : i32
      %dma_start3A_124 = tpu.memref_slice %arg13[%dma_start3A_122, %dma_start3A_123] : memref<4096x128xf32, #tpu.memory_space<vmem_shared>> -> memref<4096x128xf32, #tpu.memory_space<vmem_shared>>
      tpu.enqueue_indirect_dma source(%arg11 : memref<128x128xf32, #tpu.memory_space<vmem>>) target(%dma_start3A_124 : memref<4096x128xf32, #tpu.memory_space<vmem_shared>>) offsets(%dma_start3A_121 : memref<128xi32, #tpu.memory_space<vmem>>) semaphore(%arg20 : memref<!tpu.dma_semaphore, #tpu.memory_space<semaphore_mem>>) {add = true}
      %lt3A_125 = arith.constant 15 : i32
      %lt3A_126 = arith.cmpi slt, %scan3A_62, %lt3A_125 : i32
      %convert_element_type3A_127 = arith.extui %lt3A_126 : i1 to i32
      %cond3A_128 = arith.constant 0 : i32
      %cond3A_129 = arith.cmpi ne, %convert_element_type3A_127, %cond3A_128 : i32
      scf.if %cond3A_129 {
        %dma_wait3A_151 = arith.constant 0 : i32
        %dma_wait3A_152 = arith.constant 0 : i32
        %dma_wait3A_153 = tpu.memref_slice %arg13[%dma_wait3A_151, %dma_wait3A_152] : memref<4096x128xf32, #tpu.memory_space<vmem_shared>> -> memref<128x128xf32, #tpu.memory_space<vmem_shared>>
        %dma_wait3A_154 = arith.constant 0 : i32
        %dma_wait3A_155 = arith.constant 0 : i32
        %dma_wait3A_156 = tpu.memref_slice %arg13[%dma_wait3A_154, %dma_wait3A_155] : memref<4096x128xf32, #tpu.memory_space<vmem_shared>> -> memref<128x128xf32, #tpu.memory_space<vmem_shared>>
        tpu.wait_dma2 semaphore(%arg19 : memref<!tpu.dma_semaphore, #tpu.memory_space<semaphore_mem>>) src(%arg10 : memref<128x128xf32, #tpu.memory_space<vmem>>) dst(%dma_wait3A_156 : memref<128x128xf32, #tpu.memory_space<vmem_shared>>)
        %add3A_157 = arith.constant 3 : i32
        %add3A_158 = arith.addi %add3A_112, %add3A_157 : i32
        %dma_start3A_159 = arith.constant 0 : i32
        %dma_start3A_160 = tpu.memref_slice %arg7[%add3A_158, %dma_start3A_159] : memref<64x128xi32, #tpu.memory_space<vmem>> -> memref<1x128xi32, #tpu.memory_space<vmem>>
        %dma_start3A_161 = tpu.memref_squeeze %dma_start3A_160 : memref<1x128xi32, #tpu.memory_space<vmem>> -> memref<128xi32, #tpu.memory_space<vmem>>
        %dma_start3A_162 = arith.constant 0 : i32
        %dma_start3A_163 = arith.constant 0 : i32
        %dma_start3A_164 = tpu.memref_slice %arg4[%dma_start3A_162, %dma_start3A_163] : memref<4096x128xf32, #tpu.memory_space<hbm>> -> memref<4096x128xf32, #tpu.memory_space<hbm>>
        tpu.enqueue_indirect_dma source(%dma_start3A_164 : memref<4096x128xf32, #tpu.memory_space<hbm>>) target(%arg10 : memref<128x128xf32, #tpu.memory_space<vmem>>) offsets(%dma_start3A_161 : memref<128xi32, #tpu.memory_space<vmem>>) semaphore(%arg15 : memref<!tpu.dma_semaphore, #tpu.memory_space<semaphore_mem>>)
      } else {
      }
      %mul3A_130 = arith.constant 4 : i32
      %mul3A_131 = arith.muli %mul3A_130, %scan3A_62 : i32
      %add3A_132 = arith.constant 3 : i32
      %add3A_133 = arith.addi %mul3A_131, %add3A_132 : i32
      %dma_wait3A_134 = arith.constant 0 : i32
      %dma_wait3A_135 = arith.constant 0 : i32
      %dma_wait3A_136 = tpu.memref_slice %arg4[%dma_wait3A_134, %dma_wait3A_135] : memref<4096x128xf32, #tpu.memory_space<hbm>> -> memref<128x128xf32, #tpu.memory_space<hbm>>
      %dma_wait3A_137 = arith.constant 0 : i32
      %dma_wait3A_138 = arith.constant 0 : i32
      %dma_wait3A_139 = tpu.memref_slice %arg4[%dma_wait3A_137, %dma_wait3A_138] : memref<4096x128xf32, #tpu.memory_space<hbm>> -> memref<128x128xf32, #tpu.memory_space<hbm>>
      tpu.wait_dma2 semaphore(%arg17 : memref<!tpu.dma_semaphore, #tpu.memory_space<semaphore_mem>>) src(%dma_wait3A_139 : memref<128x128xf32, #tpu.memory_space<hbm>>) dst(%arg12 : memref<128x128xf32, #tpu.memory_space<vmem>>)
      %dma_start3A_140 = arith.constant 0 : i32
      %dma_start3A_141 = tpu.memref_slice %arg8[%add3A_133, %dma_start3A_140] : memref<64x128xi32, #tpu.memory_space<vmem>> -> memref<1x128xi32, #tpu.memory_space<vmem>>
      %dma_start3A_142 = tpu.memref_squeeze %dma_start3A_141 : memref<1x128xi32, #tpu.memory_space<vmem>> -> memref<128xi32, #tpu.memory_space<vmem>>
      %dma_start3A_143 = arith.constant 0 : i32
      %dma_start3A_144 = arith.constant 0 : i32
      %dma_start3A_145 = tpu.memref_slice %arg13[%dma_start3A_143, %dma_start3A_144] : memref<4096x128xf32, #tpu.memory_space<vmem_shared>> -> memref<4096x128xf32, #tpu.memory_space<vmem_shared>>
      tpu.enqueue_indirect_dma source(%arg12 : memref<128x128xf32, #tpu.memory_space<vmem>>) target(%dma_start3A_145 : memref<4096x128xf32, #tpu.memory_space<vmem_shared>>) offsets(%dma_start3A_142 : memref<128xi32, #tpu.memory_space<vmem>>) semaphore(%arg21 : memref<!tpu.dma_semaphore, #tpu.memory_space<semaphore_mem>>) {add = true}
      %lt3A_146 = arith.constant 15 : i32
      %lt3A_147 = arith.cmpi slt, %scan3A_62, %lt3A_146 : i32
      %convert_element_type3A_148 = arith.extui %lt3A_147 : i1 to i32
      %cond3A_149 = arith.constant 0 : i32
      %cond3A_150 = arith.cmpi ne, %convert_element_type3A_148, %cond3A_149 : i32
      scf.if %cond3A_150 {
        %dma_wait3A_151 = arith.constant 0 : i32
        %dma_wait3A_152 = arith.constant 0 : i32
        %dma_wait3A_153 = tpu.memref_slice %arg13[%dma_wait3A_151, %dma_wait3A_152] : memref<4096x128xf32, #tpu.memory_space<vmem_shared>> -> memref<128x128xf32, #tpu.memory_space<vmem_shared>>
        %dma_wait3A_154 = arith.constant 0 : i32
        %dma_wait3A_155 = arith.constant 0 : i32
        %dma_wait3A_156 = tpu.memref_slice %arg13[%dma_wait3A_154, %dma_wait3A_155] : memref<4096x128xf32, #tpu.memory_space<vmem_shared>> -> memref<128x128xf32, #tpu.memory_space<vmem_shared>>
        tpu.wait_dma2 semaphore(%arg20 : memref<!tpu.dma_semaphore, #tpu.memory_space<semaphore_mem>>) src(%arg11 : memref<128x128xf32, #tpu.memory_space<vmem>>) dst(%dma_wait3A_156 : memref<128x128xf32, #tpu.memory_space<vmem_shared>>)
        %add3A_157 = arith.constant 3 : i32
        %add3A_158 = arith.addi %add3A_133, %add3A_157 : i32
        %dma_start3A_159 = arith.constant 0 : i32
        %dma_start3A_160 = tpu.memref_slice %arg7[%add3A_158, %dma_start3A_159] : memref<64x128xi32, #tpu.memory_space<vmem>> -> memref<1x128xi32, #tpu.memory_space<vmem>>
        %dma_start3A_161 = tpu.memref_squeeze %dma_start3A_160 : memref<1x128xi32, #tpu.memory_space<vmem>> -> memref<128xi32, #tpu.memory_space<vmem>>
        %dma_start3A_162 = arith.constant 0 : i32
        %dma_start3A_163 = arith.constant 0 : i32
        %dma_start3A_164 = tpu.memref_slice %arg4[%dma_start3A_162, %dma_start3A_163] : memref<4096x128xf32, #tpu.memory_space<hbm>> -> memref<4096x128xf32, #tpu.memory_space<hbm>>
        tpu.enqueue_indirect_dma source(%dma_start3A_164 : memref<4096x128xf32, #tpu.memory_space<hbm>>) target(%arg11 : memref<128x128xf32, #tpu.memory_space<vmem>>) offsets(%dma_start3A_161 : memref<128xi32, #tpu.memory_space<vmem>>) semaphore(%arg16 : memref<!tpu.dma_semaphore, #tpu.memory_space<semaphore_mem>>)
      } else {
      }
    }
    %scan3A_33 = arith.constant 16 : i32
    %dma_wait3A = arith.constant 0 : i32
    %dma_wait3A_34 = arith.constant 0 : i32
    %dma_wait3A_35 = tpu.memref_slice %arg13[%dma_wait3A, %dma_wait3A_34] : memref<4096x128xf32, #tpu.memory_space<vmem_shared>> -> memref<128x128xf32, #tpu.memory_space<vmem_shared>>
    %dma_wait3A_36 = arith.constant 0 : i32
    %dma_wait3A_37 = arith.constant 0 : i32
    %dma_wait3A_38 = tpu.memref_slice %arg13[%dma_wait3A_36, %dma_wait3A_37] : memref<4096x128xf32, #tpu.memory_space<vmem_shared>> -> memref<128x128xf32, #tpu.memory_space<vmem_shared>>
    tpu.wait_dma2 semaphore(%arg18 : memref<!tpu.dma_semaphore, #tpu.memory_space<semaphore_mem>>) src(%arg9 : memref<128x128xf32, #tpu.memory_space<vmem>>) dst(%dma_wait3A_38 : memref<128x128xf32, #tpu.memory_space<vmem_shared>>)
    %dma_wait3A_39 = arith.constant 0 : i32
    %dma_wait3A_40 = arith.constant 0 : i32
    %dma_wait3A_41 = tpu.memref_slice %arg13[%dma_wait3A_39, %dma_wait3A_40] : memref<4096x128xf32, #tpu.memory_space<vmem_shared>> -> memref<128x128xf32, #tpu.memory_space<vmem_shared>>
    %dma_wait3A_42 = arith.constant 0 : i32
    %dma_wait3A_43 = arith.constant 0 : i32
    %dma_wait3A_44 = tpu.memref_slice %arg13[%dma_wait3A_42, %dma_wait3A_43] : memref<4096x128xf32, #tpu.memory_space<vmem_shared>> -> memref<128x128xf32, #tpu.memory_space<vmem_shared>>
    tpu.wait_dma2 semaphore(%arg19 : memref<!tpu.dma_semaphore, #tpu.memory_space<semaphore_mem>>) src(%arg10 : memref<128x128xf32, #tpu.memory_space<vmem>>) dst(%dma_wait3A_44 : memref<128x128xf32, #tpu.memory_space<vmem_shared>>)
    %dma_wait3A_45 = arith.constant 0 : i32
    %dma_wait3A_46 = arith.constant 0 : i32
    %dma_wait3A_47 = tpu.memref_slice %arg13[%dma_wait3A_45, %dma_wait3A_46] : memref<4096x128xf32, #tpu.memory_space<vmem_shared>> -> memref<128x128xf32, #tpu.memory_space<vmem_shared>>
    %dma_wait3A_48 = arith.constant 0 : i32
    %dma_wait3A_49 = arith.constant 0 : i32
    %dma_wait3A_50 = tpu.memref_slice %arg13[%dma_wait3A_48, %dma_wait3A_49] : memref<4096x128xf32, #tpu.memory_space<vmem_shared>> -> memref<128x128xf32, #tpu.memory_space<vmem_shared>>
    tpu.wait_dma2 semaphore(%arg20 : memref<!tpu.dma_semaphore, #tpu.memory_space<semaphore_mem>>) src(%arg11 : memref<128x128xf32, #tpu.memory_space<vmem>>) dst(%dma_wait3A_50 : memref<128x128xf32, #tpu.memory_space<vmem_shared>>)
    %dma_wait3A_51 = arith.constant 0 : i32
    %dma_wait3A_52 = arith.constant 0 : i32
    %dma_wait3A_53 = tpu.memref_slice %arg13[%dma_wait3A_51, %dma_wait3A_52] : memref<4096x128xf32, #tpu.memory_space<vmem_shared>> -> memref<128x128xf32, #tpu.memory_space<vmem_shared>>
    %dma_wait3A_54 = arith.constant 0 : i32
    %dma_wait3A_55 = arith.constant 0 : i32
    %dma_wait3A_56 = tpu.memref_slice %arg13[%dma_wait3A_54, %dma_wait3A_55] : memref<4096x128xf32, #tpu.memory_space<vmem_shared>> -> memref<128x128xf32, #tpu.memory_space<vmem_shared>>
    tpu.wait_dma2 semaphore(%arg21 : memref<!tpu.dma_semaphore, #tpu.memory_space<semaphore_mem>>) src(%arg12 : memref<128x128xf32, #tpu.memory_space<vmem>>) dst(%dma_wait3A_56 : memref<128x128xf32, #tpu.memory_space<vmem_shared>>)
    %barrier3A_57 = arith.constant 0 : index
    tpu.barrier barrier_id(%barrier3A_57)
    %mul3A_58 = arith.constant 256 : i32
    %mul3A_59 = arith.muli %arg1, %mul3A_58 : i32
    %mul3A_60 = arith.constant 256 : i32
    %mul3A_61 = arith.muli %arg1, %mul3A_60 : i32
    "tpu.region"() ({
      %run_scoped3A = tpu.sem_alloc : memref<!tpu.dma_semaphore, #tpu.memory_space<semaphore_mem>>
      %dma_start3A_62 = arith.constant 0 : i32
      %dma_start3A_63 = tpu.memref_slice %arg6[%arg0, %mul3A_61, %dma_start3A_62] : memref<2x4096x128xf32, #tpu.memory_space<hbm>> -> memref<1x256x128xf32, #tpu.memory_space<hbm>>
      %dma_start3A_64 = tpu.memref_squeeze %dma_start3A_63 : memref<1x256x128xf32, #tpu.memory_space<hbm>> -> memref<256x128xf32, #tpu.memory_space<hbm>>
      %dma_start3A_65 = arith.constant 0 : i32
      %dma_start3A_66 = tpu.memref_slice %arg13[%mul3A_59, %dma_start3A_65] : memref<4096x128xf32, #tpu.memory_space<vmem_shared>> -> memref<256x128xf32, #tpu.memory_space<vmem_shared>>
      tpu.enqueue_dma source(%dma_start3A_66 : memref<256x128xf32, #tpu.memory_space<vmem_shared>>) target(%dma_start3A_64 : memref<256x128xf32, #tpu.memory_space<hbm>>) target_semaphore(%run_scoped3A : memref<!tpu.dma_semaphore, #tpu.memory_space<semaphore_mem>>)
      %dma_wait3A_67 = arith.constant 0 : i32
      %dma_wait3A_68 = tpu.memref_slice %arg6[%arg0, %mul3A_61, %dma_wait3A_67] : memref<2x4096x128xf32, #tpu.memory_space<hbm>> -> memref<1x256x128xf32, #tpu.memory_space<hbm>>
      %dma_wait3A_69 = tpu.memref_squeeze %dma_wait3A_68 : memref<1x256x128xf32, #tpu.memory_space<hbm>> -> memref<256x128xf32, #tpu.memory_space<hbm>>
      %dma_wait3A_70 = arith.constant 0 : i32
      %dma_wait3A_71 = tpu.memref_slice %arg13[%mul3A_59, %dma_wait3A_70] : memref<4096x128xf32, #tpu.memory_space<vmem_shared>> -> memref<256x128xf32, #tpu.memory_space<vmem_shared>>
      tpu.wait_dma2 semaphore(%run_scoped3A : memref<!tpu.dma_semaphore, #tpu.memory_space<semaphore_mem>>) src(%dma_wait3A_71 : memref<256x128xf32, #tpu.memory_space<vmem_shared>>) dst(%dma_wait3A_69 : memref<256x128xf32, #tpu.memory_space<hbm>>)
      tpu.yield
    }) : () -> ()
    return
  }
}

#map = affine_map<(d0, d1) -> (0, 0)>
#map1 = affine_map<(d0, d1) -> (0)>
module attributes {stable_mosaic.version = 14 : i64} {
  func.func @_deg_body(%arg0: i32, %arg1: i32, %arg2: memref<2048x128xi32, #tpu.memory_space<hbm>>, %arg3: memref<4096xf32, #tpu.memory_space<hbm>>, %arg4: memref<2x4096xf32, #tpu.memory_space<hbm>>, %arg5: memref<64x128xi32, #tpu.memory_space<vmem>>, %arg6: memref<128xf32, #tpu.memory_space<vmem>>, %arg7: memref<4096xf32, #tpu.memory_space<vmem_shared>>, %arg8: memref<!tpu.dma_semaphore, #tpu.memory_space<semaphore_mem>>) attributes {dimension_semantics = [#tpu.dimension_semantics<core_parallel>, #tpu.dimension_semantics<subcore_parallel>], iteration_bounds = array<i64: 2, 16>, scalar_prefetch = 0 : i64, scratch_operands = 4 : i64, tpu.core_type = #tpu.core_type<sc_vector_subcore>, window_params = [{transform_indices = #map}, {transform_indices = #map1}, {transform_indices = #map}]} {
    %mul3A = arith.constant 16 : i32
    %mul3A_0 = arith.muli %arg0, %mul3A : i32
    %add3A = arith.addi %mul3A_0, %arg1 : i32
    %mul3A_1 = arith.constant 64 : i32
    %mul3A_2 = arith.muli %add3A, %mul3A_1 : i32
    "tpu.region"() ({
      %run_scoped3A = tpu.sem_alloc : memref<!tpu.dma_semaphore, #tpu.memory_space<semaphore_mem>>
      %dma_start3A = arith.constant 0 : i32
      %dma_start3A_63 = tpu.memref_slice %arg2[%mul3A_2, %dma_start3A] : memref<2048x128xi32, #tpu.memory_space<hbm>> -> memref<64x128xi32, #tpu.memory_space<hbm>>
      %dma_start3A_64 = arith.constant 0 : i32
      %dma_start3A_65 = tpu.memref_slice %arg2[%mul3A_2, %dma_start3A_64] : memref<2048x128xi32, #tpu.memory_space<hbm>> -> memref<64x128xi32, #tpu.memory_space<hbm>>
      tpu.enqueue_dma source(%dma_start3A_65 : memref<64x128xi32, #tpu.memory_space<hbm>>) target(%arg5 : memref<64x128xi32, #tpu.memory_space<vmem>>) target_semaphore(%run_scoped3A : memref<!tpu.dma_semaphore, #tpu.memory_space<semaphore_mem>>)
      %dma_wait3A = arith.constant 0 : i32
      %dma_wait3A_66 = tpu.memref_slice %arg2[%mul3A_2, %dma_wait3A] : memref<2048x128xi32, #tpu.memory_space<hbm>> -> memref<64x128xi32, #tpu.memory_space<hbm>>
      %dma_wait3A_67 = arith.constant 0 : i32
      %dma_wait3A_68 = tpu.memref_slice %arg2[%mul3A_2, %dma_wait3A_67] : memref<2048x128xi32, #tpu.memory_space<hbm>> -> memref<64x128xi32, #tpu.memory_space<hbm>>
      tpu.wait_dma2 semaphore(%run_scoped3A : memref<!tpu.dma_semaphore, #tpu.memory_space<semaphore_mem>>) src(%dma_wait3A_68 : memref<64x128xi32, #tpu.memory_space<hbm>>) dst(%arg5 : memref<64x128xi32, #tpu.memory_space<vmem>>)
      tpu.yield
    }) : () -> ()
    %broadcast_in_dim3A = arith.constant 1.000000e+00 : f32
    %broadcast_in_dim3A_3 = vector.broadcast %broadcast_in_dim3A : f32 to vector<16xf32>
    %swap3A = arith.constant 0 : index
    %swap3A_4 = tpu.vector_load %arg6[%swap3A] {strides = array<i32>} : memref<128xf32, #tpu.memory_space<vmem>>, vector<16xf32>,
    %swap3A_5 = vector.shape_cast %swap3A_4 : vector<16xf32> to vector<16xf32>
    %swap3A_6 = vector.shape_cast %broadcast_in_dim3A_3 : vector<16xf32> to vector<16xf32>
    tpu.vector_store %arg6[%swap3A], %swap3A_6 {strides = array<i32>} : memref<128xf32, #tpu.memory_space<vmem>>, vector<16xf32>,
    %broadcast_in_dim3A_7 = arith.constant 1.000000e+00 : f32
    %broadcast_in_dim3A_8 = vector.broadcast %broadcast_in_dim3A_7 : f32 to vector<16xf32>
    %swap3A_9 = arith.constant 16 : index
    %swap3A_10 = tpu.vector_load %arg6[%swap3A_9] {strides = array<i32>} : memref<128xf32, #tpu.memory_space<vmem>>, vector<16xf32>,
    %swap3A_11 = vector.shape_cast %swap3A_10 : vector<16xf32> to vector<16xf32>
    %swap3A_12 = vector.shape_cast %broadcast_in_dim3A_8 : vector<16xf32> to vector<16xf32>
    tpu.vector_store %arg6[%swap3A_9], %swap3A_12 {strides = array<i32>} : memref<128xf32, #tpu.memory_space<vmem>>, vector<16xf32>,
    %broadcast_in_dim3A_13 = arith.constant 1.000000e+00 : f32
    %broadcast_in_dim3A_14 = vector.broadcast %broadcast_in_dim3A_13 : f32 to vector<16xf32>
    %swap3A_15 = arith.constant 32 : index
    %swap3A_16 = tpu.vector_load %arg6[%swap3A_15] {strides = array<i32>} : memref<128xf32, #tpu.memory_space<vmem>>, vector<16xf32>,
    %swap3A_17 = vector.shape_cast %swap3A_16 : vector<16xf32> to vector<16xf32>
    %swap3A_18 = vector.shape_cast %broadcast_in_dim3A_14 : vector<16xf32> to vector<16xf32>
    tpu.vector_store %arg6[%swap3A_15], %swap3A_18 {strides = array<i32>} : memref<128xf32, #tpu.memory_space<vmem>>, vector<16xf32>,
    %broadcast_in_dim3A_19 = arith.constant 1.000000e+00 : f32
    %broadcast_in_dim3A_20 = vector.broadcast %broadcast_in_dim3A_19 : f32 to vector<16xf32>
    %swap3A_21 = arith.constant 48 : index
    %swap3A_22 = tpu.vector_load %arg6[%swap3A_21] {strides = array<i32>} : memref<128xf32, #tpu.memory_space<vmem>>, vector<16xf32>,
    %swap3A_23 = vector.shape_cast %swap3A_22 : vector<16xf32> to vector<16xf32>
    %swap3A_24 = vector.shape_cast %broadcast_in_dim3A_20 : vector<16xf32> to vector<16xf32>
    tpu.vector_store %arg6[%swap3A_21], %swap3A_24 {strides = array<i32>} : memref<128xf32, #tpu.memory_space<vmem>>, vector<16xf32>,
    %broadcast_in_dim3A_25 = arith.constant 1.000000e+00 : f32
    %broadcast_in_dim3A_26 = vector.broadcast %broadcast_in_dim3A_25 : f32 to vector<16xf32>
    %swap3A_27 = arith.constant 64 : index
    %swap3A_28 = tpu.vector_load %arg6[%swap3A_27] {strides = array<i32>} : memref<128xf32, #tpu.memory_space<vmem>>, vector<16xf32>,
    %swap3A_29 = vector.shape_cast %swap3A_28 : vector<16xf32> to vector<16xf32>
    %swap3A_30 = vector.shape_cast %broadcast_in_dim3A_26 : vector<16xf32> to vector<16xf32>
    tpu.vector_store %arg6[%swap3A_27], %swap3A_30 {strides = array<i32>} : memref<128xf32, #tpu.memory_space<vmem>>, vector<16xf32>,
    %broadcast_in_dim3A_31 = arith.constant 1.000000e+00 : f32
    %broadcast_in_dim3A_32 = vector.broadcast %broadcast_in_dim3A_31 : f32 to vector<16xf32>
    %swap3A_33 = arith.constant 80 : index
    %swap3A_34 = tpu.vector_load %arg6[%swap3A_33] {strides = array<i32>} : memref<128xf32, #tpu.memory_space<vmem>>, vector<16xf32>,
    %swap3A_35 = vector.shape_cast %swap3A_34 : vector<16xf32> to vector<16xf32>
    %swap3A_36 = vector.shape_cast %broadcast_in_dim3A_32 : vector<16xf32> to vector<16xf32>
    tpu.vector_store %arg6[%swap3A_33], %swap3A_36 {strides = array<i32>} : memref<128xf32, #tpu.memory_space<vmem>>, vector<16xf32>,
    %broadcast_in_dim3A_37 = arith.constant 1.000000e+00 : f32
    %broadcast_in_dim3A_38 = vector.broadcast %broadcast_in_dim3A_37 : f32 to vector<16xf32>
    %swap3A_39 = arith.constant 96 : index
    %swap3A_40 = tpu.vector_load %arg6[%swap3A_39] {strides = array<i32>} : memref<128xf32, #tpu.memory_space<vmem>>, vector<16xf32>,
    %swap3A_41 = vector.shape_cast %swap3A_40 : vector<16xf32> to vector<16xf32>
    %swap3A_42 = vector.shape_cast %broadcast_in_dim3A_38 : vector<16xf32> to vector<16xf32>
    tpu.vector_store %arg6[%swap3A_39], %swap3A_42 {strides = array<i32>} : memref<128xf32, #tpu.memory_space<vmem>>, vector<16xf32>,
    %broadcast_in_dim3A_43 = arith.constant 1.000000e+00 : f32
    %broadcast_in_dim3A_44 = vector.broadcast %broadcast_in_dim3A_43 : f32 to vector<16xf32>
    %swap3A_45 = arith.constant 112 : index
    %swap3A_46 = tpu.vector_load %arg6[%swap3A_45] {strides = array<i32>} : memref<128xf32, #tpu.memory_space<vmem>>, vector<16xf32>,
    %swap3A_47 = vector.shape_cast %swap3A_46 : vector<16xf32> to vector<16xf32>
    %swap3A_48 = vector.shape_cast %broadcast_in_dim3A_44 : vector<16xf32> to vector<16xf32>
    tpu.vector_store %arg6[%swap3A_45], %swap3A_48 {strides = array<i32>} : memref<128xf32, #tpu.memory_space<vmem>>, vector<16xf32>,
    %mul3A_49 = arith.constant 256 : i32
    %mul3A_50 = arith.muli %arg1, %mul3A_49 : i32
    %mul3A_51 = arith.constant 256 : i32
    %mul3A_52 = arith.muli %arg1, %mul3A_51 : i32
    "tpu.region"() ({
      %run_scoped3A = tpu.sem_alloc : memref<!tpu.dma_semaphore, #tpu.memory_space<semaphore_mem>>
      %dma_start3A = tpu.memref_slice %arg7[%mul3A_52] : memref<4096xf32, #tpu.memory_space<vmem_shared>> -> memref<256xf32, #tpu.memory_space<vmem_shared>>
      %dma_start3A_63 = tpu.memref_slice %arg3[%mul3A_50] : memref<4096xf32, #tpu.memory_space<hbm>> -> memref<256xf32, #tpu.memory_space<hbm>>
      tpu.enqueue_dma source(%dma_start3A_63 : memref<256xf32, #tpu.memory_space<hbm>>) target(%dma_start3A : memref<256xf32, #tpu.memory_space<vmem_shared>>) target_semaphore(%run_scoped3A : memref<!tpu.dma_semaphore, #tpu.memory_space<semaphore_mem>>)
      %dma_wait3A = tpu.memref_slice %arg7[%mul3A_52] : memref<4096xf32, #tpu.memory_space<vmem_shared>> -> memref<256xf32, #tpu.memory_space<vmem_shared>>
      %dma_wait3A_64 = tpu.memref_slice %arg3[%mul3A_50] : memref<4096xf32, #tpu.memory_space<hbm>> -> memref<256xf32, #tpu.memory_space<hbm>>
      tpu.wait_dma2 semaphore(%run_scoped3A : memref<!tpu.dma_semaphore, #tpu.memory_space<semaphore_mem>>) src(%dma_wait3A_64 : memref<256xf32, #tpu.memory_space<hbm>>) dst(%dma_wait3A : memref<256xf32, #tpu.memory_space<vmem_shared>>)
      tpu.yield
    }) : () -> ()
    %barrier3A = arith.constant 0 : index
    tpu.barrier barrier_id(%barrier3A)
    %scan3A = arith.constant 0 : i32
    %scan3A_53 = arith.constant 0 : i32
    %scan3A_54 = arith.constant 8 : i32
    %scan3A_55 = arith.addi %scan3A_53, %scan3A_54 : i32
    %scan3A_56 = arith.constant 1 : i32
    scf.for %scan3A_63 = %scan3A_53 to %scan3A_55 step %scan3A_56  : i32 {
      %mul3A_64 = arith.constant 8 : i32
      %mul3A_65 = arith.muli %mul3A_64, %scan3A_63 : i32
      %add3A_66 = arith.constant 0 : i32
      %add3A_67 = arith.addi %mul3A_65, %add3A_66 : i32
      %dma_start3A = arith.constant 0 : i32
      %dma_start3A_68 = tpu.memref_slice %arg5[%add3A_67, %dma_start3A] : memref<64x128xi32, #tpu.memory_space<vmem>> -> memref<1x128xi32, #tpu.memory_space<vmem>>
      %dma_start3A_69 = tpu.memref_squeeze %dma_start3A_68 : memref<1x128xi32, #tpu.memory_space<vmem>> -> memref<128xi32, #tpu.memory_space<vmem>>
      %dma_start3A_70 = arith.constant 0 : i32
      %dma_start3A_71 = tpu.memref_slice %arg7[%dma_start3A_70] : memref<4096xf32, #tpu.memory_space<vmem_shared>> -> memref<4096xf32, #tpu.memory_space<vmem_shared>>
      tpu.enqueue_indirect_dma source(%arg6 : memref<128xf32, #tpu.memory_space<vmem>>) target(%dma_start3A_71 : memref<4096xf32, #tpu.memory_space<vmem_shared>>) offsets(%dma_start3A_69 : memref<128xi32, #tpu.memory_space<vmem>>) semaphore(%arg8 : memref<!tpu.dma_semaphore, #tpu.memory_space<semaphore_mem>>) {add = true}
      %mul3A_72 = arith.constant 8 : i32
      %mul3A_73 = arith.muli %mul3A_72, %scan3A_63 : i32
      %add3A_74 = arith.constant 1 : i32
      %add3A_75 = arith.addi %mul3A_73, %add3A_74 : i32
      %dma_start3A_76 = arith.constant 0 : i32
      %dma_start3A_77 = tpu.memref_slice %arg5[%add3A_75, %dma_start3A_76] : memref<64x128xi32, #tpu.memory_space<vmem>> -> memref<1x128xi32, #tpu.memory_space<vmem>>
      %dma_start3A_78 = tpu.memref_squeeze %dma_start3A_77 : memref<1x128xi32, #tpu.memory_space<vmem>> -> memref<128xi32, #tpu.memory_space<vmem>>
      %dma_start3A_79 = arith.constant 0 : i32
      %dma_start3A_80 = tpu.memref_slice %arg7[%dma_start3A_79] : memref<4096xf32, #tpu.memory_space<vmem_shared>> -> memref<4096xf32, #tpu.memory_space<vmem_shared>>
      tpu.enqueue_indirect_dma source(%arg6 : memref<128xf32, #tpu.memory_space<vmem>>) target(%dma_start3A_80 : memref<4096xf32, #tpu.memory_space<vmem_shared>>) offsets(%dma_start3A_78 : memref<128xi32, #tpu.memory_space<vmem>>) semaphore(%arg8 : memref<!tpu.dma_semaphore, #tpu.memory_space<semaphore_mem>>) {add = true}
      %mul3A_81 = arith.constant 8 : i32
      %mul3A_82 = arith.muli %mul3A_81, %scan3A_63 : i32
      %add3A_83 = arith.constant 2 : i32
      %add3A_84 = arith.addi %mul3A_82, %add3A_83 : i32
      %dma_start3A_85 = arith.constant 0 : i32
      %dma_start3A_86 = tpu.memref_slice %arg5[%add3A_84, %dma_start3A_85] : memref<64x128xi32, #tpu.memory_space<vmem>> -> memref<1x128xi32, #tpu.memory_space<vmem>>
      %dma_start3A_87 = tpu.memref_squeeze %dma_start3A_86 : memref<1x128xi32, #tpu.memory_space<vmem>> -> memref<128xi32, #tpu.memory_space<vmem>>
      %dma_start3A_88 = arith.constant 0 : i32
      %dma_start3A_89 = tpu.memref_slice %arg7[%dma_start3A_88] : memref<4096xf32, #tpu.memory_space<vmem_shared>> -> memref<4096xf32, #tpu.memory_space<vmem_shared>>
      tpu.enqueue_indirect_dma source(%arg6 : memref<128xf32, #tpu.memory_space<vmem>>) target(%dma_start3A_89 : memref<4096xf32, #tpu.memory_space<vmem_shared>>) offsets(%dma_start3A_87 : memref<128xi32, #tpu.memory_space<vmem>>) semaphore(%arg8 : memref<!tpu.dma_semaphore, #tpu.memory_space<semaphore_mem>>) {add = true}
      %mul3A_90 = arith.constant 8 : i32
      %mul3A_91 = arith.muli %mul3A_90, %scan3A_63 : i32
      %add3A_92 = arith.constant 3 : i32
      %add3A_93 = arith.addi %mul3A_91, %add3A_92 : i32
      %dma_start3A_94 = arith.constant 0 : i32
      %dma_start3A_95 = tpu.memref_slice %arg5[%add3A_93, %dma_start3A_94] : memref<64x128xi32, #tpu.memory_space<vmem>> -> memref<1x128xi32, #tpu.memory_space<vmem>>
      %dma_start3A_96 = tpu.memref_squeeze %dma_start3A_95 : memref<1x128xi32, #tpu.memory_space<vmem>> -> memref<128xi32, #tpu.memory_space<vmem>>
      %dma_start3A_97 = arith.constant 0 : i32
      %dma_start3A_98 = tpu.memref_slice %arg7[%dma_start3A_97] : memref<4096xf32, #tpu.memory_space<vmem_shared>> -> memref<4096xf32, #tpu.memory_space<vmem_shared>>
      tpu.enqueue_indirect_dma source(%arg6 : memref<128xf32, #tpu.memory_space<vmem>>) target(%dma_start3A_98 : memref<4096xf32, #tpu.memory_space<vmem_shared>>) offsets(%dma_start3A_96 : memref<128xi32, #tpu.memory_space<vmem>>) semaphore(%arg8 : memref<!tpu.dma_semaphore, #tpu.memory_space<semaphore_mem>>) {add = true}
      %mul3A_99 = arith.constant 8 : i32
      %mul3A_100 = arith.muli %mul3A_99, %scan3A_63 : i32
      %add3A_101 = arith.constant 4 : i32
      %add3A_102 = arith.addi %mul3A_100, %add3A_101 : i32
      %dma_start3A_103 = arith.constant 0 : i32
      %dma_start3A_104 = tpu.memref_slice %arg5[%add3A_102, %dma_start3A_103] : memref<64x128xi32, #tpu.memory_space<vmem>> -> memref<1x128xi32, #tpu.memory_space<vmem>>
      %dma_start3A_105 = tpu.memref_squeeze %dma_start3A_104 : memref<1x128xi32, #tpu.memory_space<vmem>> -> memref<128xi32, #tpu.memory_space<vmem>>
      %dma_start3A_106 = arith.constant 0 : i32
      %dma_start3A_107 = tpu.memref_slice %arg7[%dma_start3A_106] : memref<4096xf32, #tpu.memory_space<vmem_shared>> -> memref<4096xf32, #tpu.memory_space<vmem_shared>>
      tpu.enqueue_indirect_dma source(%arg6 : memref<128xf32, #tpu.memory_space<vmem>>) target(%dma_start3A_107 : memref<4096xf32, #tpu.memory_space<vmem_shared>>) offsets(%dma_start3A_105 : memref<128xi32, #tpu.memory_space<vmem>>) semaphore(%arg8 : memref<!tpu.dma_semaphore, #tpu.memory_space<semaphore_mem>>) {add = true}
      %mul3A_108 = arith.constant 8 : i32
      %mul3A_109 = arith.muli %mul3A_108, %scan3A_63 : i32
      %add3A_110 = arith.constant 5 : i32
      %add3A_111 = arith.addi %mul3A_109, %add3A_110 : i32
      %dma_start3A_112 = arith.constant 0 : i32
      %dma_start3A_113 = tpu.memref_slice %arg5[%add3A_111, %dma_start3A_112] : memref<64x128xi32, #tpu.memory_space<vmem>> -> memref<1x128xi32, #tpu.memory_space<vmem>>
      %dma_start3A_114 = tpu.memref_squeeze %dma_start3A_113 : memref<1x128xi32, #tpu.memory_space<vmem>> -> memref<128xi32, #tpu.memory_space<vmem>>
      %dma_start3A_115 = arith.constant 0 : i32
      %dma_start3A_116 = tpu.memref_slice %arg7[%dma_start3A_115] : memref<4096xf32, #tpu.memory_space<vmem_shared>> -> memref<4096xf32, #tpu.memory_space<vmem_shared>>
      tpu.enqueue_indirect_dma source(%arg6 : memref<128xf32, #tpu.memory_space<vmem>>) target(%dma_start3A_116 : memref<4096xf32, #tpu.memory_space<vmem_shared>>) offsets(%dma_start3A_114 : memref<128xi32, #tpu.memory_space<vmem>>) semaphore(%arg8 : memref<!tpu.dma_semaphore, #tpu.memory_space<semaphore_mem>>) {add = true}
      %mul3A_117 = arith.constant 8 : i32
      %mul3A_118 = arith.muli %mul3A_117, %scan3A_63 : i32
      %add3A_119 = arith.constant 6 : i32
      %add3A_120 = arith.addi %mul3A_118, %add3A_119 : i32
      %dma_start3A_121 = arith.constant 0 : i32
      %dma_start3A_122 = tpu.memref_slice %arg5[%add3A_120, %dma_start3A_121] : memref<64x128xi32, #tpu.memory_space<vmem>> -> memref<1x128xi32, #tpu.memory_space<vmem>>
      %dma_start3A_123 = tpu.memref_squeeze %dma_start3A_122 : memref<1x128xi32, #tpu.memory_space<vmem>> -> memref<128xi32, #tpu.memory_space<vmem>>
      %dma_start3A_124 = arith.constant 0 : i32
      %dma_start3A_125 = tpu.memref_slice %arg7[%dma_start3A_124] : memref<4096xf32, #tpu.memory_space<vmem_shared>> -> memref<4096xf32, #tpu.memory_space<vmem_shared>>
      tpu.enqueue_indirect_dma source(%arg6 : memref<128xf32, #tpu.memory_space<vmem>>) target(%dma_start3A_125 : memref<4096xf32, #tpu.memory_space<vmem_shared>>) offsets(%dma_start3A_123 : memref<128xi32, #tpu.memory_space<vmem>>) semaphore(%arg8 : memref<!tpu.dma_semaphore, #tpu.memory_space<semaphore_mem>>) {add = true}
      %mul3A_126 = arith.constant 8 : i32
      %mul3A_127 = arith.muli %mul3A_126, %scan3A_63 : i32
      %add3A_128 = arith.constant 7 : i32
      %add3A_129 = arith.addi %mul3A_127, %add3A_128 : i32
      %dma_start3A_130 = arith.constant 0 : i32
      %dma_start3A_131 = tpu.memref_slice %arg5[%add3A_129, %dma_start3A_130] : memref<64x128xi32, #tpu.memory_space<vmem>> -> memref<1x128xi32, #tpu.memory_space<vmem>>
      %dma_start3A_132 = tpu.memref_squeeze %dma_start3A_131 : memref<1x128xi32, #tpu.memory_space<vmem>> -> memref<128xi32, #tpu.memory_space<vmem>>
      %dma_start3A_133 = arith.constant 0 : i32
      %dma_start3A_134 = tpu.memref_slice %arg7[%dma_start3A_133] : memref<4096xf32, #tpu.memory_space<vmem_shared>> -> memref<4096xf32, #tpu.memory_space<vmem_shared>>
      tpu.enqueue_indirect_dma source(%arg6 : memref<128xf32, #tpu.memory_space<vmem>>) target(%dma_start3A_134 : memref<4096xf32, #tpu.memory_space<vmem_shared>>) offsets(%dma_start3A_132 : memref<128xi32, #tpu.memory_space<vmem>>) semaphore(%arg8 : memref<!tpu.dma_semaphore, #tpu.memory_space<semaphore_mem>>) {add = true}
      %dma_wait3A = arith.constant 0 : i32
      %dma_wait3A_135 = tpu.memref_slice %arg7[%dma_wait3A] : memref<4096xf32, #tpu.memory_space<vmem_shared>> -> memref<128xf32, #tpu.memory_space<vmem_shared>>
      %dma_wait3A_136 = arith.constant 0 : i32
      %dma_wait3A_137 = tpu.memref_slice %arg7[%dma_wait3A_136] : memref<4096xf32, #tpu.memory_space<vmem_shared>> -> memref<128xf32, #tpu.memory_space<vmem_shared>>
      tpu.wait_dma2 semaphore(%arg8 : memref<!tpu.dma_semaphore, #tpu.memory_space<semaphore_mem>>) src(%arg6 : memref<128xf32, #tpu.memory_space<vmem>>) dst(%dma_wait3A_137 : memref<128xf32, #tpu.memory_space<vmem_shared>>)
      %dma_wait3A_138 = arith.constant 0 : i32
      %dma_wait3A_139 = tpu.memref_slice %arg7[%dma_wait3A_138] : memref<4096xf32, #tpu.memory_space<vmem_shared>> -> memref<128xf32, #tpu.memory_space<vmem_shared>>
      %dma_wait3A_140 = arith.constant 0 : i32
      %dma_wait3A_141 = tpu.memref_slice %arg7[%dma_wait3A_140] : memref<4096xf32, #tpu.memory_space<vmem_shared>> -> memref<128xf32, #tpu.memory_space<vmem_shared>>
      tpu.wait_dma2 semaphore(%arg8 : memref<!tpu.dma_semaphore, #tpu.memory_space<semaphore_mem>>) src(%arg6 : memref<128xf32, #tpu.memory_space<vmem>>) dst(%dma_wait3A_141 : memref<128xf32, #tpu.memory_space<vmem_shared>>)
      %dma_wait3A_142 = arith.constant 0 : i32
      %dma_wait3A_143 = tpu.memref_slice %arg7[%dma_wait3A_142] : memref<4096xf32, #tpu.memory_space<vmem_shared>> -> memref<128xf32, #tpu.memory_space<vmem_shared>>
      %dma_wait3A_144 = arith.constant 0 : i32
      %dma_wait3A_145 = tpu.memref_slice %arg7[%dma_wait3A_144] : memref<4096xf32, #tpu.memory_space<vmem_shared>> -> memref<128xf32, #tpu.memory_space<vmem_shared>>
      tpu.wait_dma2 semaphore(%arg8 : memref<!tpu.dma_semaphore, #tpu.memory_space<semaphore_mem>>) src(%arg6 : memref<128xf32, #tpu.memory_space<vmem>>) dst(%dma_wait3A_145 : memref<128xf32, #tpu.memory_space<vmem_shared>>)
      %dma_wait3A_146 = arith.constant 0 : i32
      %dma_wait3A_147 = tpu.memref_slice %arg7[%dma_wait3A_146] : memref<4096xf32, #tpu.memory_space<vmem_shared>> -> memref<128xf32, #tpu.memory_space<vmem_shared>>
      %dma_wait3A_148 = arith.constant 0 : i32
      %dma_wait3A_149 = tpu.memref_slice %arg7[%dma_wait3A_148] : memref<4096xf32, #tpu.memory_space<vmem_shared>> -> memref<128xf32, #tpu.memory_space<vmem_shared>>
      tpu.wait_dma2 semaphore(%arg8 : memref<!tpu.dma_semaphore, #tpu.memory_space<semaphore_mem>>) src(%arg6 : memref<128xf32, #tpu.memory_space<vmem>>) dst(%dma_wait3A_149 : memref<128xf32, #tpu.memory_space<vmem_shared>>)
      %dma_wait3A_150 = arith.constant 0 : i32
      %dma_wait3A_151 = tpu.memref_slice %arg7[%dma_wait3A_150] : memref<4096xf32, #tpu.memory_space<vmem_shared>> -> memref<128xf32, #tpu.memory_space<vmem_shared>>
      %dma_wait3A_152 = arith.constant 0 : i32
      %dma_wait3A_153 = tpu.memref_slice %arg7[%dma_wait3A_152] : memref<4096xf32, #tpu.memory_space<vmem_shared>> -> memref<128xf32, #tpu.memory_space<vmem_shared>>
      tpu.wait_dma2 semaphore(%arg8 : memref<!tpu.dma_semaphore, #tpu.memory_space<semaphore_mem>>) src(%arg6 : memref<128xf32, #tpu.memory_space<vmem>>) dst(%dma_wait3A_153 : memref<128xf32, #tpu.memory_space<vmem_shared>>)
      %dma_wait3A_154 = arith.constant 0 : i32
      %dma_wait3A_155 = tpu.memref_slice %arg7[%dma_wait3A_154] : memref<4096xf32, #tpu.memory_space<vmem_shared>> -> memref<128xf32, #tpu.memory_space<vmem_shared>>
      %dma_wait3A_156 = arith.constant 0 : i32
      %dma_wait3A_157 = tpu.memref_slice %arg7[%dma_wait3A_156] : memref<4096xf32, #tpu.memory_space<vmem_shared>> -> memref<128xf32, #tpu.memory_space<vmem_shared>>
      tpu.wait_dma2 semaphore(%arg8 : memref<!tpu.dma_semaphore, #tpu.memory_space<semaphore_mem>>) src(%arg6 : memref<128xf32, #tpu.memory_space<vmem>>) dst(%dma_wait3A_157 : memref<128xf32, #tpu.memory_space<vmem_shared>>)
      %dma_wait3A_158 = arith.constant 0 : i32
      %dma_wait3A_159 = tpu.memref_slice %arg7[%dma_wait3A_158] : memref<4096xf32, #tpu.memory_space<vmem_shared>> -> memref<128xf32, #tpu.memory_space<vmem_shared>>
      %dma_wait3A_160 = arith.constant 0 : i32
      %dma_wait3A_161 = tpu.memref_slice %arg7[%dma_wait3A_160] : memref<4096xf32, #tpu.memory_space<vmem_shared>> -> memref<128xf32, #tpu.memory_space<vmem_shared>>
      tpu.wait_dma2 semaphore(%arg8 : memref<!tpu.dma_semaphore, #tpu.memory_space<semaphore_mem>>) src(%arg6 : memref<128xf32, #tpu.memory_space<vmem>>) dst(%dma_wait3A_161 : memref<128xf32, #tpu.memory_space<vmem_shared>>)
      %dma_wait3A_162 = arith.constant 0 : i32
      %dma_wait3A_163 = tpu.memref_slice %arg7[%dma_wait3A_162] : memref<4096xf32, #tpu.memory_space<vmem_shared>> -> memref<128xf32, #tpu.memory_space<vmem_shared>>
      %dma_wait3A_164 = arith.constant 0 : i32
      %dma_wait3A_165 = tpu.memref_slice %arg7[%dma_wait3A_164] : memref<4096xf32, #tpu.memory_space<vmem_shared>> -> memref<128xf32, #tpu.memory_space<vmem_shared>>
      tpu.wait_dma2 semaphore(%arg8 : memref<!tpu.dma_semaphore, #tpu.memory_space<semaphore_mem>>) src(%arg6 : memref<128xf32, #tpu.memory_space<vmem>>) dst(%dma_wait3A_165 : memref<128xf32, #tpu.memory_space<vmem_shared>>)
    }
    %scan3A_57 = arith.constant 8 : i32
    %barrier3A_58 = arith.constant 0 : index
    tpu.barrier barrier_id(%barrier3A_58)
    %mul3A_59 = arith.constant 256 : i32
    %mul3A_60 = arith.muli %arg1, %mul3A_59 : i32
    %mul3A_61 = arith.constant 256 : i32
    %mul3A_62 = arith.muli %arg1, %mul3A_61 : i32
    "tpu.region"() ({
      %run_scoped3A = tpu.sem_alloc : memref<!tpu.dma_semaphore, #tpu.memory_space<semaphore_mem>>
      %dma_start3A = tpu.memref_slice %arg4[%arg0, %mul3A_62] : memref<2x4096xf32, #tpu.memory_space<hbm>> -> memref<1x256xf32, #tpu.memory_space<hbm>>
      %dma_start3A_63 = tpu.memref_squeeze %dma_start3A : memref<1x256xf32, #tpu.memory_space<hbm>> -> memref<256xf32, #tpu.memory_space<hbm>>
      %dma_start3A_64 = tpu.memref_slice %arg7[%mul3A_60] : memref<4096xf32, #tpu.memory_space<vmem_shared>> -> memref<256xf32, #tpu.memory_space<vmem_shared>>
      tpu.enqueue_dma source(%dma_start3A_64 : memref<256xf32, #tpu.memory_space<vmem_shared>>) target(%dma_start3A_63 : memref<256xf32, #tpu.memory_space<hbm>>) target_semaphore(%run_scoped3A : memref<!tpu.dma_semaphore, #tpu.memory_space<semaphore_mem>>)
      %dma_wait3A = tpu.memref_slice %arg4[%arg0, %mul3A_62] : memref<2x4096xf32, #tpu.memory_space<hbm>> -> memref<1x256xf32, #tpu.memory_space<hbm>>
      %dma_wait3A_65 = tpu.memref_squeeze %dma_wait3A : memref<1x256xf32, #tpu.memory_space<hbm>> -> memref<256xf32, #tpu.memory_space<hbm>>
      %dma_wait3A_66 = tpu.memref_slice %arg7[%mul3A_60] : memref<4096xf32, #tpu.memory_space<vmem_shared>> -> memref<256xf32, #tpu.memory_space<vmem_shared>>
      tpu.wait_dma2 semaphore(%run_scoped3A : memref<!tpu.dma_semaphore, #tpu.memory_space<semaphore_mem>>) src(%dma_wait3A_66 : memref<256xf32, #tpu.memory_space<vmem_shared>>) dst(%dma_wait3A_65 : memref<256xf32, #tpu.memory_space<hbm>>)
      tpu.yield
    }) : () -> ()
    return
  }
}

#map = affine_map<(d0, d1) -> (0, 0)>
#map1 = affine_map<(d0, d1) -> (0, 0, 0)>
module attributes {stable_mosaic.version = 14 : i64} {
  func.func @_scatter_body(%arg0: i32, %arg1: i32, %arg2: memref<2048x128xi32, #tpu.memory_space<hbm>>, %arg3: memref<2048x128xi32, #tpu.memory_space<hbm>>, %arg4: memref<4096x128xf32, #tpu.memory_space<hbm>>, %arg5: memref<4096x128xf32, #tpu.memory_space<hbm>>, %arg6: memref<2x4096x128xf32, #tpu.memory_space<hbm>>, %arg7: memref<64x128xi32, #tpu.memory_space<vmem>>, %arg8: memref<64x128xi32, #tpu.memory_space<vmem>>, %arg9: memref<128x128xf32, #tpu.memory_space<vmem>>, %arg10: memref<128x128xf32, #tpu.memory_space<vmem>>, %arg11: memref<128x128xf32, #tpu.memory_space<vmem>>, %arg12: memref<128x128xf32, #tpu.memory_space<vmem>>, %arg13: memref<4096x128xf32, #tpu.memory_space<vmem_shared>>, %arg14: memref<!tpu.dma_semaphore, #tpu.memory_space<semaphore_mem>>, %arg15: memref<!tpu.dma_semaphore, #tpu.memory_space<semaphore_mem>>, %arg16: memref<!tpu.dma_semaphore, #tpu.memory_space<semaphore_mem>>, %arg17: memref<!tpu.dma_semaphore, #tpu.memory_space<semaphore_mem>>, %arg18: memref<!tpu.dma_semaphore, #tpu.memory_space<semaphore_mem>>, %arg19: memref<!tpu.dma_semaphore, #tpu.memory_space<semaphore_mem>>, %arg20: memref<!tpu.dma_semaphore, #tpu.memory_space<semaphore_mem>>, %arg21: memref<!tpu.dma_semaphore, #tpu.memory_space<semaphore_mem>>) attributes {dimension_semantics = [#tpu.dimension_semantics<core_parallel>, #tpu.dimension_semantics<subcore_parallel>], iteration_bounds = array<i64: 2, 16>, scalar_prefetch = 0 : i64, scratch_operands = 15 : i64, tpu.core_type = #tpu.core_type<sc_vector_subcore>, window_params = [{transform_indices = #map}, {transform_indices = #map}, {transform_indices = #map}, {transform_indices = #map}, {transform_indices = #map1}]} {
    %mul3A = arith.constant 16 : i32
    %mul3A_0 = arith.muli %arg0, %mul3A : i32
    %add3A = arith.addi %mul3A_0, %arg1 : i32
    %mul3A_1 = arith.constant 64 : i32
    %mul3A_2 = arith.muli %add3A, %mul3A_1 : i32
    "tpu.region"() ({
      %run_scoped3A = tpu.sem_alloc : memref<!tpu.dma_semaphore, #tpu.memory_space<semaphore_mem>>
      %dma_start3A_62 = arith.constant 0 : i32
      %dma_start3A_63 = tpu.memref_slice %arg2[%mul3A_2, %dma_start3A_62] : memref<2048x128xi32, #tpu.memory_space<hbm>> -> memref<64x128xi32, #tpu.memory_space<hbm>>
      %dma_start3A_64 = arith.constant 0 : i32
      %dma_start3A_65 = tpu.memref_slice %arg2[%mul3A_2, %dma_start3A_64] : memref<2048x128xi32, #tpu.memory_space<hbm>> -> memref<64x128xi32, #tpu.memory_space<hbm>>
      tpu.enqueue_dma source(%dma_start3A_65 : memref<64x128xi32, #tpu.memory_space<hbm>>) target(%arg7 : memref<64x128xi32, #tpu.memory_space<vmem>>) target_semaphore(%run_scoped3A : memref<!tpu.dma_semaphore, #tpu.memory_space<semaphore_mem>>)
      %dma_wait3A_66 = arith.constant 0 : i32
      %dma_wait3A_67 = tpu.memref_slice %arg2[%mul3A_2, %dma_wait3A_66] : memref<2048x128xi32, #tpu.memory_space<hbm>> -> memref<64x128xi32, #tpu.memory_space<hbm>>
      %dma_wait3A_68 = arith.constant 0 : i32
      %dma_wait3A_69 = tpu.memref_slice %arg2[%mul3A_2, %dma_wait3A_68] : memref<2048x128xi32, #tpu.memory_space<hbm>> -> memref<64x128xi32, #tpu.memory_space<hbm>>
      tpu.wait_dma2 semaphore(%run_scoped3A : memref<!tpu.dma_semaphore, #tpu.memory_space<semaphore_mem>>) src(%dma_wait3A_69 : memref<64x128xi32, #tpu.memory_space<hbm>>) dst(%arg7 : memref<64x128xi32, #tpu.memory_space<vmem>>)
      tpu.yield
    }) : () -> ()
    %mul3A_3 = arith.constant 64 : i32
    %mul3A_4 = arith.muli %add3A, %mul3A_3 : i32
    "tpu.region"() ({
      %run_scoped3A = tpu.sem_alloc : memref<!tpu.dma_semaphore, #tpu.memory_space<semaphore_mem>>
      %dma_start3A_62 = arith.constant 0 : i32
      %dma_start3A_63 = tpu.memref_slice %arg3[%mul3A_4, %dma_start3A_62] : memref<2048x128xi32, #tpu.memory_space<hbm>> -> memref<64x128xi32, #tpu.memory_space<hbm>>
      %dma_start3A_64 = arith.constant 0 : i32
      %dma_start3A_65 = tpu.memref_slice %arg3[%mul3A_4, %dma_start3A_64] : memref<2048x128xi32, #tpu.memory_space<hbm>> -> memref<64x128xi32, #tpu.memory_space<hbm>>
      tpu.enqueue_dma source(%dma_start3A_65 : memref<64x128xi32, #tpu.memory_space<hbm>>) target(%arg8 : memref<64x128xi32, #tpu.memory_space<vmem>>) target_semaphore(%run_scoped3A : memref<!tpu.dma_semaphore, #tpu.memory_space<semaphore_mem>>)
      %dma_wait3A_66 = arith.constant 0 : i32
      %dma_wait3A_67 = tpu.memref_slice %arg3[%mul3A_4, %dma_wait3A_66] : memref<2048x128xi32, #tpu.memory_space<hbm>> -> memref<64x128xi32, #tpu.memory_space<hbm>>
      %dma_wait3A_68 = arith.constant 0 : i32
      %dma_wait3A_69 = tpu.memref_slice %arg3[%mul3A_4, %dma_wait3A_68] : memref<2048x128xi32, #tpu.memory_space<hbm>> -> memref<64x128xi32, #tpu.memory_space<hbm>>
      tpu.wait_dma2 semaphore(%run_scoped3A : memref<!tpu.dma_semaphore, #tpu.memory_space<semaphore_mem>>) src(%dma_wait3A_69 : memref<64x128xi32, #tpu.memory_space<hbm>>) dst(%arg8 : memref<64x128xi32, #tpu.memory_space<vmem>>)
      tpu.yield
    }) : () -> ()
    %mul3A_5 = arith.constant 256 : i32
    %mul3A_6 = arith.muli %arg1, %mul3A_5 : i32
    %mul3A_7 = arith.constant 256 : i32
    %mul3A_8 = arith.muli %arg1, %mul3A_7 : i32
    "tpu.region"() ({
      %run_scoped3A = tpu.sem_alloc : memref<!tpu.dma_semaphore, #tpu.memory_space<semaphore_mem>>
      %dma_start3A_62 = arith.constant 0 : i32
      %dma_start3A_63 = tpu.memref_slice %arg13[%mul3A_8, %dma_start3A_62] : memref<4096x128xf32, #tpu.memory_space<vmem_shared>> -> memref<256x128xf32, #tpu.memory_space<vmem_shared>>
      %dma_start3A_64 = arith.constant 0 : i32
      %dma_start3A_65 = tpu.memref_slice %arg5[%mul3A_6, %dma_start3A_64] : memref<4096x128xf32, #tpu.memory_space<hbm>> -> memref<256x128xf32, #tpu.memory_space<hbm>>
      tpu.enqueue_dma source(%dma_start3A_65 : memref<256x128xf32, #tpu.memory_space<hbm>>) target(%dma_start3A_63 : memref<256x128xf32, #tpu.memory_space<vmem_shared>>) target_semaphore(%run_scoped3A : memref<!tpu.dma_semaphore, #tpu.memory_space<semaphore_mem>>)
      %dma_wait3A_66 = arith.constant 0 : i32
      %dma_wait3A_67 = tpu.memref_slice %arg13[%mul3A_8, %dma_wait3A_66] : memref<4096x128xf32, #tpu.memory_space<vmem_shared>> -> memref<256x128xf32, #tpu.memory_space<vmem_shared>>
      %dma_wait3A_68 = arith.constant 0 : i32
      %dma_wait3A_69 = tpu.memref_slice %arg5[%mul3A_6, %dma_wait3A_68] : memref<4096x128xf32, #tpu.memory_space<hbm>> -> memref<256x128xf32, #tpu.memory_space<hbm>>
      tpu.wait_dma2 semaphore(%run_scoped3A : memref<!tpu.dma_semaphore, #tpu.memory_space<semaphore_mem>>) src(%dma_wait3A_69 : memref<256x128xf32, #tpu.memory_space<hbm>>) dst(%dma_wait3A_67 : memref<256x128xf32, #tpu.memory_space<vmem_shared>>)
      tpu.yield
    }) : () -> ()
    %barrier3A = arith.constant 0 : index
    tpu.barrier barrier_id(%barrier3A)
    %dma_start3A = arith.constant 0 : i32
    %dma_start3A_9 = arith.constant 0 : i32
    %dma_start3A_10 = tpu.memref_slice %arg7[%dma_start3A, %dma_start3A_9] : memref<64x128xi32, #tpu.memory_space<vmem>> -> memref<1x128xi32, #tpu.memory_space<vmem>>
    %dma_start3A_11 = tpu.memref_squeeze %dma_start3A_10 : memref<1x128xi32, #tpu.memory_space<vmem>> -> memref<128xi32, #tpu.memory_space<vmem>>
    %dma_start3A_12 = arith.constant 0 : i32
    %dma_start3A_13 = arith.constant 0 : i32
    %dma_start3A_14 = tpu.memref_slice %arg4[%dma_start3A_12, %dma_start3A_13] : memref<4096x128xf32, #tpu.memory_space<hbm>> -> memref<4096x128xf32, #tpu.memory_space<hbm>>
    tpu.enqueue_indirect_dma source(%dma_start3A_14 : memref<4096x128xf32, #tpu.memory_space<hbm>>) target(%arg9 : memref<128x128xf32, #tpu.memory_space<vmem>>) offsets(%dma_start3A_11 : memref<128xi32, #tpu.memory_space<vmem>>) semaphore(%arg14 : memref<!tpu.dma_semaphore, #tpu.memory_space<semaphore_mem>>)
    %dma_start3A_15 = arith.constant 1 : i32
    %dma_start3A_16 = arith.constant 0 : i32
    %dma_start3A_17 = tpu.memref_slice %arg7[%dma_start3A_15, %dma_start3A_16] : memref<64x128xi32, #tpu.memory_space<vmem>> -> memref<1x128xi32, #tpu.memory_space<vmem>>
    %dma_start3A_18 = tpu.memref_squeeze %dma_start3A_17 : memref<1x128xi32, #tpu.memory_space<vmem>> -> memref<128xi32, #tpu.memory_space<vmem>>
    %dma_start3A_19 = arith.constant 0 : i32
    %dma_start3A_20 = arith.constant 0 : i32
    %dma_start3A_21 = tpu.memref_slice %arg4[%dma_start3A_19, %dma_start3A_20] : memref<4096x128xf32, #tpu.memory_space<hbm>> -> memref<4096x128xf32, #tpu.memory_space<hbm>>
    tpu.enqueue_indirect_dma source(%dma_start3A_21 : memref<4096x128xf32, #tpu.memory_space<hbm>>) target(%arg10 : memref<128x128xf32, #tpu.memory_space<vmem>>) offsets(%dma_start3A_18 : memref<128xi32, #tpu.memory_space<vmem>>) semaphore(%arg15 : memref<!tpu.dma_semaphore, #tpu.memory_space<semaphore_mem>>)
    %dma_start3A_22 = arith.constant 2 : i32
    %dma_start3A_23 = arith.constant 0 : i32
    %dma_start3A_24 = tpu.memref_slice %arg7[%dma_start3A_22, %dma_start3A_23] : memref<64x128xi32, #tpu.memory_space<vmem>> -> memref<1x128xi32, #tpu.memory_space<vmem>>
    %dma_start3A_25 = tpu.memref_squeeze %dma_start3A_24 : memref<1x128xi32, #tpu.memory_space<vmem>> -> memref<128xi32, #tpu.memory_space<vmem>>
    %dma_start3A_26 = arith.constant 0 : i32
    %dma_start3A_27 = arith.constant 0 : i32
    %dma_start3A_28 = tpu.memref_slice %arg4[%dma_start3A_26, %dma_start3A_27] : memref<4096x128xf32, #tpu.memory_space<hbm>> -> memref<4096x128xf32, #tpu.memory_space<hbm>>
    tpu.enqueue_indirect_dma source(%dma_start3A_28 : memref<4096x128xf32, #tpu.memory_space<hbm>>) target(%arg11 : memref<128x128xf32, #tpu.memory_space<vmem>>) offsets(%dma_start3A_25 : memref<128xi32, #tpu.memory_space<vmem>>) semaphore(%arg16 : memref<!tpu.dma_semaphore, #tpu.memory_space<semaphore_mem>>)
    %scan3A = arith.constant 0 : i32
    %scan3A_29 = arith.constant 0 : i32
    %scan3A_30 = arith.constant 16 : i32
    %scan3A_31 = arith.addi %scan3A_29, %scan3A_30 : i32
    %scan3A_32 = arith.constant 1 : i32
    scf.for %scan3A_62 = %scan3A_29 to %scan3A_31 step %scan3A_32  : i32 {
      %mul3A_63 = arith.constant 4 : i32
      %mul3A_64 = arith.muli %mul3A_63, %scan3A_62 : i32
      %add3A_65 = arith.constant 0 : i32
      %add3A_66 = arith.addi %mul3A_64, %add3A_65 : i32
      %dma_wait3A_67 = arith.constant 0 : i32
      %dma_wait3A_68 = arith.constant 0 : i32
      %dma_wait3A_69 = tpu.memref_slice %arg4[%dma_wait3A_67, %dma_wait3A_68] : memref<4096x128xf32, #tpu.memory_space<hbm>> -> memref<128x128xf32, #tpu.memory_space<hbm>>
      %dma_wait3A_70 = arith.constant 0 : i32
      %dma_wait3A_71 = arith.constant 0 : i32
      %dma_wait3A_72 = tpu.memref_slice %arg4[%dma_wait3A_70, %dma_wait3A_71] : memref<4096x128xf32, #tpu.memory_space<hbm>> -> memref<128x128xf32, #tpu.memory_space<hbm>>
      tpu.wait_dma2 semaphore(%arg14 : memref<!tpu.dma_semaphore, #tpu.memory_space<semaphore_mem>>) src(%dma_wait3A_72 : memref<128x128xf32, #tpu.memory_space<hbm>>) dst(%arg9 : memref<128x128xf32, #tpu.memory_space<vmem>>)
      %dma_start3A_73 = arith.constant 0 : i32
      %dma_start3A_74 = tpu.memref_slice %arg8[%add3A_66, %dma_start3A_73] : memref<64x128xi32, #tpu.memory_space<vmem>> -> memref<1x128xi32, #tpu.memory_space<vmem>>
      %dma_start3A_75 = tpu.memref_squeeze %dma_start3A_74 : memref<1x128xi32, #tpu.memory_space<vmem>> -> memref<128xi32, #tpu.memory_space<vmem>>
      %dma_start3A_76 = arith.constant 0 : i32
      %dma_start3A_77 = arith.constant 0 : i32
      %dma_start3A_78 = tpu.memref_slice %arg13[%dma_start3A_76, %dma_start3A_77] : memref<4096x128xf32, #tpu.memory_space<vmem_shared>> -> memref<4096x128xf32, #tpu.memory_space<vmem_shared>>
      tpu.enqueue_indirect_dma source(%arg9 : memref<128x128xf32, #tpu.memory_space<vmem>>) target(%dma_start3A_78 : memref<4096x128xf32, #tpu.memory_space<vmem_shared>>) offsets(%dma_start3A_75 : memref<128xi32, #tpu.memory_space<vmem>>) semaphore(%arg18 : memref<!tpu.dma_semaphore, #tpu.memory_space<semaphore_mem>>) {add = true}
      %gt3A = arith.constant 0 : i32
      %gt3A_79 = arith.cmpi sgt, %scan3A_62, %gt3A : i32
      %convert_element_type3A = arith.extui %gt3A_79 : i1 to i32
      %cond3A = arith.constant 0 : i32
      %cond3A_80 = arith.cmpi ne, %convert_element_type3A, %cond3A : i32
      scf.if %cond3A_80 {
        %dma_wait3A_151 = arith.constant 0 : i32
        %dma_wait3A_152 = arith.constant 0 : i32
        %dma_wait3A_153 = tpu.memref_slice %arg13[%dma_wait3A_151, %dma_wait3A_152] : memref<4096x128xf32, #tpu.memory_space<vmem_shared>> -> memref<128x128xf32, #tpu.memory_space<vmem_shared>>
        %dma_wait3A_154 = arith.constant 0 : i32
        %dma_wait3A_155 = arith.constant 0 : i32
        %dma_wait3A_156 = tpu.memref_slice %arg13[%dma_wait3A_154, %dma_wait3A_155] : memref<4096x128xf32, #tpu.memory_space<vmem_shared>> -> memref<128x128xf32, #tpu.memory_space<vmem_shared>>
        tpu.wait_dma2 semaphore(%arg21 : memref<!tpu.dma_semaphore, #tpu.memory_space<semaphore_mem>>) src(%arg12 : memref<128x128xf32, #tpu.memory_space<vmem>>) dst(%dma_wait3A_156 : memref<128x128xf32, #tpu.memory_space<vmem_shared>>)
      } else {
      }
      %add3A_81 = arith.constant 3 : i32
      %add3A_82 = arith.addi %add3A_66, %add3A_81 : i32
      %dma_start3A_83 = arith.constant 0 : i32
      %dma_start3A_84 = tpu.memref_slice %arg7[%add3A_82, %dma_start3A_83] : memref<64x128xi32, #tpu.memory_space<vmem>> -> memref<1x128xi32, #tpu.memory_space<vmem>>
      %dma_start3A_85 = tpu.memref_squeeze %dma_start3A_84 : memref<1x128xi32, #tpu.memory_space<vmem>> -> memref<128xi32, #tpu.memory_space<vmem>>
      %dma_start3A_86 = arith.constant 0 : i32
      %dma_start3A_87 = arith.constant 0 : i32
      %dma_start3A_88 = tpu.memref_slice %arg4[%dma_start3A_86, %dma_start3A_87] : memref<4096x128xf32, #tpu.memory_space<hbm>> -> memref<4096x128xf32, #tpu.memory_space<hbm>>
      tpu.enqueue_indirect_dma source(%dma_start3A_88 : memref<4096x128xf32, #tpu.memory_space<hbm>>) target(%arg12 : memref<128x128xf32, #tpu.memory_space<vmem>>) offsets(%dma_start3A_85 : memref<128xi32, #tpu.memory_space<vmem>>) semaphore(%arg17 : memref<!tpu.dma_semaphore, #tpu.memory_space<semaphore_mem>>)
      %mul3A_89 = arith.constant 4 : i32
      %mul3A_90 = arith.muli %mul3A_89, %scan3A_62 : i32
      %add3A_91 = arith.constant 1 : i32
      %add3A_92 = arith.addi %mul3A_90, %add3A_91 : i32
      %dma_wait3A_93 = arith.constant 0 : i32
      %dma_wait3A_94 = arith.constant 0 : i32
      %dma_wait3A_95 = tpu.memref_slice %arg4[%dma_wait3A_93, %dma_wait3A_94] : memref<4096x128xf32, #tpu.memory_space<hbm>> -> memref<128x128xf32, #tpu.memory_space<hbm>>
      %dma_wait3A_96 = arith.constant 0 : i32
      %dma_wait3A_97 = arith.constant 0 : i32
      %dma_wait3A_98 = tpu.memref_slice %arg4[%dma_wait3A_96, %dma_wait3A_97] : memref<4096x128xf32, #tpu.memory_space<hbm>> -> memref<128x128xf32, #tpu.memory_space<hbm>>
      tpu.wait_dma2 semaphore(%arg15 : memref<!tpu.dma_semaphore, #tpu.memory_space<semaphore_mem>>) src(%dma_wait3A_98 : memref<128x128xf32, #tpu.memory_space<hbm>>) dst(%arg10 : memref<128x128xf32, #tpu.memory_space<vmem>>)
      %dma_start3A_99 = arith.constant 0 : i32
      %dma_start3A_100 = tpu.memref_slice %arg8[%add3A_92, %dma_start3A_99] : memref<64x128xi32, #tpu.memory_space<vmem>> -> memref<1x128xi32, #tpu.memory_space<vmem>>
      %dma_start3A_101 = tpu.memref_squeeze %dma_start3A_100 : memref<1x128xi32, #tpu.memory_space<vmem>> -> memref<128xi32, #tpu.memory_space<vmem>>
      %dma_start3A_102 = arith.constant 0 : i32
      %dma_start3A_103 = arith.constant 0 : i32
      %dma_start3A_104 = tpu.memref_slice %arg13[%dma_start3A_102, %dma_start3A_103] : memref<4096x128xf32, #tpu.memory_space<vmem_shared>> -> memref<4096x128xf32, #tpu.memory_space<vmem_shared>>
      tpu.enqueue_indirect_dma source(%arg10 : memref<128x128xf32, #tpu.memory_space<vmem>>) target(%dma_start3A_104 : memref<4096x128xf32, #tpu.memory_space<vmem_shared>>) offsets(%dma_start3A_101 : memref<128xi32, #tpu.memory_space<vmem>>) semaphore(%arg19 : memref<!tpu.dma_semaphore, #tpu.memory_space<semaphore_mem>>) {add = true}
      %lt3A = arith.constant 15 : i32
      %lt3A_105 = arith.cmpi slt, %scan3A_62, %lt3A : i32
      %convert_element_type3A_106 = arith.extui %lt3A_105 : i1 to i32
      %cond3A_107 = arith.constant 0 : i32
      %cond3A_108 = arith.cmpi ne, %convert_element_type3A_106, %cond3A_107 : i32
      scf.if %cond3A_108 {
        %dma_wait3A_151 = arith.constant 0 : i32
        %dma_wait3A_152 = arith.constant 0 : i32
        %dma_wait3A_153 = tpu.memref_slice %arg13[%dma_wait3A_151, %dma_wait3A_152] : memref<4096x128xf32, #tpu.memory_space<vmem_shared>> -> memref<128x128xf32, #tpu.memory_space<vmem_shared>>
        %dma_wait3A_154 = arith.constant 0 : i32
        %dma_wait3A_155 = arith.constant 0 : i32
        %dma_wait3A_156 = tpu.memref_slice %arg13[%dma_wait3A_154, %dma_wait3A_155] : memref<4096x128xf32, #tpu.memory_space<vmem_shared>> -> memref<128x128xf32, #tpu.memory_space<vmem_shared>>
        tpu.wait_dma2 semaphore(%arg18 : memref<!tpu.dma_semaphore, #tpu.memory_space<semaphore_mem>>) src(%arg9 : memref<128x128xf32, #tpu.memory_space<vmem>>) dst(%dma_wait3A_156 : memref<128x128xf32, #tpu.memory_space<vmem_shared>>)
        %add3A_157 = arith.constant 3 : i32
        %add3A_158 = arith.addi %add3A_92, %add3A_157 : i32
        %dma_start3A_159 = arith.constant 0 : i32
        %dma_start3A_160 = tpu.memref_slice %arg7[%add3A_158, %dma_start3A_159] : memref<64x128xi32, #tpu.memory_space<vmem>> -> memref<1x128xi32, #tpu.memory_space<vmem>>
        %dma_start3A_161 = tpu.memref_squeeze %dma_start3A_160 : memref<1x128xi32, #tpu.memory_space<vmem>> -> memref<128xi32, #tpu.memory_space<vmem>>
        %dma_start3A_162 = arith.constant 0 : i32
        %dma_start3A_163 = arith.constant 0 : i32
        %dma_start3A_164 = tpu.memref_slice %arg4[%dma_start3A_162, %dma_start3A_163] : memref<4096x128xf32, #tpu.memory_space<hbm>> -> memref<4096x128xf32, #tpu.memory_space<hbm>>
        tpu.enqueue_indirect_dma source(%dma_start3A_164 : memref<4096x128xf32, #tpu.memory_space<hbm>>) target(%arg9 : memref<128x128xf32, #tpu.memory_space<vmem>>) offsets(%dma_start3A_161 : memref<128xi32, #tpu.memory_space<vmem>>) semaphore(%arg14 : memref<!tpu.dma_semaphore, #tpu.memory_space<semaphore_mem>>)
      } else {
      }
      %mul3A_109 = arith.constant 4 : i32
      %mul3A_110 = arith.muli %mul3A_109, %scan3A_62 : i32
      %add3A_111 = arith.constant 2 : i32
      %add3A_112 = arith.addi %mul3A_110, %add3A_111 : i32
      %dma_wait3A_113 = arith.constant 0 : i32
      %dma_wait3A_114 = arith.constant 0 : i32
      %dma_wait3A_115 = tpu.memref_slice %arg4[%dma_wait3A_113, %dma_wait3A_114] : memref<4096x128xf32, #tpu.memory_space<hbm>> -> memref<128x128xf32, #tpu.memory_space<hbm>>
      %dma_wait3A_116 = arith.constant 0 : i32
      %dma_wait3A_117 = arith.constant 0 : i32
      %dma_wait3A_118 = tpu.memref_slice %arg4[%dma_wait3A_116, %dma_wait3A_117] : memref<4096x128xf32, #tpu.memory_space<hbm>> -> memref<128x128xf32, #tpu.memory_space<hbm>>
      tpu.wait_dma2 semaphore(%arg16 : memref<!tpu.dma_semaphore, #tpu.memory_space<semaphore_mem>>) src(%dma_wait3A_118 : memref<128x128xf32, #tpu.memory_space<hbm>>) dst(%arg11 : memref<128x128xf32, #tpu.memory_space<vmem>>)
      %dma_start3A_119 = arith.constant 0 : i32
      %dma_start3A_120 = tpu.memref_slice %arg8[%add3A_112, %dma_start3A_119] : memref<64x128xi32, #tpu.memory_space<vmem>> -> memref<1x128xi32, #tpu.memory_space<vmem>>
      %dma_start3A_121 = tpu.memref_squeeze %dma_start3A_120 : memref<1x128xi32, #tpu.memory_space<vmem>> -> memref<128xi32, #tpu.memory_space<vmem>>
      %dma_start3A_122 = arith.constant 0 : i32
      %dma_start3A_123 = arith.constant 0 : i32
      %dma_start3A_124 = tpu.memref_slice %arg13[%dma_start3A_122, %dma_start3A_123] : memref<4096x128xf32, #tpu.memory_space<vmem_shared>> -> memref<4096x128xf32, #tpu.memory_space<vmem_shared>>
      tpu.enqueue_indirect_dma source(%arg11 : memref<128x128xf32, #tpu.memory_space<vmem>>) target(%dma_start3A_124 : memref<4096x128xf32, #tpu.memory_space<vmem_shared>>) offsets(%dma_start3A_121 : memref<128xi32, #tpu.memory_space<vmem>>) semaphore(%arg20 : memref<!tpu.dma_semaphore, #tpu.memory_space<semaphore_mem>>) {add = true}
      %lt3A_125 = arith.constant 15 : i32
      %lt3A_126 = arith.cmpi slt, %scan3A_62, %lt3A_125 : i32
      %convert_element_type3A_127 = arith.extui %lt3A_126 : i1 to i32
      %cond3A_128 = arith.constant 0 : i32
      %cond3A_129 = arith.cmpi ne, %convert_element_type3A_127, %cond3A_128 : i32
      scf.if %cond3A_129 {
        %dma_wait3A_151 = arith.constant 0 : i32
        %dma_wait3A_152 = arith.constant 0 : i32
        %dma_wait3A_153 = tpu.memref_slice %arg13[%dma_wait3A_151, %dma_wait3A_152] : memref<4096x128xf32, #tpu.memory_space<vmem_shared>> -> memref<128x128xf32, #tpu.memory_space<vmem_shared>>
        %dma_wait3A_154 = arith.constant 0 : i32
        %dma_wait3A_155 = arith.constant 0 : i32
        %dma_wait3A_156 = tpu.memref_slice %arg13[%dma_wait3A_154, %dma_wait3A_155] : memref<4096x128xf32, #tpu.memory_space<vmem_shared>> -> memref<128x128xf32, #tpu.memory_space<vmem_shared>>
        tpu.wait_dma2 semaphore(%arg19 : memref<!tpu.dma_semaphore, #tpu.memory_space<semaphore_mem>>) src(%arg10 : memref<128x128xf32, #tpu.memory_space<vmem>>) dst(%dma_wait3A_156 : memref<128x128xf32, #tpu.memory_space<vmem_shared>>)
        %add3A_157 = arith.constant 3 : i32
        %add3A_158 = arith.addi %add3A_112, %add3A_157 : i32
        %dma_start3A_159 = arith.constant 0 : i32
        %dma_start3A_160 = tpu.memref_slice %arg7[%add3A_158, %dma_start3A_159] : memref<64x128xi32, #tpu.memory_space<vmem>> -> memref<1x128xi32, #tpu.memory_space<vmem>>
        %dma_start3A_161 = tpu.memref_squeeze %dma_start3A_160 : memref<1x128xi32, #tpu.memory_space<vmem>> -> memref<128xi32, #tpu.memory_space<vmem>>
        %dma_start3A_162 = arith.constant 0 : i32
        %dma_start3A_163 = arith.constant 0 : i32
        %dma_start3A_164 = tpu.memref_slice %arg4[%dma_start3A_162, %dma_start3A_163] : memref<4096x128xf32, #tpu.memory_space<hbm>> -> memref<4096x128xf32, #tpu.memory_space<hbm>>
        tpu.enqueue_indirect_dma source(%dma_start3A_164 : memref<4096x128xf32, #tpu.memory_space<hbm>>) target(%arg10 : memref<128x128xf32, #tpu.memory_space<vmem>>) offsets(%dma_start3A_161 : memref<128xi32, #tpu.memory_space<vmem>>) semaphore(%arg15 : memref<!tpu.dma_semaphore, #tpu.memory_space<semaphore_mem>>)
      } else {
      }
      %mul3A_130 = arith.constant 4 : i32
      %mul3A_131 = arith.muli %mul3A_130, %scan3A_62 : i32
      %add3A_132 = arith.constant 3 : i32
      %add3A_133 = arith.addi %mul3A_131, %add3A_132 : i32
      %dma_wait3A_134 = arith.constant 0 : i32
      %dma_wait3A_135 = arith.constant 0 : i32
      %dma_wait3A_136 = tpu.memref_slice %arg4[%dma_wait3A_134, %dma_wait3A_135] : memref<4096x128xf32, #tpu.memory_space<hbm>> -> memref<128x128xf32, #tpu.memory_space<hbm>>
      %dma_wait3A_137 = arith.constant 0 : i32
      %dma_wait3A_138 = arith.constant 0 : i32
      %dma_wait3A_139 = tpu.memref_slice %arg4[%dma_wait3A_137, %dma_wait3A_138] : memref<4096x128xf32, #tpu.memory_space<hbm>> -> memref<128x128xf32, #tpu.memory_space<hbm>>
      tpu.wait_dma2 semaphore(%arg17 : memref<!tpu.dma_semaphore, #tpu.memory_space<semaphore_mem>>) src(%dma_wait3A_139 : memref<128x128xf32, #tpu.memory_space<hbm>>) dst(%arg12 : memref<128x128xf32, #tpu.memory_space<vmem>>)
      %dma_start3A_140 = arith.constant 0 : i32
      %dma_start3A_141 = tpu.memref_slice %arg8[%add3A_133, %dma_start3A_140] : memref<64x128xi32, #tpu.memory_space<vmem>> -> memref<1x128xi32, #tpu.memory_space<vmem>>
      %dma_start3A_142 = tpu.memref_squeeze %dma_start3A_141 : memref<1x128xi32, #tpu.memory_space<vmem>> -> memref<128xi32, #tpu.memory_space<vmem>>
      %dma_start3A_143 = arith.constant 0 : i32
      %dma_start3A_144 = arith.constant 0 : i32
      %dma_start3A_145 = tpu.memref_slice %arg13[%dma_start3A_143, %dma_start3A_144] : memref<4096x128xf32, #tpu.memory_space<vmem_shared>> -> memref<4096x128xf32, #tpu.memory_space<vmem_shared>>
      tpu.enqueue_indirect_dma source(%arg12 : memref<128x128xf32, #tpu.memory_space<vmem>>) target(%dma_start3A_145 : memref<4096x128xf32, #tpu.memory_space<vmem_shared>>) offsets(%dma_start3A_142 : memref<128xi32, #tpu.memory_space<vmem>>) semaphore(%arg21 : memref<!tpu.dma_semaphore, #tpu.memory_space<semaphore_mem>>) {add = true}
      %lt3A_146 = arith.constant 15 : i32
      %lt3A_147 = arith.cmpi slt, %scan3A_62, %lt3A_146 : i32
      %convert_element_type3A_148 = arith.extui %lt3A_147 : i1 to i32
      %cond3A_149 = arith.constant 0 : i32
      %cond3A_150 = arith.cmpi ne, %convert_element_type3A_148, %cond3A_149 : i32
      scf.if %cond3A_150 {
        %dma_wait3A_151 = arith.constant 0 : i32
        %dma_wait3A_152 = arith.constant 0 : i32
        %dma_wait3A_153 = tpu.memref_slice %arg13[%dma_wait3A_151, %dma_wait3A_152] : memref<4096x128xf32, #tpu.memory_space<vmem_shared>> -> memref<128x128xf32, #tpu.memory_space<vmem_shared>>
        %dma_wait3A_154 = arith.constant 0 : i32
        %dma_wait3A_155 = arith.constant 0 : i32
        %dma_wait3A_156 = tpu.memref_slice %arg13[%dma_wait3A_154, %dma_wait3A_155] : memref<4096x128xf32, #tpu.memory_space<vmem_shared>> -> memref<128x128xf32, #tpu.memory_space<vmem_shared>>
        tpu.wait_dma2 semaphore(%arg20 : memref<!tpu.dma_semaphore, #tpu.memory_space<semaphore_mem>>) src(%arg11 : memref<128x128xf32, #tpu.memory_space<vmem>>) dst(%dma_wait3A_156 : memref<128x128xf32, #tpu.memory_space<vmem_shared>>)
        %add3A_157 = arith.constant 3 : i32
        %add3A_158 = arith.addi %add3A_133, %add3A_157 : i32
        %dma_start3A_159 = arith.constant 0 : i32
        %dma_start3A_160 = tpu.memref_slice %arg7[%add3A_158, %dma_start3A_159] : memref<64x128xi32, #tpu.memory_space<vmem>> -> memref<1x128xi32, #tpu.memory_space<vmem>>
        %dma_start3A_161 = tpu.memref_squeeze %dma_start3A_160 : memref<1x128xi32, #tpu.memory_space<vmem>> -> memref<128xi32, #tpu.memory_space<vmem>>
        %dma_start3A_162 = arith.constant 0 : i32
        %dma_start3A_163 = arith.constant 0 : i32
        %dma_start3A_164 = tpu.memref_slice %arg4[%dma_start3A_162, %dma_start3A_163] : memref<4096x128xf32, #tpu.memory_space<hbm>> -> memref<4096x128xf32, #tpu.memory_space<hbm>>
        tpu.enqueue_indirect_dma source(%dma_start3A_164 : memref<4096x128xf32, #tpu.memory_space<hbm>>) target(%arg11 : memref<128x128xf32, #tpu.memory_space<vmem>>) offsets(%dma_start3A_161 : memref<128xi32, #tpu.memory_space<vmem>>) semaphore(%arg16 : memref<!tpu.dma_semaphore, #tpu.memory_space<semaphore_mem>>)
      } else {
      }
    }
    %scan3A_33 = arith.constant 16 : i32
    %dma_wait3A = arith.constant 0 : i32
    %dma_wait3A_34 = arith.constant 0 : i32
    %dma_wait3A_35 = tpu.memref_slice %arg13[%dma_wait3A, %dma_wait3A_34] : memref<4096x128xf32, #tpu.memory_space<vmem_shared>> -> memref<128x128xf32, #tpu.memory_space<vmem_shared>>
    %dma_wait3A_36 = arith.constant 0 : i32
    %dma_wait3A_37 = arith.constant 0 : i32
    %dma_wait3A_38 = tpu.memref_slice %arg13[%dma_wait3A_36, %dma_wait3A_37] : memref<4096x128xf32, #tpu.memory_space<vmem_shared>> -> memref<128x128xf32, #tpu.memory_space<vmem_shared>>
    tpu.wait_dma2 semaphore(%arg18 : memref<!tpu.dma_semaphore, #tpu.memory_space<semaphore_mem>>) src(%arg9 : memref<128x128xf32, #tpu.memory_space<vmem>>) dst(%dma_wait3A_38 : memref<128x128xf32, #tpu.memory_space<vmem_shared>>)
    %dma_wait3A_39 = arith.constant 0 : i32
    %dma_wait3A_40 = arith.constant 0 : i32
    %dma_wait3A_41 = tpu.memref_slice %arg13[%dma_wait3A_39, %dma_wait3A_40] : memref<4096x128xf32, #tpu.memory_space<vmem_shared>> -> memref<128x128xf32, #tpu.memory_space<vmem_shared>>
    %dma_wait3A_42 = arith.constant 0 : i32
    %dma_wait3A_43 = arith.constant 0 : i32
    %dma_wait3A_44 = tpu.memref_slice %arg13[%dma_wait3A_42, %dma_wait3A_43] : memref<4096x128xf32, #tpu.memory_space<vmem_shared>> -> memref<128x128xf32, #tpu.memory_space<vmem_shared>>
    tpu.wait_dma2 semaphore(%arg19 : memref<!tpu.dma_semaphore, #tpu.memory_space<semaphore_mem>>) src(%arg10 : memref<128x128xf32, #tpu.memory_space<vmem>>) dst(%dma_wait3A_44 : memref<128x128xf32, #tpu.memory_space<vmem_shared>>)
    %dma_wait3A_45 = arith.constant 0 : i32
    %dma_wait3A_46 = arith.constant 0 : i32
    %dma_wait3A_47 = tpu.memref_slice %arg13[%dma_wait3A_45, %dma_wait3A_46] : memref<4096x128xf32, #tpu.memory_space<vmem_shared>> -> memref<128x128xf32, #tpu.memory_space<vmem_shared>>
    %dma_wait3A_48 = arith.constant 0 : i32
    %dma_wait3A_49 = arith.constant 0 : i32
    %dma_wait3A_50 = tpu.memref_slice %arg13[%dma_wait3A_48, %dma_wait3A_49] : memref<4096x128xf32, #tpu.memory_space<vmem_shared>> -> memref<128x128xf32, #tpu.memory_space<vmem_shared>>
    tpu.wait_dma2 semaphore(%arg20 : memref<!tpu.dma_semaphore, #tpu.memory_space<semaphore_mem>>) src(%arg11 : memref<128x128xf32, #tpu.memory_space<vmem>>) dst(%dma_wait3A_50 : memref<128x128xf32, #tpu.memory_space<vmem_shared>>)
    %dma_wait3A_51 = arith.constant 0 : i32
    %dma_wait3A_52 = arith.constant 0 : i32
    %dma_wait3A_53 = tpu.memref_slice %arg13[%dma_wait3A_51, %dma_wait3A_52] : memref<4096x128xf32, #tpu.memory_space<vmem_shared>> -> memref<128x128xf32, #tpu.memory_space<vmem_shared>>
    %dma_wait3A_54 = arith.constant 0 : i32
    %dma_wait3A_55 = arith.constant 0 : i32
    %dma_wait3A_56 = tpu.memref_slice %arg13[%dma_wait3A_54, %dma_wait3A_55] : memref<4096x128xf32, #tpu.memory_space<vmem_shared>> -> memref<128x128xf32, #tpu.memory_space<vmem_shared>>
    tpu.wait_dma2 semaphore(%arg21 : memref<!tpu.dma_semaphore, #tpu.memory_space<semaphore_mem>>) src(%arg12 : memref<128x128xf32, #tpu.memory_space<vmem>>) dst(%dma_wait3A_56 : memref<128x128xf32, #tpu.memory_space<vmem_shared>>)
    %barrier3A_57 = arith.constant 0 : index
    tpu.barrier barrier_id(%barrier3A_57)
    %mul3A_58 = arith.constant 256 : i32
    %mul3A_59 = arith.muli %arg1, %mul3A_58 : i32
    %mul3A_60 = arith.constant 256 : i32
    %mul3A_61 = arith.muli %arg1, %mul3A_60 : i32
    "tpu.region"() ({
      %run_scoped3A = tpu.sem_alloc : memref<!tpu.dma_semaphore, #tpu.memory_space<semaphore_mem>>
      %dma_start3A_62 = arith.constant 0 : i32
      %dma_start3A_63 = tpu.memref_slice %arg6[%arg0, %mul3A_61, %dma_start3A_62] : memref<2x4096x128xf32, #tpu.memory_space<hbm>> -> memref<1x256x128xf32, #tpu.memory_space<hbm>>
      %dma_start3A_64 = tpu.memref_squeeze %dma_start3A_63 : memref<1x256x128xf32, #tpu.memory_space<hbm>> -> memref<256x128xf32, #tpu.memory_space<hbm>>
      %dma_start3A_65 = arith.constant 0 : i32
      %dma_start3A_66 = tpu.memref_slice %arg13[%mul3A_59, %dma_start3A_65] : memref<4096x128xf32, #tpu.memory_space<vmem_shared>> -> memref<256x128xf32, #tpu.memory_space<vmem_shared>>
      tpu.enqueue_dma source(%dma_start3A_66 : memref<256x128xf32, #tpu.memory_space<vmem_shared>>) target(%dma_start3A_64 : memref<256x128xf32, #tpu.memory_space<hbm>>) target_semaphore(%run_scoped3A : memref<!tpu.dma_semaphore, #tpu.memory_space<semaphore_mem>>)
      %dma_wait3A_67 = arith.constant 0 : i32
      %dma_wait3A_68 = tpu.memref_slice %arg6[%arg0, %mul3A_61, %dma_wait3A_67] : memref<2x4096x128xf32, #tpu.memory_space<hbm>> -> memref<1x256x128xf32, #tpu.memory_space<hbm>>
      %dma_wait3A_69 = tpu.memref_squeeze %dma_wait3A_68 : memref<1x256x128xf32, #tpu.memory_space<hbm>> -> memref<256x128xf32, #tpu.memory_space<hbm>>
      %dma_wait3A_70 = arith.constant 0 : i32
      %dma_wait3A_71 = tpu.memref_slice %arg13[%mul3A_59, %dma_wait3A_70] : memref<4096x128xf32, #tpu.memory_space<vmem_shared>> -> memref<256x128xf32, #tpu.memory_space<vmem_shared>>
      tpu.wait_dma2 semaphore(%run_scoped3A : memref<!tpu.dma_semaphore, #tpu.memory_space<semaphore_mem>>) src(%dma_wait3A_71 : memref<256x128xf32, #tpu.memory_space<vmem_shared>>) dst(%dma_wait3A_69 : memref<256x128xf32, #tpu.memory_space<hbm>>)
      tpu.yield
    }) : () -> ()
    return
  }
}

#map = affine_map<(d0, d1) -> (0, 0)>
#map1 = affine_map<(d0, d1) -> (0, 0, 0)>
module attributes {stable_mosaic.version = 14 : i64} {
  func.func @_scatter_body(%arg0: i32, %arg1: i32, %arg2: memref<2048x128xi32, #tpu.memory_space<hbm>>, %arg3: memref<2048x128xi32, #tpu.memory_space<hbm>>, %arg4: memref<4096x128xf32, #tpu.memory_space<hbm>>, %arg5: memref<4096x128xf32, #tpu.memory_space<hbm>>, %arg6: memref<2x4096x128xf32, #tpu.memory_space<hbm>>, %arg7: memref<64x128xi32, #tpu.memory_space<vmem>>, %arg8: memref<64x128xi32, #tpu.memory_space<vmem>>, %arg9: memref<128x128xf32, #tpu.memory_space<vmem>>, %arg10: memref<128x128xf32, #tpu.memory_space<vmem>>, %arg11: memref<128x128xf32, #tpu.memory_space<vmem>>, %arg12: memref<128x128xf32, #tpu.memory_space<vmem>>, %arg13: memref<4096x128xf32, #tpu.memory_space<vmem_shared>>, %arg14: memref<!tpu.dma_semaphore, #tpu.memory_space<semaphore_mem>>, %arg15: memref<!tpu.dma_semaphore, #tpu.memory_space<semaphore_mem>>, %arg16: memref<!tpu.dma_semaphore, #tpu.memory_space<semaphore_mem>>, %arg17: memref<!tpu.dma_semaphore, #tpu.memory_space<semaphore_mem>>, %arg18: memref<!tpu.dma_semaphore, #tpu.memory_space<semaphore_mem>>, %arg19: memref<!tpu.dma_semaphore, #tpu.memory_space<semaphore_mem>>, %arg20: memref<!tpu.dma_semaphore, #tpu.memory_space<semaphore_mem>>, %arg21: memref<!tpu.dma_semaphore, #tpu.memory_space<semaphore_mem>>) attributes {dimension_semantics = [#tpu.dimension_semantics<core_parallel>, #tpu.dimension_semantics<subcore_parallel>], iteration_bounds = array<i64: 2, 16>, scalar_prefetch = 0 : i64, scratch_operands = 15 : i64, tpu.core_type = #tpu.core_type<sc_vector_subcore>, window_params = [{transform_indices = #map}, {transform_indices = #map}, {transform_indices = #map}, {transform_indices = #map}, {transform_indices = #map1}]} {
    %mul3A = arith.constant 16 : i32
    %mul3A_0 = arith.muli %arg0, %mul3A : i32
    %add3A = arith.addi %mul3A_0, %arg1 : i32
    %mul3A_1 = arith.constant 64 : i32
    %mul3A_2 = arith.muli %add3A, %mul3A_1 : i32
    "tpu.region"() ({
      %run_scoped3A = tpu.sem_alloc : memref<!tpu.dma_semaphore, #tpu.memory_space<semaphore_mem>>
      %dma_start3A_62 = arith.constant 0 : i32
      %dma_start3A_63 = tpu.memref_slice %arg2[%mul3A_2, %dma_start3A_62] : memref<2048x128xi32, #tpu.memory_space<hbm>> -> memref<64x128xi32, #tpu.memory_space<hbm>>
      %dma_start3A_64 = arith.constant 0 : i32
      %dma_start3A_65 = tpu.memref_slice %arg2[%mul3A_2, %dma_start3A_64] : memref<2048x128xi32, #tpu.memory_space<hbm>> -> memref<64x128xi32, #tpu.memory_space<hbm>>
      tpu.enqueue_dma source(%dma_start3A_65 : memref<64x128xi32, #tpu.memory_space<hbm>>) target(%arg7 : memref<64x128xi32, #tpu.memory_space<vmem>>) target_semaphore(%run_scoped3A : memref<!tpu.dma_semaphore, #tpu.memory_space<semaphore_mem>>)
      %dma_wait3A_66 = arith.constant 0 : i32
      %dma_wait3A_67 = tpu.memref_slice %arg2[%mul3A_2, %dma_wait3A_66] : memref<2048x128xi32, #tpu.memory_space<hbm>> -> memref<64x128xi32, #tpu.memory_space<hbm>>
      %dma_wait3A_68 = arith.constant 0 : i32
      %dma_wait3A_69 = tpu.memref_slice %arg2[%mul3A_2, %dma_wait3A_68] : memref<2048x128xi32, #tpu.memory_space<hbm>> -> memref<64x128xi32, #tpu.memory_space<hbm>>
      tpu.wait_dma2 semaphore(%run_scoped3A : memref<!tpu.dma_semaphore, #tpu.memory_space<semaphore_mem>>) src(%dma_wait3A_69 : memref<64x128xi32, #tpu.memory_space<hbm>>) dst(%arg7 : memref<64x128xi32, #tpu.memory_space<vmem>>)
      tpu.yield
    }) : () -> ()
    %mul3A_3 = arith.constant 64 : i32
    %mul3A_4 = arith.muli %add3A, %mul3A_3 : i32
    "tpu.region"() ({
      %run_scoped3A = tpu.sem_alloc : memref<!tpu.dma_semaphore, #tpu.memory_space<semaphore_mem>>
      %dma_start3A_62 = arith.constant 0 : i32
      %dma_start3A_63 = tpu.memref_slice %arg3[%mul3A_4, %dma_start3A_62] : memref<2048x128xi32, #tpu.memory_space<hbm>> -> memref<64x128xi32, #tpu.memory_space<hbm>>
      %dma_start3A_64 = arith.constant 0 : i32
      %dma_start3A_65 = tpu.memref_slice %arg3[%mul3A_4, %dma_start3A_64] : memref<2048x128xi32, #tpu.memory_space<hbm>> -> memref<64x128xi32, #tpu.memory_space<hbm>>
      tpu.enqueue_dma source(%dma_start3A_65 : memref<64x128xi32, #tpu.memory_space<hbm>>) target(%arg8 : memref<64x128xi32, #tpu.memory_space<vmem>>) target_semaphore(%run_scoped3A : memref<!tpu.dma_semaphore, #tpu.memory_space<semaphore_mem>>)
      %dma_wait3A_66 = arith.constant 0 : i32
      %dma_wait3A_67 = tpu.memref_slice %arg3[%mul3A_4, %dma_wait3A_66] : memref<2048x128xi32, #tpu.memory_space<hbm>> -> memref<64x128xi32, #tpu.memory_space<hbm>>
      %dma_wait3A_68 = arith.constant 0 : i32
      %dma_wait3A_69 = tpu.memref_slice %arg3[%mul3A_4, %dma_wait3A_68] : memref<2048x128xi32, #tpu.memory_space<hbm>> -> memref<64x128xi32, #tpu.memory_space<hbm>>
      tpu.wait_dma2 semaphore(%run_scoped3A : memref<!tpu.dma_semaphore, #tpu.memory_space<semaphore_mem>>) src(%dma_wait3A_69 : memref<64x128xi32, #tpu.memory_space<hbm>>) dst(%arg8 : memref<64x128xi32, #tpu.memory_space<vmem>>)
      tpu.yield
    }) : () -> ()
    %mul3A_5 = arith.constant 256 : i32
    %mul3A_6 = arith.muli %arg1, %mul3A_5 : i32
    %mul3A_7 = arith.constant 256 : i32
    %mul3A_8 = arith.muli %arg1, %mul3A_7 : i32
    "tpu.region"() ({
      %run_scoped3A = tpu.sem_alloc : memref<!tpu.dma_semaphore, #tpu.memory_space<semaphore_mem>>
      %dma_start3A_62 = arith.constant 0 : i32
      %dma_start3A_63 = tpu.memref_slice %arg13[%mul3A_8, %dma_start3A_62] : memref<4096x128xf32, #tpu.memory_space<vmem_shared>> -> memref<256x128xf32, #tpu.memory_space<vmem_shared>>
      %dma_start3A_64 = arith.constant 0 : i32
      %dma_start3A_65 = tpu.memref_slice %arg5[%mul3A_6, %dma_start3A_64] : memref<4096x128xf32, #tpu.memory_space<hbm>> -> memref<256x128xf32, #tpu.memory_space<hbm>>
      tpu.enqueue_dma source(%dma_start3A_65 : memref<256x128xf32, #tpu.memory_space<hbm>>) target(%dma_start3A_63 : memref<256x128xf32, #tpu.memory_space<vmem_shared>>) target_semaphore(%run_scoped3A : memref<!tpu.dma_semaphore, #tpu.memory_space<semaphore_mem>>)
      %dma_wait3A_66 = arith.constant 0 : i32
      %dma_wait3A_67 = tpu.memref_slice %arg13[%mul3A_8, %dma_wait3A_66] : memref<4096x128xf32, #tpu.memory_space<vmem_shared>> -> memref<256x128xf32, #tpu.memory_space<vmem_shared>>
      %dma_wait3A_68 = arith.constant 0 : i32
      %dma_wait3A_69 = tpu.memref_slice %arg5[%mul3A_6, %dma_wait3A_68] : memref<4096x128xf32, #tpu.memory_space<hbm>> -> memref<256x128xf32, #tpu.memory_space<hbm>>
      tpu.wait_dma2 semaphore(%run_scoped3A : memref<!tpu.dma_semaphore, #tpu.memory_space<semaphore_mem>>) src(%dma_wait3A_69 : memref<256x128xf32, #tpu.memory_space<hbm>>) dst(%dma_wait3A_67 : memref<256x128xf32, #tpu.memory_space<vmem_shared>>)
      tpu.yield
    }) : () -> ()
    %barrier3A = arith.constant 0 : index
    tpu.barrier barrier_id(%barrier3A)
    %dma_start3A = arith.constant 0 : i32
    %dma_start3A_9 = arith.constant 0 : i32
    %dma_start3A_10 = tpu.memref_slice %arg7[%dma_start3A, %dma_start3A_9] : memref<64x128xi32, #tpu.memory_space<vmem>> -> memref<1x128xi32, #tpu.memory_space<vmem>>
    %dma_start3A_11 = tpu.memref_squeeze %dma_start3A_10 : memref<1x128xi32, #tpu.memory_space<vmem>> -> memref<128xi32, #tpu.memory_space<vmem>>
    %dma_start3A_12 = arith.constant 0 : i32
    %dma_start3A_13 = arith.constant 0 : i32
    %dma_start3A_14 = tpu.memref_slice %arg4[%dma_start3A_12, %dma_start3A_13] : memref<4096x128xf32, #tpu.memory_space<hbm>> -> memref<4096x128xf32, #tpu.memory_space<hbm>>
    tpu.enqueue_indirect_dma source(%dma_start3A_14 : memref<4096x128xf32, #tpu.memory_space<hbm>>) target(%arg9 : memref<128x128xf32, #tpu.memory_space<vmem>>) offsets(%dma_start3A_11 : memref<128xi32, #tpu.memory_space<vmem>>) semaphore(%arg14 : memref<!tpu.dma_semaphore, #tpu.memory_space<semaphore_mem>>)
    %dma_start3A_15 = arith.constant 1 : i32
    %dma_start3A_16 = arith.constant 0 : i32
    %dma_start3A_17 = tpu.memref_slice %arg7[%dma_start3A_15, %dma_start3A_16] : memref<64x128xi32, #tpu.memory_space<vmem>> -> memref<1x128xi32, #tpu.memory_space<vmem>>
    %dma_start3A_18 = tpu.memref_squeeze %dma_start3A_17 : memref<1x128xi32, #tpu.memory_space<vmem>> -> memref<128xi32, #tpu.memory_space<vmem>>
    %dma_start3A_19 = arith.constant 0 : i32
    %dma_start3A_20 = arith.constant 0 : i32
    %dma_start3A_21 = tpu.memref_slice %arg4[%dma_start3A_19, %dma_start3A_20] : memref<4096x128xf32, #tpu.memory_space<hbm>> -> memref<4096x128xf32, #tpu.memory_space<hbm>>
    tpu.enqueue_indirect_dma source(%dma_start3A_21 : memref<4096x128xf32, #tpu.memory_space<hbm>>) target(%arg10 : memref<128x128xf32, #tpu.memory_space<vmem>>) offsets(%dma_start3A_18 : memref<128xi32, #tpu.memory_space<vmem>>) semaphore(%arg15 : memref<!tpu.dma_semaphore, #tpu.memory_space<semaphore_mem>>)
    %dma_start3A_22 = arith.constant 2 : i32
    %dma_start3A_23 = arith.constant 0 : i32
    %dma_start3A_24 = tpu.memref_slice %arg7[%dma_start3A_22, %dma_start3A_23] : memref<64x128xi32, #tpu.memory_space<vmem>> -> memref<1x128xi32, #tpu.memory_space<vmem>>
    %dma_start3A_25 = tpu.memref_squeeze %dma_start3A_24 : memref<1x128xi32, #tpu.memory_space<vmem>> -> memref<128xi32, #tpu.memory_space<vmem>>
    %dma_start3A_26 = arith.constant 0 : i32
    %dma_start3A_27 = arith.constant 0 : i32
    %dma_start3A_28 = tpu.memref_slice %arg4[%dma_start3A_26, %dma_start3A_27] : memref<4096x128xf32, #tpu.memory_space<hbm>> -> memref<4096x128xf32, #tpu.memory_space<hbm>>
    tpu.enqueue_indirect_dma source(%dma_start3A_28 : memref<4096x128xf32, #tpu.memory_space<hbm>>) target(%arg11 : memref<128x128xf32, #tpu.memory_space<vmem>>) offsets(%dma_start3A_25 : memref<128xi32, #tpu.memory_space<vmem>>) semaphore(%arg16 : memref<!tpu.dma_semaphore, #tpu.memory_space<semaphore_mem>>)
    %scan3A = arith.constant 0 : i32
    %scan3A_29 = arith.constant 0 : i32
    %scan3A_30 = arith.constant 16 : i32
    %scan3A_31 = arith.addi %scan3A_29, %scan3A_30 : i32
    %scan3A_32 = arith.constant 1 : i32
    scf.for %scan3A_62 = %scan3A_29 to %scan3A_31 step %scan3A_32  : i32 {
      %mul3A_63 = arith.constant 4 : i32
      %mul3A_64 = arith.muli %mul3A_63, %scan3A_62 : i32
      %add3A_65 = arith.constant 0 : i32
      %add3A_66 = arith.addi %mul3A_64, %add3A_65 : i32
      %dma_wait3A_67 = arith.constant 0 : i32
      %dma_wait3A_68 = arith.constant 0 : i32
      %dma_wait3A_69 = tpu.memref_slice %arg4[%dma_wait3A_67, %dma_wait3A_68] : memref<4096x128xf32, #tpu.memory_space<hbm>> -> memref<128x128xf32, #tpu.memory_space<hbm>>
      %dma_wait3A_70 = arith.constant 0 : i32
      %dma_wait3A_71 = arith.constant 0 : i32
      %dma_wait3A_72 = tpu.memref_slice %arg4[%dma_wait3A_70, %dma_wait3A_71] : memref<4096x128xf32, #tpu.memory_space<hbm>> -> memref<128x128xf32, #tpu.memory_space<hbm>>
      tpu.wait_dma2 semaphore(%arg14 : memref<!tpu.dma_semaphore, #tpu.memory_space<semaphore_mem>>) src(%dma_wait3A_72 : memref<128x128xf32, #tpu.memory_space<hbm>>) dst(%arg9 : memref<128x128xf32, #tpu.memory_space<vmem>>)
      %dma_start3A_73 = arith.constant 0 : i32
      %dma_start3A_74 = tpu.memref_slice %arg8[%add3A_66, %dma_start3A_73] : memref<64x128xi32, #tpu.memory_space<vmem>> -> memref<1x128xi32, #tpu.memory_space<vmem>>
      %dma_start3A_75 = tpu.memref_squeeze %dma_start3A_74 : memref<1x128xi32, #tpu.memory_space<vmem>> -> memref<128xi32, #tpu.memory_space<vmem>>
      %dma_start3A_76 = arith.constant 0 : i32
      %dma_start3A_77 = arith.constant 0 : i32
      %dma_start3A_78 = tpu.memref_slice %arg13[%dma_start3A_76, %dma_start3A_77] : memref<4096x128xf32, #tpu.memory_space<vmem_shared>> -> memref<4096x128xf32, #tpu.memory_space<vmem_shared>>
      tpu.enqueue_indirect_dma source(%arg9 : memref<128x128xf32, #tpu.memory_space<vmem>>) target(%dma_start3A_78 : memref<4096x128xf32, #tpu.memory_space<vmem_shared>>) offsets(%dma_start3A_75 : memref<128xi32, #tpu.memory_space<vmem>>) semaphore(%arg18 : memref<!tpu.dma_semaphore, #tpu.memory_space<semaphore_mem>>) {add = true}
      %gt3A = arith.constant 0 : i32
      %gt3A_79 = arith.cmpi sgt, %scan3A_62, %gt3A : i32
      %convert_element_type3A = arith.extui %gt3A_79 : i1 to i32
      %cond3A = arith.constant 0 : i32
      %cond3A_80 = arith.cmpi ne, %convert_element_type3A, %cond3A : i32
      scf.if %cond3A_80 {
        %dma_wait3A_151 = arith.constant 0 : i32
        %dma_wait3A_152 = arith.constant 0 : i32
        %dma_wait3A_153 = tpu.memref_slice %arg13[%dma_wait3A_151, %dma_wait3A_152] : memref<4096x128xf32, #tpu.memory_space<vmem_shared>> -> memref<128x128xf32, #tpu.memory_space<vmem_shared>>
        %dma_wait3A_154 = arith.constant 0 : i32
        %dma_wait3A_155 = arith.constant 0 : i32
        %dma_wait3A_156 = tpu.memref_slice %arg13[%dma_wait3A_154, %dma_wait3A_155] : memref<4096x128xf32, #tpu.memory_space<vmem_shared>> -> memref<128x128xf32, #tpu.memory_space<vmem_shared>>
        tpu.wait_dma2 semaphore(%arg21 : memref<!tpu.dma_semaphore, #tpu.memory_space<semaphore_mem>>) src(%arg12 : memref<128x128xf32, #tpu.memory_space<vmem>>) dst(%dma_wait3A_156 : memref<128x128xf32, #tpu.memory_space<vmem_shared>>)
      } else {
      }
      %add3A_81 = arith.constant 3 : i32
      %add3A_82 = arith.addi %add3A_66, %add3A_81 : i32
      %dma_start3A_83 = arith.constant 0 : i32
      %dma_start3A_84 = tpu.memref_slice %arg7[%add3A_82, %dma_start3A_83] : memref<64x128xi32, #tpu.memory_space<vmem>> -> memref<1x128xi32, #tpu.memory_space<vmem>>
      %dma_start3A_85 = tpu.memref_squeeze %dma_start3A_84 : memref<1x128xi32, #tpu.memory_space<vmem>> -> memref<128xi32, #tpu.memory_space<vmem>>
      %dma_start3A_86 = arith.constant 0 : i32
      %dma_start3A_87 = arith.constant 0 : i32
      %dma_start3A_88 = tpu.memref_slice %arg4[%dma_start3A_86, %dma_start3A_87] : memref<4096x128xf32, #tpu.memory_space<hbm>> -> memref<4096x128xf32, #tpu.memory_space<hbm>>
      tpu.enqueue_indirect_dma source(%dma_start3A_88 : memref<4096x128xf32, #tpu.memory_space<hbm>>) target(%arg12 : memref<128x128xf32, #tpu.memory_space<vmem>>) offsets(%dma_start3A_85 : memref<128xi32, #tpu.memory_space<vmem>>) semaphore(%arg17 : memref<!tpu.dma_semaphore, #tpu.memory_space<semaphore_mem>>)
      %mul3A_89 = arith.constant 4 : i32
      %mul3A_90 = arith.muli %mul3A_89, %scan3A_62 : i32
      %add3A_91 = arith.constant 1 : i32
      %add3A_92 = arith.addi %mul3A_90, %add3A_91 : i32
      %dma_wait3A_93 = arith.constant 0 : i32
      %dma_wait3A_94 = arith.constant 0 : i32
      %dma_wait3A_95 = tpu.memref_slice %arg4[%dma_wait3A_93, %dma_wait3A_94] : memref<4096x128xf32, #tpu.memory_space<hbm>> -> memref<128x128xf32, #tpu.memory_space<hbm>>
      %dma_wait3A_96 = arith.constant 0 : i32
      %dma_wait3A_97 = arith.constant 0 : i32
      %dma_wait3A_98 = tpu.memref_slice %arg4[%dma_wait3A_96, %dma_wait3A_97] : memref<4096x128xf32, #tpu.memory_space<hbm>> -> memref<128x128xf32, #tpu.memory_space<hbm>>
      tpu.wait_dma2 semaphore(%arg15 : memref<!tpu.dma_semaphore, #tpu.memory_space<semaphore_mem>>) src(%dma_wait3A_98 : memref<128x128xf32, #tpu.memory_space<hbm>>) dst(%arg10 : memref<128x128xf32, #tpu.memory_space<vmem>>)
      %dma_start3A_99 = arith.constant 0 : i32
      %dma_start3A_100 = tpu.memref_slice %arg8[%add3A_92, %dma_start3A_99] : memref<64x128xi32, #tpu.memory_space<vmem>> -> memref<1x128xi32, #tpu.memory_space<vmem>>
      %dma_start3A_101 = tpu.memref_squeeze %dma_start3A_100 : memref<1x128xi32, #tpu.memory_space<vmem>> -> memref<128xi32, #tpu.memory_space<vmem>>
      %dma_start3A_102 = arith.constant 0 : i32
      %dma_start3A_103 = arith.constant 0 : i32
      %dma_start3A_104 = tpu.memref_slice %arg13[%dma_start3A_102, %dma_start3A_103] : memref<4096x128xf32, #tpu.memory_space<vmem_shared>> -> memref<4096x128xf32, #tpu.memory_space<vmem_shared>>
      tpu.enqueue_indirect_dma source(%arg10 : memref<128x128xf32, #tpu.memory_space<vmem>>) target(%dma_start3A_104 : memref<4096x128xf32, #tpu.memory_space<vmem_shared>>) offsets(%dma_start3A_101 : memref<128xi32, #tpu.memory_space<vmem>>) semaphore(%arg19 : memref<!tpu.dma_semaphore, #tpu.memory_space<semaphore_mem>>) {add = true}
      %lt3A = arith.constant 15 : i32
      %lt3A_105 = arith.cmpi slt, %scan3A_62, %lt3A : i32
      %convert_element_type3A_106 = arith.extui %lt3A_105 : i1 to i32
      %cond3A_107 = arith.constant 0 : i32
      %cond3A_108 = arith.cmpi ne, %convert_element_type3A_106, %cond3A_107 : i32
      scf.if %cond3A_108 {
        %dma_wait3A_151 = arith.constant 0 : i32
        %dma_wait3A_152 = arith.constant 0 : i32
        %dma_wait3A_153 = tpu.memref_slice %arg13[%dma_wait3A_151, %dma_wait3A_152] : memref<4096x128xf32, #tpu.memory_space<vmem_shared>> -> memref<128x128xf32, #tpu.memory_space<vmem_shared>>
        %dma_wait3A_154 = arith.constant 0 : i32
        %dma_wait3A_155 = arith.constant 0 : i32
        %dma_wait3A_156 = tpu.memref_slice %arg13[%dma_wait3A_154, %dma_wait3A_155] : memref<4096x128xf32, #tpu.memory_space<vmem_shared>> -> memref<128x128xf32, #tpu.memory_space<vmem_shared>>
        tpu.wait_dma2 semaphore(%arg18 : memref<!tpu.dma_semaphore, #tpu.memory_space<semaphore_mem>>) src(%arg9 : memref<128x128xf32, #tpu.memory_space<vmem>>) dst(%dma_wait3A_156 : memref<128x128xf32, #tpu.memory_space<vmem_shared>>)
        %add3A_157 = arith.constant 3 : i32
        %add3A_158 = arith.addi %add3A_92, %add3A_157 : i32
        %dma_start3A_159 = arith.constant 0 : i32
        %dma_start3A_160 = tpu.memref_slice %arg7[%add3A_158, %dma_start3A_159] : memref<64x128xi32, #tpu.memory_space<vmem>> -> memref<1x128xi32, #tpu.memory_space<vmem>>
        %dma_start3A_161 = tpu.memref_squeeze %dma_start3A_160 : memref<1x128xi32, #tpu.memory_space<vmem>> -> memref<128xi32, #tpu.memory_space<vmem>>
        %dma_start3A_162 = arith.constant 0 : i32
        %dma_start3A_163 = arith.constant 0 : i32
        %dma_start3A_164 = tpu.memref_slice %arg4[%dma_start3A_162, %dma_start3A_163] : memref<4096x128xf32, #tpu.memory_space<hbm>> -> memref<4096x128xf32, #tpu.memory_space<hbm>>
        tpu.enqueue_indirect_dma source(%dma_start3A_164 : memref<4096x128xf32, #tpu.memory_space<hbm>>) target(%arg9 : memref<128x128xf32, #tpu.memory_space<vmem>>) offsets(%dma_start3A_161 : memref<128xi32, #tpu.memory_space<vmem>>) semaphore(%arg14 : memref<!tpu.dma_semaphore, #tpu.memory_space<semaphore_mem>>)
      } else {
      }
      %mul3A_109 = arith.constant 4 : i32
      %mul3A_110 = arith.muli %mul3A_109, %scan3A_62 : i32
      %add3A_111 = arith.constant 2 : i32
      %add3A_112 = arith.addi %mul3A_110, %add3A_111 : i32
      %dma_wait3A_113 = arith.constant 0 : i32
      %dma_wait3A_114 = arith.constant 0 : i32
      %dma_wait3A_115 = tpu.memref_slice %arg4[%dma_wait3A_113, %dma_wait3A_114] : memref<4096x128xf32, #tpu.memory_space<hbm>> -> memref<128x128xf32, #tpu.memory_space<hbm>>
      %dma_wait3A_116 = arith.constant 0 : i32
      %dma_wait3A_117 = arith.constant 0 : i32
      %dma_wait3A_118 = tpu.memref_slice %arg4[%dma_wait3A_116, %dma_wait3A_117] : memref<4096x128xf32, #tpu.memory_space<hbm>> -> memref<128x128xf32, #tpu.memory_space<hbm>>
      tpu.wait_dma2 semaphore(%arg16 : memref<!tpu.dma_semaphore, #tpu.memory_space<semaphore_mem>>) src(%dma_wait3A_118 : memref<128x128xf32, #tpu.memory_space<hbm>>) dst(%arg11 : memref<128x128xf32, #tpu.memory_space<vmem>>)
      %dma_start3A_119 = arith.constant 0 : i32
      %dma_start3A_120 = tpu.memref_slice %arg8[%add3A_112, %dma_start3A_119] : memref<64x128xi32, #tpu.memory_space<vmem>> -> memref<1x128xi32, #tpu.memory_space<vmem>>
      %dma_start3A_121 = tpu.memref_squeeze %dma_start3A_120 : memref<1x128xi32, #tpu.memory_space<vmem>> -> memref<128xi32, #tpu.memory_space<vmem>>
      %dma_start3A_122 = arith.constant 0 : i32
      %dma_start3A_123 = arith.constant 0 : i32
      %dma_start3A_124 = tpu.memref_slice %arg13[%dma_start3A_122, %dma_start3A_123] : memref<4096x128xf32, #tpu.memory_space<vmem_shared>> -> memref<4096x128xf32, #tpu.memory_space<vmem_shared>>
      tpu.enqueue_indirect_dma source(%arg11 : memref<128x128xf32, #tpu.memory_space<vmem>>) target(%dma_start3A_124 : memref<4096x128xf32, #tpu.memory_space<vmem_shared>>) offsets(%dma_start3A_121 : memref<128xi32, #tpu.memory_space<vmem>>) semaphore(%arg20 : memref<!tpu.dma_semaphore, #tpu.memory_space<semaphore_mem>>) {add = true}
      %lt3A_125 = arith.constant 15 : i32
      %lt3A_126 = arith.cmpi slt, %scan3A_62, %lt3A_125 : i32
      %convert_element_type3A_127 = arith.extui %lt3A_126 : i1 to i32
      %cond3A_128 = arith.constant 0 : i32
      %cond3A_129 = arith.cmpi ne, %convert_element_type3A_127, %cond3A_128 : i32
      scf.if %cond3A_129 {
        %dma_wait3A_151 = arith.constant 0 : i32
        %dma_wait3A_152 = arith.constant 0 : i32
        %dma_wait3A_153 = tpu.memref_slice %arg13[%dma_wait3A_151, %dma_wait3A_152] : memref<4096x128xf32, #tpu.memory_space<vmem_shared>> -> memref<128x128xf32, #tpu.memory_space<vmem_shared>>
        %dma_wait3A_154 = arith.constant 0 : i32
        %dma_wait3A_155 = arith.constant 0 : i32
        %dma_wait3A_156 = tpu.memref_slice %arg13[%dma_wait3A_154, %dma_wait3A_155] : memref<4096x128xf32, #tpu.memory_space<vmem_shared>> -> memref<128x128xf32, #tpu.memory_space<vmem_shared>>
        tpu.wait_dma2 semaphore(%arg19 : memref<!tpu.dma_semaphore, #tpu.memory_space<semaphore_mem>>) src(%arg10 : memref<128x128xf32, #tpu.memory_space<vmem>>) dst(%dma_wait3A_156 : memref<128x128xf32, #tpu.memory_space<vmem_shared>>)
        %add3A_157 = arith.constant 3 : i32
        %add3A_158 = arith.addi %add3A_112, %add3A_157 : i32
        %dma_start3A_159 = arith.constant 0 : i32
        %dma_start3A_160 = tpu.memref_slice %arg7[%add3A_158, %dma_start3A_159] : memref<64x128xi32, #tpu.memory_space<vmem>> -> memref<1x128xi32, #tpu.memory_space<vmem>>
        %dma_start3A_161 = tpu.memref_squeeze %dma_start3A_160 : memref<1x128xi32, #tpu.memory_space<vmem>> -> memref<128xi32, #tpu.memory_space<vmem>>
        %dma_start3A_162 = arith.constant 0 : i32
        %dma_start3A_163 = arith.constant 0 : i32
        %dma_start3A_164 = tpu.memref_slice %arg4[%dma_start3A_162, %dma_start3A_163] : memref<4096x128xf32, #tpu.memory_space<hbm>> -> memref<4096x128xf32, #tpu.memory_space<hbm>>
        tpu.enqueue_indirect_dma source(%dma_start3A_164 : memref<4096x128xf32, #tpu.memory_space<hbm>>) target(%arg10 : memref<128x128xf32, #tpu.memory_space<vmem>>) offsets(%dma_start3A_161 : memref<128xi32, #tpu.memory_space<vmem>>) semaphore(%arg15 : memref<!tpu.dma_semaphore, #tpu.memory_space<semaphore_mem>>)
      } else {
      }
      %mul3A_130 = arith.constant 4 : i32
      %mul3A_131 = arith.muli %mul3A_130, %scan3A_62 : i32
      %add3A_132 = arith.constant 3 : i32
      %add3A_133 = arith.addi %mul3A_131, %add3A_132 : i32
      %dma_wait3A_134 = arith.constant 0 : i32
      %dma_wait3A_135 = arith.constant 0 : i32
      %dma_wait3A_136 = tpu.memref_slice %arg4[%dma_wait3A_134, %dma_wait3A_135] : memref<4096x128xf32, #tpu.memory_space<hbm>> -> memref<128x128xf32, #tpu.memory_space<hbm>>
      %dma_wait3A_137 = arith.constant 0 : i32
      %dma_wait3A_138 = arith.constant 0 : i32
      %dma_wait3A_139 = tpu.memref_slice %arg4[%dma_wait3A_137, %dma_wait3A_138] : memref<4096x128xf32, #tpu.memory_space<hbm>> -> memref<128x128xf32, #tpu.memory_space<hbm>>
      tpu.wait_dma2 semaphore(%arg17 : memref<!tpu.dma_semaphore, #tpu.memory_space<semaphore_mem>>) src(%dma_wait3A_139 : memref<128x128xf32, #tpu.memory_space<hbm>>) dst(%arg12 : memref<128x128xf32, #tpu.memory_space<vmem>>)
      %dma_start3A_140 = arith.constant 0 : i32
      %dma_start3A_141 = tpu.memref_slice %arg8[%add3A_133, %dma_start3A_140] : memref<64x128xi32, #tpu.memory_space<vmem>> -> memref<1x128xi32, #tpu.memory_space<vmem>>
      %dma_start3A_142 = tpu.memref_squeeze %dma_start3A_141 : memref<1x128xi32, #tpu.memory_space<vmem>> -> memref<128xi32, #tpu.memory_space<vmem>>
      %dma_start3A_143 = arith.constant 0 : i32
      %dma_start3A_144 = arith.constant 0 : i32
      %dma_start3A_145 = tpu.memref_slice %arg13[%dma_start3A_143, %dma_start3A_144] : memref<4096x128xf32, #tpu.memory_space<vmem_shared>> -> memref<4096x128xf32, #tpu.memory_space<vmem_shared>>
      tpu.enqueue_indirect_dma source(%arg12 : memref<128x128xf32, #tpu.memory_space<vmem>>) target(%dma_start3A_145 : memref<4096x128xf32, #tpu.memory_space<vmem_shared>>) offsets(%dma_start3A_142 : memref<128xi32, #tpu.memory_space<vmem>>) semaphore(%arg21 : memref<!tpu.dma_semaphore, #tpu.memory_space<semaphore_mem>>) {add = true}
      %lt3A_146 = arith.constant 15 : i32
      %lt3A_147 = arith.cmpi slt, %scan3A_62, %lt3A_146 : i32
      %convert_element_type3A_148 = arith.extui %lt3A_147 : i1 to i32
      %cond3A_149 = arith.constant 0 : i32
      %cond3A_150 = arith.cmpi ne, %convert_element_type3A_148, %cond3A_149 : i32
      scf.if %cond3A_150 {
        %dma_wait3A_151 = arith.constant 0 : i32
        %dma_wait3A_152 = arith.constant 0 : i32
        %dma_wait3A_153 = tpu.memref_slice %arg13[%dma_wait3A_151, %dma_wait3A_152] : memref<4096x128xf32, #tpu.memory_space<vmem_shared>> -> memref<128x128xf32, #tpu.memory_space<vmem_shared>>
        %dma_wait3A_154 = arith.constant 0 : i32
        %dma_wait3A_155 = arith.constant 0 : i32
        %dma_wait3A_156 = tpu.memref_slice %arg13[%dma_wait3A_154, %dma_wait3A_155] : memref<4096x128xf32, #tpu.memory_space<vmem_shared>> -> memref<128x128xf32, #tpu.memory_space<vmem_shared>>
        tpu.wait_dma2 semaphore(%arg20 : memref<!tpu.dma_semaphore, #tpu.memory_space<semaphore_mem>>) src(%arg11 : memref<128x128xf32, #tpu.memory_space<vmem>>) dst(%dma_wait3A_156 : memref<128x128xf32, #tpu.memory_space<vmem_shared>>)
        %add3A_157 = arith.constant 3 : i32
        %add3A_158 = arith.addi %add3A_133, %add3A_157 : i32
        %dma_start3A_159 = arith.constant 0 : i32
        %dma_start3A_160 = tpu.memref_slice %arg7[%add3A_158, %dma_start3A_159] : memref<64x128xi32, #tpu.memory_space<vmem>> -> memref<1x128xi32, #tpu.memory_space<vmem>>
        %dma_start3A_161 = tpu.memref_squeeze %dma_start3A_160 : memref<1x128xi32, #tpu.memory_space<vmem>> -> memref<128xi32, #tpu.memory_space<vmem>>
        %dma_start3A_162 = arith.constant 0 : i32
        %dma_start3A_163 = arith.constant 0 : i32
        %dma_start3A_164 = tpu.memref_slice %arg4[%dma_start3A_162, %dma_start3A_163] : memref<4096x128xf32, #tpu.memory_space<hbm>> -> memref<4096x128xf32, #tpu.memory_space<hbm>>
        tpu.enqueue_indirect_dma source(%dma_start3A_164 : memref<4096x128xf32, #tpu.memory_space<hbm>>) target(%arg11 : memref<128x128xf32, #tpu.memory_space<vmem>>) offsets(%dma_start3A_161 : memref<128xi32, #tpu.memory_space<vmem>>) semaphore(%arg16 : memref<!tpu.dma_semaphore, #tpu.memory_space<semaphore_mem>>)
      } else {
      }
    }
    %scan3A_33 = arith.constant 16 : i32
    %dma_wait3A = arith.constant 0 : i32
    %dma_wait3A_34 = arith.constant 0 : i32
    %dma_wait3A_35 = tpu.memref_slice %arg13[%dma_wait3A, %dma_wait3A_34] : memref<4096x128xf32, #tpu.memory_space<vmem_shared>> -> memref<128x128xf32, #tpu.memory_space<vmem_shared>>
    %dma_wait3A_36 = arith.constant 0 : i32
    %dma_wait3A_37 = arith.constant 0 : i32
    %dma_wait3A_38 = tpu.memref_slice %arg13[%dma_wait3A_36, %dma_wait3A_37] : memref<4096x128xf32, #tpu.memory_space<vmem_shared>> -> memref<128x128xf32, #tpu.memory_space<vmem_shared>>
    tpu.wait_dma2 semaphore(%arg18 : memref<!tpu.dma_semaphore, #tpu.memory_space<semaphore_mem>>) src(%arg9 : memref<128x128xf32, #tpu.memory_space<vmem>>) dst(%dma_wait3A_38 : memref<128x128xf32, #tpu.memory_space<vmem_shared>>)
    %dma_wait3A_39 = arith.constant 0 : i32
    %dma_wait3A_40 = arith.constant 0 : i32
    %dma_wait3A_41 = tpu.memref_slice %arg13[%dma_wait3A_39, %dma_wait3A_40] : memref<4096x128xf32, #tpu.memory_space<vmem_shared>> -> memref<128x128xf32, #tpu.memory_space<vmem_shared>>
    %dma_wait3A_42 = arith.constant 0 : i32
    %dma_wait3A_43 = arith.constant 0 : i32
    %dma_wait3A_44 = tpu.memref_slice %arg13[%dma_wait3A_42, %dma_wait3A_43] : memref<4096x128xf32, #tpu.memory_space<vmem_shared>> -> memref<128x128xf32, #tpu.memory_space<vmem_shared>>
    tpu.wait_dma2 semaphore(%arg19 : memref<!tpu.dma_semaphore, #tpu.memory_space<semaphore_mem>>) src(%arg10 : memref<128x128xf32, #tpu.memory_space<vmem>>) dst(%dma_wait3A_44 : memref<128x128xf32, #tpu.memory_space<vmem_shared>>)
    %dma_wait3A_45 = arith.constant 0 : i32
    %dma_wait3A_46 = arith.constant 0 : i32
    %dma_wait3A_47 = tpu.memref_slice %arg13[%dma_wait3A_45, %dma_wait3A_46] : memref<4096x128xf32, #tpu.memory_space<vmem_shared>> -> memref<128x128xf32, #tpu.memory_space<vmem_shared>>
    %dma_wait3A_48 = arith.constant 0 : i32
    %dma_wait3A_49 = arith.constant 0 : i32
    %dma_wait3A_50 = tpu.memref_slice %arg13[%dma_wait3A_48, %dma_wait3A_49] : memref<4096x128xf32, #tpu.memory_space<vmem_shared>> -> memref<128x128xf32, #tpu.memory_space<vmem_shared>>
    tpu.wait_dma2 semaphore(%arg20 : memref<!tpu.dma_semaphore, #tpu.memory_space<semaphore_mem>>) src(%arg11 : memref<128x128xf32, #tpu.memory_space<vmem>>) dst(%dma_wait3A_50 : memref<128x128xf32, #tpu.memory_space<vmem_shared>>)
    %dma_wait3A_51 = arith.constant 0 : i32
    %dma_wait3A_52 = arith.constant 0 : i32
    %dma_wait3A_53 = tpu.memref_slice %arg13[%dma_wait3A_51, %dma_wait3A_52] : memref<4096x128xf32, #tpu.memory_space<vmem_shared>> -> memref<128x128xf32, #tpu.memory_space<vmem_shared>>
    %dma_wait3A_54 = arith.constant 0 : i32
    %dma_wait3A_55 = arith.constant 0 : i32
    %dma_wait3A_56 = tpu.memref_slice %arg13[%dma_wait3A_54, %dma_wait3A_55] : memref<4096x128xf32, #tpu.memory_space<vmem_shared>> -> memref<128x128xf32, #tpu.memory_space<vmem_shared>>
    tpu.wait_dma2 semaphore(%arg21 : memref<!tpu.dma_semaphore, #tpu.memory_space<semaphore_mem>>) src(%arg12 : memref<128x128xf32, #tpu.memory_space<vmem>>) dst(%dma_wait3A_56 : memref<128x128xf32, #tpu.memory_space<vmem_shared>>)
    %barrier3A_57 = arith.constant 0 : index
    tpu.barrier barrier_id(%barrier3A_57)
    %mul3A_58 = arith.constant 256 : i32
    %mul3A_59 = arith.muli %arg1, %mul3A_58 : i32
    %mul3A_60 = arith.constant 256 : i32
    %mul3A_61 = arith.muli %arg1, %mul3A_60 : i32
    "tpu.region"() ({
      %run_scoped3A = tpu.sem_alloc : memref<!tpu.dma_semaphore, #tpu.memory_space<semaphore_mem>>
      %dma_start3A_62 = arith.constant 0 : i32
      %dma_start3A_63 = tpu.memref_slice %arg6[%arg0, %mul3A_61, %dma_start3A_62] : memref<2x4096x128xf32, #tpu.memory_space<hbm>> -> memref<1x256x128xf32, #tpu.memory_space<hbm>>
      %dma_start3A_64 = tpu.memref_squeeze %dma_start3A_63 : memref<1x256x128xf32, #tpu.memory_space<hbm>> -> memref<256x128xf32, #tpu.memory_space<hbm>>
      %dma_start3A_65 = arith.constant 0 : i32
      %dma_start3A_66 = tpu.memref_slice %arg13[%mul3A_59, %dma_start3A_65] : memref<4096x128xf32, #tpu.memory_space<vmem_shared>> -> memref<256x128xf32, #tpu.memory_space<vmem_shared>>
      tpu.enqueue_dma source(%dma_start3A_66 : memref<256x128xf32, #tpu.memory_space<vmem_shared>>) target(%dma_start3A_64 : memref<256x128xf32, #tpu.memory_space<hbm>>) target_semaphore(%run_scoped3A : memref<!tpu.dma_semaphore, #tpu.memory_space<semaphore_mem>>)
      %dma_wait3A_67 = arith.constant 0 : i32
      %dma_wait3A_68 = tpu.memref_slice %arg6[%arg0, %mul3A_61, %dma_wait3A_67] : memref<2x4096x128xf32, #tpu.memory_space<hbm>> -> memref<1x256x128xf32, #tpu.memory_space<hbm>>
      %dma_wait3A_69 = tpu.memref_squeeze %dma_wait3A_68 : memref<1x256x128xf32, #tpu.memory_space<hbm>> -> memref<256x128xf32, #tpu.memory_space<hbm>>
      %dma_wait3A_70 = arith.constant 0 : i32
      %dma_wait3A_71 = tpu.memref_slice %arg13[%mul3A_59, %dma_wait3A_70] : memref<4096x128xf32, #tpu.memory_space<vmem_shared>> -> memref<256x128xf32, #tpu.memory_space<vmem_shared>>
      tpu.wait_dma2 semaphore(%run_scoped3A : memref<!tpu.dma_semaphore, #tpu.memory_space<semaphore_mem>>) src(%dma_wait3A_71 : memref<256x128xf32, #tpu.memory_space<vmem_shared>>) dst(%dma_wait3A_69 : memref<256x128xf32, #tpu.memory_space<hbm>>)
      tpu.yield
    }) : () -> ()
    return
  }
}

module attributes {stable_mosaic.version = 14 : i64} {
  func.func @_tc0_body(%arg0: memref<2x4096xf32, #tpu.memory_space<vmem>>, %arg1: memref<4096x128xf32, #tpu.memory_space<vmem>>, %arg2: memref<4096x1xf32, #tpu.memory_space<vmem>>, %arg3: memref<4096x128xf32, #tpu.memory_space<vmem>>) attributes {dimension_semantics = [], scalar_prefetch = 0 : i64, scratch_operands = 0 : i64, tpu.core_type = #tpu.core_type<tc>} {
    %get3A = arith.constant 0 : index
    %get3A_0 = arith.constant 0 : index
    %get3A_1 = vector.load %arg0[%get3A, %get3A_0] : memref<2x4096xf32, #tpu.memory_space<vmem>>, vector<2x4096xf32>
    %transpose3A = tpu.transpose %get3A_1, [1, 0] : vector<2x4096xf32> -> vector<4096x2xf32>
    %reduce_sum3A = arith.constant dense<0.000000e+00> : vector<4096xf32>
    %reduce_sum3A_2 = vector.multi_reduction <add>, %transpose3A, %reduce_sum3A [1] : vector<4096x2xf32> to vector<4096xf32>
    %broadcast_in_dim3A = vector.shape_cast %reduce_sum3A_2 : vector<4096xf32> to vector<4096x1xf32>
    %add3A = arith.constant 1.000000e+00 : f32
    %add3A_3 = vector.broadcast %add3A : f32 to vector<4096x1xf32>
    %add3A_4 = arith.addf %broadcast_in_dim3A, %add3A_3 : vector<4096x1xf32>
    %rsqrt3A = math.rsqrt %add3A_4 : vector<4096x1xf32>
    %swap3A = arith.constant 0 : index
    %swap3A_5 = arith.constant 0 : index
    %swap3A_6 = vector.load %arg2[%swap3A, %swap3A_5] : memref<4096x1xf32, #tpu.memory_space<vmem>>, vector<4096x1xf32>
    tpu.vector_store %arg2[%swap3A, %swap3A_5], %rsqrt3A {strides = array<i32>} : memref<4096x1xf32, #tpu.memory_space<vmem>>, vector<4096x1xf32>,
    %get3A_7 = arith.constant 0 : index
    %get3A_8 = arith.constant 0 : index
    %get3A_9 = vector.load %arg1[%get3A_7, %get3A_8] : memref<4096x128xf32, #tpu.memory_space<vmem>>, vector<4096x128xf32>
    %mul3A = vector.broadcast %rsqrt3A : vector<4096x1xf32> to vector<4096x128xf32>
    %mul3A_10 = arith.mulf %get3A_9, %mul3A : vector<4096x128xf32>
    %swap3A_11 = arith.constant 0 : index
    %swap3A_12 = arith.constant 0 : index
    %swap3A_13 = vector.load %arg3[%swap3A_11, %swap3A_12] : memref<4096x128xf32, #tpu.memory_space<vmem>>, vector<4096x128xf32>
    tpu.vector_store %arg3[%swap3A_11, %swap3A_12], %mul3A_10 {strides = array<i32>} : memref<4096x128xf32, #tpu.memory_space<vmem>>, vector<4096x128xf32>,
    return
  }
}

module attributes {stable_mosaic.version = 14 : i64} {
  func.func @_tc_u0_body(%arg0: memref<4096x128xf32, #tpu.memory_space<vmem>>, %arg1: memref<128x128xf32, #tpu.memory_space<vmem>>, %arg2: memref<4096x128xf32, #tpu.memory_space<vmem>>) attributes {dimension_semantics = [], scalar_prefetch = 0 : i64, scratch_operands = 0 : i64, tpu.core_type = #tpu.core_type<tc>} {
    %get3A = arith.constant 0 : index
    %get3A_0 = arith.constant 0 : index
    %get3A_1 = vector.load %arg0[%get3A, %get3A_0] : memref<4096x128xf32, #tpu.memory_space<vmem>>, vector<4096x128xf32>
    %get3A_2 = arith.constant 0 : index
    %get3A_3 = arith.constant 0 : index
    %get3A_4 = vector.load %arg1[%get3A_2, %get3A_3] : memref<128x128xf32, #tpu.memory_space<vmem>>, vector<128x128xf32>
    %dot_general3A = arith.constant dense<0.000000e+00> : vector<4096x128xf32>
    %dot_general3A_5 = tpu.matmul %get3A_1, %get3A_4, %dot_general3A {dimension_numbers = #tpu.dot_dimension_numbers<[1], [1], [0], [0], [0, 0, 1, 0], [], []>, transpose_lhs_hint = false} : vector<4096x128xf32>, vector<128x128xf32>, vector<4096x128xf32> -> vector<4096x128xf32>
    %swap3A = arith.constant 0 : index
    %swap3A_6 = arith.constant 0 : index
    %swap3A_7 = vector.load %arg2[%swap3A, %swap3A_6] : memref<4096x128xf32, #tpu.memory_space<vmem>>, vector<4096x128xf32>
    tpu.vector_store %arg2[%swap3A, %swap3A_6], %dot_general3A_5 {strides = array<i32>} : memref<4096x128xf32, #tpu.memory_space<vmem>>, vector<4096x128xf32>,
    return
  }
}

module attributes {stable_mosaic.version = 14 : i64} {
  func.func @_tc_mid_body(%arg0: memref<2x4096x128xf32, #tpu.memory_space<vmem>>, %arg1: memref<4096x128xf32, #tpu.memory_space<vmem>>, %arg2: memref<4096x1xf32, #tpu.memory_space<vmem>>, %arg3: memref<1x128xf32, #tpu.memory_space<vmem>>, %arg4: memref<1x128xf32, #tpu.memory_space<vmem>>, %arg5: memref<1x128xf32, #tpu.memory_space<vmem>>, %arg6: memref<128x128xf32, #tpu.memory_space<vmem>>, %arg7: memref<4096x128xf32, #tpu.memory_space<vmem>>) attributes {dimension_semantics = [], scalar_prefetch = 0 : i64, scratch_operands = 0 : i64, tpu.core_type = #tpu.core_type<tc>} {
    %get3A = arith.constant 0 : index
    %get3A_0 = arith.constant 0 : index
    %get3A_1 = vector.load %arg2[%get3A, %get3A_0] : memref<4096x1xf32, #tpu.memory_space<vmem>>, vector<4096x1xf32>
    %get3A_2 = arith.constant 0 : index
    %get3A_3 = arith.constant 0 : index
    %get3A_4 = arith.constant 0 : index
    %get3A_5 = vector.load %arg0[%get3A_2, %get3A_3, %get3A_4] : memref<2x4096x128xf32, #tpu.memory_space<vmem>>, vector<1x4096x128xf32>
    %get3A_6 = vector.shape_cast %get3A_5 : vector<1x4096x128xf32> to vector<4096x128xf32>
    %get3A_7 = arith.constant 1 : index
    %get3A_8 = arith.constant 0 : index
    %get3A_9 = arith.constant 0 : index
    %get3A_10 = vector.load %arg0[%get3A_7, %get3A_8, %get3A_9] : memref<2x4096x128xf32, #tpu.memory_space<vmem>>, vector<1x4096x128xf32>
    %get3A_11 = vector.shape_cast %get3A_10 : vector<1x4096x128xf32> to vector<4096x128xf32>
    %add3A = arith.addf %get3A_6, %get3A_11 : vector<4096x128xf32>
    %get3A_12 = arith.constant 0 : index
    %get3A_13 = arith.constant 0 : index
    %get3A_14 = vector.load %arg1[%get3A_12, %get3A_13] : memref<4096x128xf32, #tpu.memory_space<vmem>>, vector<4096x128xf32>
    %add3A_15 = arith.addf %add3A, %get3A_14 : vector<4096x128xf32>
    %mul3A = vector.broadcast %get3A_1 : vector<4096x1xf32> to vector<4096x128xf32>
    %mul3A_16 = arith.mulf %add3A_15, %mul3A : vector<4096x128xf32>
    %get3A_17 = arith.constant 0 : index
    %get3A_18 = arith.constant 0 : index
    %get3A_19 = vector.load %arg3[%get3A_17, %get3A_18] : memref<1x128xf32, #tpu.memory_space<vmem>>, vector<1x128xf32>
    %add3A_20 = vector.broadcast %get3A_19 : vector<1x128xf32> to vector<4096x128xf32>
    %add3A_21 = arith.addf %mul3A_16, %add3A_20 : vector<4096x128xf32>
    %get3A_22 = arith.constant 0 : index
    %get3A_23 = arith.constant 0 : index
    %get3A_24 = vector.load %arg4[%get3A_22, %get3A_23] : memref<1x128xf32, #tpu.memory_space<vmem>>, vector<1x128xf32>
    %mul3A_25 = vector.broadcast %get3A_24 : vector<1x128xf32> to vector<4096x128xf32>
    %mul3A_26 = arith.mulf %add3A_21, %mul3A_25 : vector<4096x128xf32>
    %get3A_27 = arith.constant 0 : index
    %get3A_28 = arith.constant 0 : index
    %get3A_29 = vector.load %arg5[%get3A_27, %get3A_28] : memref<1x128xf32, #tpu.memory_space<vmem>>, vector<1x128xf32>
    %add3A_30 = vector.broadcast %get3A_29 : vector<1x128xf32> to vector<4096x128xf32>
    %add3A_31 = arith.addf %mul3A_26, %add3A_30 : vector<4096x128xf32>
    %max3A = arith.constant 0.000000e+00 : f32
    %max3A_32 = vector.broadcast %max3A : f32 to vector<4096x128xf32>
    %max3A_33 = arith.maximumf %add3A_31, %max3A_32 : vector<4096x128xf32>
    %get3A_34 = arith.constant 0 : index
    %get3A_35 = arith.constant 0 : index
    %get3A_36 = vector.load %arg6[%get3A_34, %get3A_35] : memref<128x128xf32, #tpu.memory_space<vmem>>, vector<128x128xf32>
    %dot_general3A = arith.constant dense<0.000000e+00> : vector<4096x128xf32>
    %dot_general3A_37 = tpu.matmul %max3A_33, %get3A_36, %dot_general3A {dimension_numbers = #tpu.dot_dimension_numbers<[1], [1], [0], [0], [0, 0, 1, 0], [], []>, transpose_lhs_hint = false} : vector<4096x128xf32>, vector<128x128xf32>, vector<4096x128xf32> -> vector<4096x128xf32>
    %mul3A_38 = vector.broadcast %get3A_1 : vector<4096x1xf32> to vector<4096x128xf32>
    %mul3A_39 = arith.mulf %dot_general3A_37, %mul3A_38 : vector<4096x128xf32>
    %swap3A = arith.constant 0 : index
    %swap3A_40 = arith.constant 0 : index
    %swap3A_41 = vector.load %arg7[%swap3A, %swap3A_40] : memref<4096x128xf32, #tpu.memory_space<vmem>>, vector<4096x128xf32>
    tpu.vector_store %arg7[%swap3A, %swap3A_40], %mul3A_39 {strides = array<i32>} : memref<4096x128xf32, #tpu.memory_space<vmem>>, vector<4096x128xf32>,
    return
  }
}

module attributes {stable_mosaic.version = 14 : i64} {
  func.func @_tc_qkv_body(%arg0: memref<2x4096x128xf32, #tpu.memory_space<vmem>>, %arg1: memref<4096x128xf32, #tpu.memory_space<vmem>>, %arg2: memref<4096x1xf32, #tpu.memory_space<vmem>>, %arg3: memref<1x128xf32, #tpu.memory_space<vmem>>, %arg4: memref<384x128xf32, #tpu.memory_space<vmem>>, %arg5: memref<1x384xf32, #tpu.memory_space<vmem>>, %arg6: memref<4096x128xf32, #tpu.memory_space<vmem>>, %arg7: memref<128x4096xbf16, #tpu.memory_space<vmem>>, %arg8: memref<4096x128xbf16, #tpu.memory_space<vmem>>) attributes {dimension_semantics = [], scalar_prefetch = 0 : i64, scratch_operands = 0 : i64, tpu.core_type = #tpu.core_type<tc>} {
    %get3A = arith.constant 0 : index
    %get3A_0 = arith.constant 0 : index
    %get3A_1 = arith.constant 0 : index
    %get3A_2 = vector.load %arg0[%get3A, %get3A_0, %get3A_1] : memref<2x4096x128xf32, #tpu.memory_space<vmem>>, vector<1x4096x128xf32>
    %get3A_3 = vector.shape_cast %get3A_2 : vector<1x4096x128xf32> to vector<4096x128xf32>
    %get3A_4 = arith.constant 1 : index
    %get3A_5 = arith.constant 0 : index
    %get3A_6 = arith.constant 0 : index
    %get3A_7 = vector.load %arg0[%get3A_4, %get3A_5, %get3A_6] : memref<2x4096x128xf32, #tpu.memory_space<vmem>>, vector<1x4096x128xf32>
    %get3A_8 = vector.shape_cast %get3A_7 : vector<1x4096x128xf32> to vector<4096x128xf32>
    %add3A = arith.addf %get3A_3, %get3A_8 : vector<4096x128xf32>
    %get3A_9 = arith.constant 0 : index
    %get3A_10 = arith.constant 0 : index
    %get3A_11 = vector.load %arg1[%get3A_9, %get3A_10] : memref<4096x128xf32, #tpu.memory_space<vmem>>, vector<4096x128xf32>
    %add3A_12 = arith.addf %add3A, %get3A_11 : vector<4096x128xf32>
    %get3A_13 = arith.constant 0 : index
    %get3A_14 = arith.constant 0 : index
    %get3A_15 = vector.load %arg2[%get3A_13, %get3A_14] : memref<4096x1xf32, #tpu.memory_space<vmem>>, vector<4096x1xf32>
    %mul3A = vector.broadcast %get3A_15 : vector<4096x1xf32> to vector<4096x128xf32>
    %mul3A_16 = arith.mulf %add3A_12, %mul3A : vector<4096x128xf32>
    %get3A_17 = arith.constant 0 : index
    %get3A_18 = arith.constant 0 : index
    %get3A_19 = vector.load %arg3[%get3A_17, %get3A_18] : memref<1x128xf32, #tpu.memory_space<vmem>>, vector<1x128xf32>
    %add3A_20 = vector.broadcast %get3A_19 : vector<1x128xf32> to vector<4096x128xf32>
    %add3A_21 = arith.addf %mul3A_16, %add3A_20 : vector<4096x128xf32>
    %get3A_22 = arith.constant 0 : index
    %get3A_23 = arith.constant 0 : index
    %get3A_24 = vector.load %arg4[%get3A_22, %get3A_23] : memref<384x128xf32, #tpu.memory_space<vmem>>, vector<384x128xf32>
    %dot_general3A = arith.constant dense<0.000000e+00> : vector<4096x384xf32>
    %dot_general3A_25 = tpu.matmul %add3A_21, %get3A_24, %dot_general3A {dimension_numbers = #tpu.dot_dimension_numbers<[1], [1], [0], [0], [0, 0, 1, 0], [], []>, transpose_lhs_hint = false} : vector<4096x128xf32>, vector<384x128xf32>, vector<4096x384xf32> -> vector<4096x384xf32>
    %get3A_26 = arith.constant 0 : index
    %get3A_27 = arith.constant 0 : index
    %get3A_28 = vector.load %arg5[%get3A_26, %get3A_27] : memref<1x384xf32, #tpu.memory_space<vmem>>, vector<1x384xf32>
    %add3A_29 = vector.broadcast %get3A_28 : vector<1x384xf32> to vector<4096x384xf32>
    %add3A_30 = arith.addf %dot_general3A_25, %add3A_29 : vector<4096x384xf32>
    %slice3A = vector.extract_strided_slice %add3A_30 {offsets = [0, 0], sizes = [4096, 128], strides = [1, 1]} : vector<4096x384xf32> to vector<4096x128xf32>
    %swap3A = arith.constant 0 : index
    %swap3A_31 = arith.constant 0 : index
    %swap3A_32 = vector.load %arg6[%swap3A, %swap3A_31] : memref<4096x128xf32, #tpu.memory_space<vmem>>, vector<4096x128xf32>
    tpu.vector_store %arg6[%swap3A, %swap3A_31], %slice3A {strides = array<i32>} : memref<4096x128xf32, #tpu.memory_space<vmem>>, vector<4096x128xf32>,
    %slice3A_33 = vector.extract_strided_slice %add3A_30 {offsets = [0, 128], sizes = [4096, 128], strides = [1, 1]} : vector<4096x384xf32> to vector<4096x128xf32>
    %transpose3A = tpu.transpose %slice3A_33, [1, 0] : vector<4096x128xf32> -> vector<128x4096xf32>
    %convert_element_type3A = arith.truncf %transpose3A : vector<128x4096xf32> to vector<128x4096xbf16>
    %swap3A_34 = arith.constant 0 : index
    %swap3A_35 = arith.constant 0 : index
    %swap3A_36 = vector.load %arg7[%swap3A_34, %swap3A_35] : memref<128x4096xbf16, #tpu.memory_space<vmem>>, vector<128x4096xbf16>
    tpu.vector_store %arg7[%swap3A_34, %swap3A_35], %convert_element_type3A {strides = array<i32>} : memref<128x4096xbf16, #tpu.memory_space<vmem>>, vector<128x4096xbf16>,
    %slice3A_37 = vector.extract_strided_slice %add3A_30 {offsets = [0, 256], sizes = [4096, 128], strides = [1, 1]} : vector<4096x384xf32> to vector<4096x128xf32>
    %convert_element_type3A_38 = arith.truncf %slice3A_37 : vector<4096x128xf32> to vector<4096x128xbf16>
    %swap3A_39 = arith.constant 0 : index
    %swap3A_40 = arith.constant 0 : index
    %swap3A_41 = vector.load %arg8[%swap3A_39, %swap3A_40] : memref<4096x128xbf16, #tpu.memory_space<vmem>>, vector<4096x128xbf16>
    tpu.vector_store %arg8[%swap3A_39, %swap3A_40], %convert_element_type3A_38 {strides = array<i32>} : memref<4096x128xbf16, #tpu.memory_space<vmem>>, vector<4096x128xbf16>,
    return
  }
}

module attributes {stable_mosaic.version = 14 : i64} {
  func.func @_tc_attn_body(%arg0: i32, %arg1: memref<512x128xf32, #tpu.memory_space<vmem>>, %arg2: memref<128x4096xbf16, #tpu.memory_space<vmem>>, %arg3: memref<4096x128xbf16, #tpu.memory_space<vmem>>, %arg4: memref<128x128xf32, #tpu.memory_space<vmem>>, %arg5: memref<1x128xf32, #tpu.memory_space<vmem>>, %arg6: memref<64x128xf32, #tpu.memory_space<vmem>>, %arg7: memref<1x64xf32, #tpu.memory_space<vmem>>, %arg8: memref<16x64xf32, #tpu.memory_space<vmem>>, %arg9: memref<1x16xf32, #tpu.memory_space<vmem>>, %arg10: memref<512x16xf32, #tpu.memory_space<vmem>>) attributes {dimension_semantics = [#tpu.dimension_semantics<arbitrary>], iteration_bounds = array<i64: 8>, scalar_prefetch = 0 : i64, scratch_operands = 0 : i64, tpu.core_type = #tpu.core_type<tc>, window_params = [{transform_indices = @transform_0, window_bounds = array<i64: 512, 128>}, {pipeline_mode = #tpu.pipeline_mode<synchronous>, transform_indices = @transform_1, window_bounds = array<i64: 128, 4096>}, {pipeline_mode = #tpu.pipeline_mode<synchronous>, transform_indices = @transform_2, window_bounds = array<i64: 4096, 128>}, {pipeline_mode = #tpu.pipeline_mode<synchronous>, transform_indices = @transform_3, window_bounds = array<i64: 128, 128>}, {pipeline_mode = #tpu.pipeline_mode<synchronous>, transform_indices = @transform_4, window_bounds = array<i64: 1, 128>}, {pipeline_mode = #tpu.pipeline_mode<synchronous>, transform_indices = @transform_5, window_bounds = array<i64: 64, 128>}, {pipeline_mode = #tpu.pipeline_mode<synchronous>, transform_indices = @transform_6, window_bounds = array<i64: 1, 64>}, {pipeline_mode = #tpu.pipeline_mode<synchronous>, transform_indices = @transform_7, window_bounds = array<i64: 16, 64>}, {pipeline_mode = #tpu.pipeline_mode<synchronous>, transform_indices = @transform_8, window_bounds = array<i64: 1, 16>}, {transform_indices = @transform_9, window_bounds = array<i64: 512, 16>}]} {
    %get3A = arith.constant 0 : index
    %get3A_0 = arith.constant 0 : index
    %get3A_1 = vector.load %arg1[%get3A, %get3A_0] : memref<512x128xf32, #tpu.memory_space<vmem>>, vector<512x128xf32>
    %get3A_2 = arith.constant 0 : index
    %get3A_3 = arith.constant 0 : index
    %get3A_4 = vector.load %arg3[%get3A_2, %get3A_3] : memref<4096x128xbf16, #tpu.memory_space<vmem>>, vector<4096x128xbf16>
    %broadcast_in_dim3A = arith.constant 1.000000e+00 : bf16
    %broadcast_in_dim3A_5 = vector.broadcast %broadcast_in_dim3A : bf16 to vector<4096x1xbf16>
    %slice3A = vector.extract_strided_slice %get3A_1 {offsets = [0, 0], sizes = [512, 16], strides = [1, 1]} : vector<512x128xf32> to vector<512x16xf32>
    %mul3A = arith.constant 0.360673755 : f32
    %mul3A_6 = vector.broadcast %mul3A : f32 to vector<512x16xf32>
    %mul3A_7 = arith.mulf %slice3A, %mul3A_6 : vector<512x16xf32>
    %convert_element_type3A = arith.truncf %mul3A_7 : vector<512x16xf32> to vector<512x16xbf16>
    %get3A_8 = arith.constant 0 : index
    %get3A_9 = arith.constant 0 : index
    %get3A_10 = vector.load %arg2[%get3A_8, %get3A_9] : memref<128x4096xbf16, #tpu.memory_space<vmem>>, vector<16x4096xbf16>
    %dot_general3A = arith.constant dense<0.000000e+00> : vector<512x4096xf32>
    %dot_general3A_11 = tpu.matmul %convert_element_type3A, %get3A_10, %dot_general3A {dimension_numbers = #tpu.dot_dimension_numbers<[1], [0], [0], [1], [0, 0, 1, 1], [], []>, transpose_lhs_hint = false} : vector<512x16xbf16>, vector<16x4096xbf16>, vector<512x4096xf32> -> vector<512x4096xf32>
    %reduce_max3A = arith.constant dense<0xFF800000> : vector<512xf32>
    %reduce_max3A_12 = vector.multi_reduction <maximumf>, %dot_general3A_11, %reduce_max3A [1] : vector<512x4096xf32> to vector<512xf32>
    %broadcast_in_dim3A_13 = vector.shape_cast %reduce_max3A_12 : vector<512xf32> to vector<512x1xf32>
    %sub3A = vector.broadcast %broadcast_in_dim3A_13 : vector<512x1xf32> to vector<512x4096xf32>
    %sub3A_14 = arith.subf %dot_general3A_11, %sub3A : vector<512x4096xf32>
    %convert_element_type3A_15 = arith.truncf %sub3A_14 : vector<512x4096xf32> to vector<512x4096xbf16>
    %exp23A = math.exp2 %convert_element_type3A_15 : vector<512x4096xbf16>
    %slice3A_16 = vector.extract_strided_slice %get3A_4 {offsets = [0, 0], sizes = [4096, 16], strides = [1, 1]} : vector<4096x128xbf16> to vector<4096x16xbf16>
    %concatenate3A = tpu.concatenate %slice3A_16, %broadcast_in_dim3A_5 in 1 : vector<4096x16xbf16>, vector<4096x1xbf16> -> vector<4096x17xbf16>
    %dot_general3A_17 = arith.constant dense<0.000000e+00> : vector<512x17xf32>
    %dot_general3A_18 = tpu.matmul %exp23A, %concatenate3A, %dot_general3A_17 {dimension_numbers = #tpu.dot_dimension_numbers<[1], [0], [0], [1], [0, 0, 1, 1], [], []>, transpose_lhs_hint = false} : vector<512x4096xbf16>, vector<4096x17xbf16>, vector<512x17xf32> -> vector<512x17xf32>
    %slice3A_19 = vector.extract_strided_slice %dot_general3A_18 {offsets = [0, 0], sizes = [512, 16], strides = [1, 1]} : vector<512x17xf32> to vector<512x16xf32>
    %slice3A_20 = vector.extract_strided_slice %dot_general3A_18 {offsets = [0, 16], sizes = [512, 1], strides = [1, 1]} : vector<512x17xf32> to vector<512x1xf32>
    %div3A = vector.broadcast %slice3A_20 : vector<512x1xf32> to vector<512x16xf32>
    %div3A_21 = arith.divf %slice3A_19, %div3A : vector<512x16xf32>
    %slice3A_22 = vector.extract_strided_slice %get3A_1 {offsets = [0, 16], sizes = [512, 16], strides = [1, 1]} : vector<512x128xf32> to vector<512x16xf32>
    %mul3A_23 = arith.constant 0.360673755 : f32
    %mul3A_24 = vector.broadcast %mul3A_23 : f32 to vector<512x16xf32>
    %mul3A_25 = arith.mulf %slice3A_22, %mul3A_24 : vector<512x16xf32>
    %convert_element_type3A_26 = arith.truncf %mul3A_25 : vector<512x16xf32> to vector<512x16xbf16>
    %get3A_27 = arith.constant 16 : index
    %get3A_28 = arith.constant 0 : index
    %get3A_29 = vector.load %arg2[%get3A_27, %get3A_28] : memref<128x4096xbf16, #tpu.memory_space<vmem>>, vector<16x4096xbf16>
    %dot_general3A_30 = arith.constant dense<0.000000e+00> : vector<512x4096xf32>
    %dot_general3A_31 = tpu.matmul %convert_element_type3A_26, %get3A_29, %dot_general3A_30 {dimension_numbers = #tpu.dot_dimension_numbers<[1], [0], [0], [1], [0, 0, 1, 1], [], []>, transpose_lhs_hint = false} : vector<512x16xbf16>, vector<16x4096xbf16>, vector<512x4096xf32> -> vector<512x4096xf32>
    %reduce_max3A_32 = arith.constant dense<0xFF800000> : vector<512xf32>
    %reduce_max3A_33 = vector.multi_reduction <maximumf>, %dot_general3A_31, %reduce_max3A_32 [1] : vector<512x4096xf32> to vector<512xf32>
    %broadcast_in_dim3A_34 = vector.shape_cast %reduce_max3A_33 : vector<512xf32> to vector<512x1xf32>
    %sub3A_35 = vector.broadcast %broadcast_in_dim3A_34 : vector<512x1xf32> to vector<512x4096xf32>
    %sub3A_36 = arith.subf %dot_general3A_31, %sub3A_35 : vector<512x4096xf32>
    %convert_element_type3A_37 = arith.truncf %sub3A_36 : vector<512x4096xf32> to vector<512x4096xbf16>
    %exp23A_38 = math.exp2 %convert_element_type3A_37 : vector<512x4096xbf16>
    %slice3A_39 = vector.extract_strided_slice %get3A_4 {offsets = [0, 16], sizes = [4096, 16], strides = [1, 1]} : vector<4096x128xbf16> to vector<4096x16xbf16>
    %concatenate3A_40 = tpu.concatenate %slice3A_39, %broadcast_in_dim3A_5 in 1 : vector<4096x16xbf16>, vector<4096x1xbf16> -> vector<4096x17xbf16>
    %dot_general3A_41 = arith.constant dense<0.000000e+00> : vector<512x17xf32>
    %dot_general3A_42 = tpu.matmul %exp23A_38, %concatenate3A_40, %dot_general3A_41 {dimension_numbers = #tpu.dot_dimension_numbers<[1], [0], [0], [1], [0, 0, 1, 1], [], []>, transpose_lhs_hint = false} : vector<512x4096xbf16>, vector<4096x17xbf16>, vector<512x17xf32> -> vector<512x17xf32>
    %slice3A_43 = vector.extract_strided_slice %dot_general3A_42 {offsets = [0, 0], sizes = [512, 16], strides = [1, 1]} : vector<512x17xf32> to vector<512x16xf32>
    %slice3A_44 = vector.extract_strided_slice %dot_general3A_42 {offsets = [0, 16], sizes = [512, 1], strides = [1, 1]} : vector<512x17xf32> to vector<512x1xf32>
    %div3A_45 = vector.broadcast %slice3A_44 : vector<512x1xf32> to vector<512x16xf32>
    %div3A_46 = arith.divf %slice3A_43, %div3A_45 : vector<512x16xf32>
    %slice3A_47 = vector.extract_strided_slice %get3A_1 {offsets = [0, 32], sizes = [512, 16], strides = [1, 1]} : vector<512x128xf32> to vector<512x16xf32>
    %mul3A_48 = arith.constant 0.360673755 : f32
    %mul3A_49 = vector.broadcast %mul3A_48 : f32 to vector<512x16xf32>
    %mul3A_50 = arith.mulf %slice3A_47, %mul3A_49 : vector<512x16xf32>
    %convert_element_type3A_51 = arith.truncf %mul3A_50 : vector<512x16xf32> to vector<512x16xbf16>
    %get3A_52 = arith.constant 32 : index
    %get3A_53 = arith.constant 0 : index
    %get3A_54 = vector.load %arg2[%get3A_52, %get3A_53] : memref<128x4096xbf16, #tpu.memory_space<vmem>>, vector<16x4096xbf16>
    %dot_general3A_55 = arith.constant dense<0.000000e+00> : vector<512x4096xf32>
    %dot_general3A_56 = tpu.matmul %convert_element_type3A_51, %get3A_54, %dot_general3A_55 {dimension_numbers = #tpu.dot_dimension_numbers<[1], [0], [0], [1], [0, 0, 1, 1], [], []>, transpose_lhs_hint = false} : vector<512x16xbf16>, vector<16x4096xbf16>, vector<512x4096xf32> -> vector<512x4096xf32>
    %reduce_max3A_57 = arith.constant dense<0xFF800000> : vector<512xf32>
    %reduce_max3A_58 = vector.multi_reduction <maximumf>, %dot_general3A_56, %reduce_max3A_57 [1] : vector<512x4096xf32> to vector<512xf32>
    %broadcast_in_dim3A_59 = vector.shape_cast %reduce_max3A_58 : vector<512xf32> to vector<512x1xf32>
    %sub3A_60 = vector.broadcast %broadcast_in_dim3A_59 : vector<512x1xf32> to vector<512x4096xf32>
    %sub3A_61 = arith.subf %dot_general3A_56, %sub3A_60 : vector<512x4096xf32>
    %convert_element_type3A_62 = arith.truncf %sub3A_61 : vector<512x4096xf32> to vector<512x4096xbf16>
    %exp23A_63 = math.exp2 %convert_element_type3A_62 : vector<512x4096xbf16>
    %slice3A_64 = vector.extract_strided_slice %get3A_4 {offsets = [0, 32], sizes = [4096, 16], strides = [1, 1]} : vector<4096x128xbf16> to vector<4096x16xbf16>
    %concatenate3A_65 = tpu.concatenate %slice3A_64, %broadcast_in_dim3A_5 in 1 : vector<4096x16xbf16>, vector<4096x1xbf16> -> vector<4096x17xbf16>
    %dot_general3A_66 = arith.constant dense<0.000000e+00> : vector<512x17xf32>
    %dot_general3A_67 = tpu.matmul %exp23A_63, %concatenate3A_65, %dot_general3A_66 {dimension_numbers = #tpu.dot_dimension_numbers<[1], [0], [0], [1], [0, 0, 1, 1], [], []>, transpose_lhs_hint = false} : vector<512x4096xbf16>, vector<4096x17xbf16>, vector<512x17xf32> -> vector<512x17xf32>
    %slice3A_68 = vector.extract_strided_slice %dot_general3A_67 {offsets = [0, 0], sizes = [512, 16], strides = [1, 1]} : vector<512x17xf32> to vector<512x16xf32>
    %slice3A_69 = vector.extract_strided_slice %dot_general3A_67 {offsets = [0, 16], sizes = [512, 1], strides = [1, 1]} : vector<512x17xf32> to vector<512x1xf32>
    %div3A_70 = vector.broadcast %slice3A_69 : vector<512x1xf32> to vector<512x16xf32>
    %div3A_71 = arith.divf %slice3A_68, %div3A_70 : vector<512x16xf32>
    %slice3A_72 = vector.extract_strided_slice %get3A_1 {offsets = [0, 48], sizes = [512, 16], strides = [1, 1]} : vector<512x128xf32> to vector<512x16xf32>
    %mul3A_73 = arith.constant 0.360673755 : f32
    %mul3A_74 = vector.broadcast %mul3A_73 : f32 to vector<512x16xf32>
    %mul3A_75 = arith.mulf %slice3A_72, %mul3A_74 : vector<512x16xf32>
    %convert_element_type3A_76 = arith.truncf %mul3A_75 : vector<512x16xf32> to vector<512x16xbf16>
    %get3A_77 = arith.constant 48 : index
    %get3A_78 = arith.constant 0 : index
    %get3A_79 = vector.load %arg2[%get3A_77, %get3A_78] : memref<128x4096xbf16, #tpu.memory_space<vmem>>, vector<16x4096xbf16>
    %dot_general3A_80 = arith.constant dense<0.000000e+00> : vector<512x4096xf32>
    %dot_general3A_81 = tpu.matmul %convert_element_type3A_76, %get3A_79, %dot_general3A_80 {dimension_numbers = #tpu.dot_dimension_numbers<[1], [0], [0], [1], [0, 0, 1, 1], [], []>, transpose_lhs_hint = false} : vector<512x16xbf16>, vector<16x4096xbf16>, vector<512x4096xf32> -> vector<512x4096xf32>
    %reduce_max3A_82 = arith.constant dense<0xFF800000> : vector<512xf32>
    %reduce_max3A_83 = vector.multi_reduction <maximumf>, %dot_general3A_81, %reduce_max3A_82 [1] : vector<512x4096xf32> to vector<512xf32>
    %broadcast_in_dim3A_84 = vector.shape_cast %reduce_max3A_83 : vector<512xf32> to vector<512x1xf32>
    %sub3A_85 = vector.broadcast %broadcast_in_dim3A_84 : vector<512x1xf32> to vector<512x4096xf32>
    %sub3A_86 = arith.subf %dot_general3A_81, %sub3A_85 : vector<512x4096xf32>
    %convert_element_type3A_87 = arith.truncf %sub3A_86 : vector<512x4096xf32> to vector<512x4096xbf16>
    %exp23A_88 = math.exp2 %convert_element_type3A_87 : vector<512x4096xbf16>
    %slice3A_89 = vector.extract_strided_slice %get3A_4 {offsets = [0, 48], sizes = [4096, 16], strides = [1, 1]} : vector<4096x128xbf16> to vector<4096x16xbf16>
    %concatenate3A_90 = tpu.concatenate %slice3A_89, %broadcast_in_dim3A_5 in 1 : vector<4096x16xbf16>, vector<4096x1xbf16> -> vector<4096x17xbf16>
    %dot_general3A_91 = arith.constant dense<0.000000e+00> : vector<512x17xf32>
    %dot_general3A_92 = tpu.matmul %exp23A_88, %concatenate3A_90, %dot_general3A_91 {dimension_numbers = #tpu.dot_dimension_numbers<[1], [0], [0], [1], [0, 0, 1, 1], [], []>, transpose_lhs_hint = false} : vector<512x4096xbf16>, vector<4096x17xbf16>, vector<512x17xf32> -> vector<512x17xf32>
    %slice3A_93 = vector.extract_strided_slice %dot_general3A_92 {offsets = [0, 0], sizes = [512, 16], strides = [1, 1]} : vector<512x17xf32> to vector<512x16xf32>
    %slice3A_94 = vector.extract_strided_slice %dot_general3A_92 {offsets = [0, 16], sizes = [512, 1], strides = [1, 1]} : vector<512x17xf32> to vector<512x1xf32>
    %div3A_95 = vector.broadcast %slice3A_94 : vector<512x1xf32> to vector<512x16xf32>
    %div3A_96 = arith.divf %slice3A_93, %div3A_95 : vector<512x16xf32>
    %slice3A_97 = vector.extract_strided_slice %get3A_1 {offsets = [0, 64], sizes = [512, 16], strides = [1, 1]} : vector<512x128xf32> to vector<512x16xf32>
    %mul3A_98 = arith.constant 0.360673755 : f32
    %mul3A_99 = vector.broadcast %mul3A_98 : f32 to vector<512x16xf32>
    %mul3A_100 = arith.mulf %slice3A_97, %mul3A_99 : vector<512x16xf32>
    %convert_element_type3A_101 = arith.truncf %mul3A_100 : vector<512x16xf32> to vector<512x16xbf16>
    %get3A_102 = arith.constant 64 : index
    %get3A_103 = arith.constant 0 : index
    %get3A_104 = vector.load %arg2[%get3A_102, %get3A_103] : memref<128x4096xbf16, #tpu.memory_space<vmem>>, vector<16x4096xbf16>
    %dot_general3A_105 = arith.constant dense<0.000000e+00> : vector<512x4096xf32>
    %dot_general3A_106 = tpu.matmul %convert_element_type3A_101, %get3A_104, %dot_general3A_105 {dimension_numbers = #tpu.dot_dimension_numbers<[1], [0], [0], [1], [0, 0, 1, 1], [], []>, transpose_lhs_hint = false} : vector<512x16xbf16>, vector<16x4096xbf16>, vector<512x4096xf32> -> vector<512x4096xf32>
    %reduce_max3A_107 = arith.constant dense<0xFF800000> : vector<512xf32>
    %reduce_max3A_108 = vector.multi_reduction <maximumf>, %dot_general3A_106, %reduce_max3A_107 [1] : vector<512x4096xf32> to vector<512xf32>
    %broadcast_in_dim3A_109 = vector.shape_cast %reduce_max3A_108 : vector<512xf32> to vector<512x1xf32>
    %sub3A_110 = vector.broadcast %broadcast_in_dim3A_109 : vector<512x1xf32> to vector<512x4096xf32>
    %sub3A_111 = arith.subf %dot_general3A_106, %sub3A_110 : vector<512x4096xf32>
    %convert_element_type3A_112 = arith.truncf %sub3A_111 : vector<512x4096xf32> to vector<512x4096xbf16>
    %exp23A_113 = math.exp2 %convert_element_type3A_112 : vector<512x4096xbf16>
    %slice3A_114 = vector.extract_strided_slice %get3A_4 {offsets = [0, 64], sizes = [4096, 16], strides = [1, 1]} : vector<4096x128xbf16> to vector<4096x16xbf16>
    %concatenate3A_115 = tpu.concatenate %slice3A_114, %broadcast_in_dim3A_5 in 1 : vector<4096x16xbf16>, vector<4096x1xbf16> -> vector<4096x17xbf16>
    %dot_general3A_116 = arith.constant dense<0.000000e+00> : vector<512x17xf32>
    %dot_general3A_117 = tpu.matmul %exp23A_113, %concatenate3A_115, %dot_general3A_116 {dimension_numbers = #tpu.dot_dimension_numbers<[1], [0], [0], [1], [0, 0, 1, 1], [], []>, transpose_lhs_hint = false} : vector<512x4096xbf16>, vector<4096x17xbf16>, vector<512x17xf32> -> vector<512x17xf32>
    %slice3A_118 = vector.extract_strided_slice %dot_general3A_117 {offsets = [0, 0], sizes = [512, 16], strides = [1, 1]} : vector<512x17xf32> to vector<512x16xf32>
    %slice3A_119 = vector.extract_strided_slice %dot_general3A_117 {offsets = [0, 16], sizes = [512, 1], strides = [1, 1]} : vector<512x17xf32> to vector<512x1xf32>
    %div3A_120 = vector.broadcast %slice3A_119 : vector<512x1xf32> to vector<512x16xf32>
    %div3A_121 = arith.divf %slice3A_118, %div3A_120 : vector<512x16xf32>
    %slice3A_122 = vector.extract_strided_slice %get3A_1 {offsets = [0, 80], sizes = [512, 16], strides = [1, 1]} : vector<512x128xf32> to vector<512x16xf32>
    %mul3A_123 = arith.constant 0.360673755 : f32
    %mul3A_124 = vector.broadcast %mul3A_123 : f32 to vector<512x16xf32>
    %mul3A_125 = arith.mulf %slice3A_122, %mul3A_124 : vector<512x16xf32>
    %convert_element_type3A_126 = arith.truncf %mul3A_125 : vector<512x16xf32> to vector<512x16xbf16>
    %get3A_127 = arith.constant 80 : index
    %get3A_128 = arith.constant 0 : index
    %get3A_129 = vector.load %arg2[%get3A_127, %get3A_128] : memref<128x4096xbf16, #tpu.memory_space<vmem>>, vector<16x4096xbf16>
    %dot_general3A_130 = arith.constant dense<0.000000e+00> : vector<512x4096xf32>
    %dot_general3A_131 = tpu.matmul %convert_element_type3A_126, %get3A_129, %dot_general3A_130 {dimension_numbers = #tpu.dot_dimension_numbers<[1], [0], [0], [1], [0, 0, 1, 1], [], []>, transpose_lhs_hint = false} : vector<512x16xbf16>, vector<16x4096xbf16>, vector<512x4096xf32> -> vector<512x4096xf32>
    %reduce_max3A_132 = arith.constant dense<0xFF800000> : vector<512xf32>
    %reduce_max3A_133 = vector.multi_reduction <maximumf>, %dot_general3A_131, %reduce_max3A_132 [1] : vector<512x4096xf32> to vector<512xf32>
    %broadcast_in_dim3A_134 = vector.shape_cast %reduce_max3A_133 : vector<512xf32> to vector<512x1xf32>
    %sub3A_135 = vector.broadcast %broadcast_in_dim3A_134 : vector<512x1xf32> to vector<512x4096xf32>
    %sub3A_136 = arith.subf %dot_general3A_131, %sub3A_135 : vector<512x4096xf32>
    %convert_element_type3A_137 = arith.truncf %sub3A_136 : vector<512x4096xf32> to vector<512x4096xbf16>
    %exp23A_138 = math.exp2 %convert_element_type3A_137 : vector<512x4096xbf16>
    %slice3A_139 = vector.extract_strided_slice %get3A_4 {offsets = [0, 80], sizes = [4096, 16], strides = [1, 1]} : vector<4096x128xbf16> to vector<4096x16xbf16>
    %concatenate3A_140 = tpu.concatenate %slice3A_139, %broadcast_in_dim3A_5 in 1 : vector<4096x16xbf16>, vector<4096x1xbf16> -> vector<4096x17xbf16>
    %dot_general3A_141 = arith.constant dense<0.000000e+00> : vector<512x17xf32>
    %dot_general3A_142 = tpu.matmul %exp23A_138, %concatenate3A_140, %dot_general3A_141 {dimension_numbers = #tpu.dot_dimension_numbers<[1], [0], [0], [1], [0, 0, 1, 1], [], []>, transpose_lhs_hint = false} : vector<512x4096xbf16>, vector<4096x17xbf16>, vector<512x17xf32> -> vector<512x17xf32>
    %slice3A_143 = vector.extract_strided_slice %dot_general3A_142 {offsets = [0, 0], sizes = [512, 16], strides = [1, 1]} : vector<512x17xf32> to vector<512x16xf32>
    %slice3A_144 = vector.extract_strided_slice %dot_general3A_142 {offsets = [0, 16], sizes = [512, 1], strides = [1, 1]} : vector<512x17xf32> to vector<512x1xf32>
    %div3A_145 = vector.broadcast %slice3A_144 : vector<512x1xf32> to vector<512x16xf32>
    %div3A_146 = arith.divf %slice3A_143, %div3A_145 : vector<512x16xf32>
    %slice3A_147 = vector.extract_strided_slice %get3A_1 {offsets = [0, 96], sizes = [512, 16], strides = [1, 1]} : vector<512x128xf32> to vector<512x16xf32>
    %mul3A_148 = arith.constant 0.360673755 : f32
    %mul3A_149 = vector.broadcast %mul3A_148 : f32 to vector<512x16xf32>
    %mul3A_150 = arith.mulf %slice3A_147, %mul3A_149 : vector<512x16xf32>
    %convert_element_type3A_151 = arith.truncf %mul3A_150 : vector<512x16xf32> to vector<512x16xbf16>
    %get3A_152 = arith.constant 96 : index
    %get3A_153 = arith.constant 0 : index
    %get3A_154 = vector.load %arg2[%get3A_152, %get3A_153] : memref<128x4096xbf16, #tpu.memory_space<vmem>>, vector<16x4096xbf16>
    %dot_general3A_155 = arith.constant dense<0.000000e+00> : vector<512x4096xf32>
    %dot_general3A_156 = tpu.matmul %convert_element_type3A_151, %get3A_154, %dot_general3A_155 {dimension_numbers = #tpu.dot_dimension_numbers<[1], [0], [0], [1], [0, 0, 1, 1], [], []>, transpose_lhs_hint = false} : vector<512x16xbf16>, vector<16x4096xbf16>, vector<512x4096xf32> -> vector<512x4096xf32>
    %reduce_max3A_157 = arith.constant dense<0xFF800000> : vector<512xf32>
    %reduce_max3A_158 = vector.multi_reduction <maximumf>, %dot_general3A_156, %reduce_max3A_157 [1] : vector<512x4096xf32> to vector<512xf32>
    %broadcast_in_dim3A_159 = vector.shape_cast %reduce_max3A_158 : vector<512xf32> to vector<512x1xf32>
    %sub3A_160 = vector.broadcast %broadcast_in_dim3A_159 : vector<512x1xf32> to vector<512x4096xf32>
    %sub3A_161 = arith.subf %dot_general3A_156, %sub3A_160 : vector<512x4096xf32>
    %convert_element_type3A_162 = arith.truncf %sub3A_161 : vector<512x4096xf32> to vector<512x4096xbf16>
    %exp23A_163 = math.exp2 %convert_element_type3A_162 : vector<512x4096xbf16>
    %slice3A_164 = vector.extract_strided_slice %get3A_4 {offsets = [0, 96], sizes = [4096, 16], strides = [1, 1]} : vector<4096x128xbf16> to vector<4096x16xbf16>
    %concatenate3A_165 = tpu.concatenate %slice3A_164, %broadcast_in_dim3A_5 in 1 : vector<4096x16xbf16>, vector<4096x1xbf16> -> vector<4096x17xbf16>
    %dot_general3A_166 = arith.constant dense<0.000000e+00> : vector<512x17xf32>
    %dot_general3A_167 = tpu.matmul %exp23A_163, %concatenate3A_165, %dot_general3A_166 {dimension_numbers = #tpu.dot_dimension_numbers<[1], [0], [0], [1], [0, 0, 1, 1], [], []>, transpose_lhs_hint = false} : vector<512x4096xbf16>, vector<4096x17xbf16>, vector<512x17xf32> -> vector<512x17xf32>
    %slice3A_168 = vector.extract_strided_slice %dot_general3A_167 {offsets = [0, 0], sizes = [512, 16], strides = [1, 1]} : vector<512x17xf32> to vector<512x16xf32>
    %slice3A_169 = vector.extract_strided_slice %dot_general3A_167 {offsets = [0, 16], sizes = [512, 1], strides = [1, 1]} : vector<512x17xf32> to vector<512x1xf32>
    %div3A_170 = vector.broadcast %slice3A_169 : vector<512x1xf32> to vector<512x16xf32>
    %div3A_171 = arith.divf %slice3A_168, %div3A_170 : vector<512x16xf32>
    %slice3A_172 = vector.extract_strided_slice %get3A_1 {offsets = [0, 112], sizes = [512, 16], strides = [1, 1]} : vector<512x128xf32> to vector<512x16xf32>
    %mul3A_173 = arith.constant 0.360673755 : f32
    %mul3A_174 = vector.broadcast %mul3A_173 : f32 to vector<512x16xf32>
    %mul3A_175 = arith.mulf %slice3A_172, %mul3A_174 : vector<512x16xf32>
    %convert_element_type3A_176 = arith.truncf %mul3A_175 : vector<512x16xf32> to vector<512x16xbf16>
    %get3A_177 = arith.constant 112 : index
    %get3A_178 = arith.constant 0 : index
    %get3A_179 = vector.load %arg2[%get3A_177, %get3A_178] : memref<128x4096xbf16, #tpu.memory_space<vmem>>, vector<16x4096xbf16>
    %dot_general3A_180 = arith.constant dense<0.000000e+00> : vector<512x4096xf32>
    %dot_general3A_181 = tpu.matmul %convert_element_type3A_176, %get3A_179, %dot_general3A_180 {dimension_numbers = #tpu.dot_dimension_numbers<[1], [0], [0], [1], [0, 0, 1, 1], [], []>, transpose_lhs_hint = false} : vector<512x16xbf16>, vector<16x4096xbf16>, vector<512x4096xf32> -> vector<512x4096xf32>
    %reduce_max3A_182 = arith.constant dense<0xFF800000> : vector<512xf32>
    %reduce_max3A_183 = vector.multi_reduction <maximumf>, %dot_general3A_181, %reduce_max3A_182 [1] : vector<512x4096xf32> to vector<512xf32>
    %broadcast_in_dim3A_184 = vector.shape_cast %reduce_max3A_183 : vector<512xf32> to vector<512x1xf32>
    %sub3A_185 = vector.broadcast %broadcast_in_dim3A_184 : vector<512x1xf32> to vector<512x4096xf32>
    %sub3A_186 = arith.subf %dot_general3A_181, %sub3A_185 : vector<512x4096xf32>
    %convert_element_type3A_187 = arith.truncf %sub3A_186 : vector<512x4096xf32> to vector<512x4096xbf16>
    %exp23A_188 = math.exp2 %convert_element_type3A_187 : vector<512x4096xbf16>
    %slice3A_189 = vector.extract_strided_slice %get3A_4 {offsets = [0, 112], sizes = [4096, 16], strides = [1, 1]} : vector<4096x128xbf16> to vector<4096x16xbf16>
    %concatenate3A_190 = tpu.concatenate %slice3A_189, %broadcast_in_dim3A_5 in 1 : vector<4096x16xbf16>, vector<4096x1xbf16> -> vector<4096x17xbf16>
    %dot_general3A_191 = arith.constant dense<0.000000e+00> : vector<512x17xf32>
    %dot_general3A_192 = tpu.matmul %exp23A_188, %concatenate3A_190, %dot_general3A_191 {dimension_numbers = #tpu.dot_dimension_numbers<[1], [0], [0], [1], [0, 0, 1, 1], [], []>, transpose_lhs_hint = false} : vector<512x4096xbf16>, vector<4096x17xbf16>, vector<512x17xf32> -> vector<512x17xf32>
    %slice3A_193 = vector.extract_strided_slice %dot_general3A_192 {offsets = [0, 0], sizes = [512, 16], strides = [1, 1]} : vector<512x17xf32> to vector<512x16xf32>
    %slice3A_194 = vector.extract_strided_slice %dot_general3A_192 {offsets = [0, 16], sizes = [512, 1], strides = [1, 1]} : vector<512x17xf32> to vector<512x1xf32>
    %div3A_195 = vector.broadcast %slice3A_194 : vector<512x1xf32> to vector<512x16xf32>
    %div3A_196 = arith.divf %slice3A_193, %div3A_195 : vector<512x16xf32>
    %concatenate3A_197 = tpu.concatenate %div3A_21, %div3A_46, %div3A_71, %div3A_96, %div3A_121, %div3A_146, %div3A_171, %div3A_196 in 1 : vector<512x16xf32>, vector<512x16xf32>, vector<512x16xf32>, vector<512x16xf32>, vector<512x16xf32>, vector<512x16xf32>, vector<512x16xf32>, vector<512x16xf32> -> vector<512x128xf32>
    %get3A_198 = arith.constant 0 : index
    %get3A_199 = arith.constant 0 : index
    %get3A_200 = vector.load %arg4[%get3A_198, %get3A_199] : memref<128x128xf32, #tpu.memory_space<vmem>>, vector<128x128xf32>
    %dot_general3A_201 = arith.constant dense<0.000000e+00> : vector<512x128xf32>
    %dot_general3A_202 = tpu.matmul %concatenate3A_197, %get3A_200, %dot_general3A_201 {dimension_numbers = #tpu.dot_dimension_numbers<[1], [1], [0], [0], [0, 0, 1, 0], [], []>, transpose_lhs_hint = false} : vector<512x128xf32>, vector<128x128xf32>, vector<512x128xf32> -> vector<512x128xf32>
    %get3A_203 = arith.constant 0 : index
    %get3A_204 = arith.constant 0 : index
    %get3A_205 = vector.load %arg5[%get3A_203, %get3A_204] : memref<1x128xf32, #tpu.memory_space<vmem>>, vector<1x128xf32>
    %add3A = vector.broadcast %get3A_205 : vector<1x128xf32> to vector<512x128xf32>
    %add3A_206 = arith.addf %dot_general3A_202, %add3A : vector<512x128xf32>
    %get3A_207 = arith.constant 0 : index
    %get3A_208 = arith.constant 0 : index
    %get3A_209 = vector.load %arg6[%get3A_207, %get3A_208] : memref<64x128xf32, #tpu.memory_space<vmem>>, vector<64x128xf32>
    %dot_general3A_210 = arith.constant dense<0.000000e+00> : vector<512x64xf32>
    %dot_general3A_211 = tpu.matmul %add3A_206, %get3A_209, %dot_general3A_210 {dimension_numbers = #tpu.dot_dimension_numbers<[1], [1], [0], [0], [0, 0, 1, 0], [], []>, transpose_lhs_hint = false} : vector<512x128xf32>, vector<64x128xf32>, vector<512x64xf32> -> vector<512x64xf32>
    %get3A_212 = arith.constant 0 : index
    %get3A_213 = arith.constant 0 : index
    %get3A_214 = vector.load %arg7[%get3A_212, %get3A_213] : memref<1x64xf32, #tpu.memory_space<vmem>>, vector<1x64xf32>
    %add3A_215 = vector.broadcast %get3A_214 : vector<1x64xf32> to vector<512x64xf32>
    %add3A_216 = arith.addf %dot_general3A_211, %add3A_215 : vector<512x64xf32>
    %max3A = arith.constant 0.000000e+00 : f32
    %max3A_217 = vector.broadcast %max3A : f32 to vector<512x64xf32>
    %max3A_218 = arith.maximumf %add3A_216, %max3A_217 : vector<512x64xf32>
    %get3A_219 = arith.constant 0 : index
    %get3A_220 = arith.constant 0 : index
    %get3A_221 = vector.load %arg8[%get3A_219, %get3A_220] : memref<16x64xf32, #tpu.memory_space<vmem>>, vector<16x64xf32>
    %dot_general3A_222 = arith.constant dense<0.000000e+00> : vector<512x16xf32>
    %dot_general3A_223 = tpu.matmul %max3A_218, %get3A_221, %dot_general3A_222 {dimension_numbers = #tpu.dot_dimension_numbers<[1], [1], [0], [0], [0, 0, 1, 0], [], []>, transpose_lhs_hint = false} : vector<512x64xf32>, vector<16x64xf32>, vector<512x16xf32> -> vector<512x16xf32>
    %get3A_224 = arith.constant 0 : index
    %get3A_225 = arith.constant 0 : index
    %get3A_226 = vector.load %arg9[%get3A_224, %get3A_225] : memref<1x16xf32, #tpu.memory_space<vmem>>, vector<1x16xf32>
    %add3A_227 = vector.broadcast %get3A_226 : vector<1x16xf32> to vector<512x16xf32>
    %add3A_228 = arith.addf %dot_general3A_223, %add3A_227 : vector<512x16xf32>
    %swap3A = arith.constant 0 : index
    %swap3A_229 = arith.constant 0 : index
    %swap3A_230 = vector.load %arg10[%swap3A, %swap3A_229] : memref<512x16xf32, #tpu.memory_space<vmem>>, vector<512x16xf32>
    tpu.vector_store %arg10[%swap3A, %swap3A_229], %add3A_228 {strides = array<i32>} : memref<512x16xf32, #tpu.memory_space<vmem>>, vector<512x16xf32>,
    return
  }
  func.func @transform_0(%arg0: i32) -> (i32, i32) {
    %c0_i32 = arith.constant 0 : i32
    %c0_i32_0 = arith.constant 0 : i32
    return %arg0, %c0_i32 : i32, i32
  }
  func.func @transform_1(%arg0: i32) -> (i32, i32) {
    %c0_i32 = arith.constant 0 : i32
    %c0_i32_0 = arith.constant 0 : i32
    %c0_i32_1 = arith.constant 0 : i32
    return %c0_i32, %c0_i32_0 : i32, i32
  }
  func.func @transform_2(%arg0: i32) -> (i32, i32) {
    %c0_i32 = arith.constant 0 : i32
    %c0_i32_0 = arith.constant 0 : i32
    %c0_i32_1 = arith.constant 0 : i32
    return %c0_i32, %c0_i32_0 : i32, i32
  }
  func.func @transform_3(%arg0: i32) -> (i32, i32) {
    %c0_i32 = arith.constant 0 : i32
    %c0_i32_0 = arith.constant 0 : i32
    %c0_i32_1 = arith.constant 0 : i32
    return %c0_i32, %c0_i32_0 : i32, i32
  }
  func.func @transform_4(%arg0: i32) -> (i32, i32) {
    %c0_i32 = arith.constant 0 : i32
    %c0_i32_0 = arith.constant 0 : i32
    %c0_i32_1 = arith.constant 0 : i32
    return %c0_i32, %c0_i32_0 : i32, i32
  }
  func.func @transform_5(%arg0: i32) -> (i32, i32) {
    %c0_i32 = arith.constant 0 : i32
    %c0_i32_0 = arith.constant 0 : i32
    %c0_i32_1 = arith.constant 0 : i32
    return %c0_i32, %c0_i32_0 : i32, i32
  }
  func.func @transform_6(%arg0: i32) -> (i32, i32) {
    %c0_i32 = arith.constant 0 : i32
    %c0_i32_0 = arith.constant 0 : i32
    %c0_i32_1 = arith.constant 0 : i32
    return %c0_i32, %c0_i32_0 : i32, i32
  }
  func.func @transform_7(%arg0: i32) -> (i32, i32) {
    %c0_i32 = arith.constant 0 : i32
    %c0_i32_0 = arith.constant 0 : i32
    %c0_i32_1 = arith.constant 0 : i32
    return %c0_i32, %c0_i32_0 : i32, i32
  }
  func.func @transform_8(%arg0: i32) -> (i32, i32) {
    %c0_i32 = arith.constant 0 : i32
    %c0_i32_0 = arith.constant 0 : i32
    %c0_i32_1 = arith.constant 0 : i32
    return %c0_i32, %c0_i32_0 : i32, i32
  }
  func.func @transform_9(%arg0: i32) -> (i32, i32) {
    %c0_i32 = arith.constant 0 : i32
    %c0_i32_0 = arith.constant 0 : i32
    return %arg0, %c0_i32 : i32, i32
  }
}

</mosaic_0001>

<sc_bundles>
// kernel: kernel.12.cloned.1.call-start
scs
__scs_entry_jumppad:
0x0: {  	(pc) =	sbr.rel $0x88, $3  }
0x1: {  	(tag) =	ssettag $0x0;
	lr =	simm.s32 $0x1  }
0x2: {  	[smem:$0x3F8D] =	sst lr;
	_ =	strace $0xD0000000  }
0x3: {  	_ = 	snop  }
0x4: {  	_ = 	snop  }
0x5: {  	_ = 	snop  }
0x6: {  	_ = 	snop  }
0x7: {  	_ = 	snop  }
__scs_overlays_trampoline_lowered:
0x8: {  	[smem:$0x3F9C] =	sst s0  }
0x9: {  	[smem:$0x3F9D] =	sst s1  }
0xa: {  	[smem:$0x3F9E] =	sst s2  }
0xb: {  	[smem:$0x3F9F] =	sst s3  }
0xc: {  	[smem:$0x3FA0] =	sst s4  }
0xd: {  	[smem:$0x3FA1] =	sst s5  }
0xe: {  	[smem:$0x3FA2] =	sst s6  }
0xf: {  	[smem:$0x3FA3] =	sst s7  }
0x10: {  	[smem:$0x3FA4] =	sst s8  }
0x11: {  	[smem:$0x3FA5] =	sst s9;
	s0 =	simm.s32 @!p0 $0x0  }
0x12: {  	s1 =	sld [smem:$0x3F8B];
	s0 =	simm.s32 @p0 $0x1  }
0x13: {  	[smem:$0x3FA6] =	sst s0;
	s0 =	simm.s32 @!p1 $0x0  }
0x14: {  	s2 =	sld [smem:$0x3F8A];
	s0 =	simm.s32 @p1 $0x1  }
0x15: {  	[smem:$0x3FA7] =	sst s0;
	s0 =	simm.s32 @!p2 $0x0  }
0x16: {  	s3 =	sld [smem:$0x3FDB];
	s0 =	simm.s32 @p2 $0x1  }
0x17: {  	s4 =	simm.s32 $0x1BF5;
	[smem:$0x3FA9] =	sst s0  }
0x18: {  	s0 =	sld [smem:$0x3F8C];
	_ =	swait.ge [sflag:s4], $0x0  }
0x19: {  	s7 =	sld [smem:$0x3F8D]  }
0x1a: {  	s8 =	sadd.s32 $0xFFFFE003, lr  }
0x1b: {  	s9 =	sadd.s32 $0xFFFFFEF7, lr;
	s5 =	simm.s32 $0xFFFFFFFF;
	p2 =	slt.u32 s8, $0xFFFFF086  }
0x1c: {  	p1 =	slt.u32 s9, $0xF7A;
	s5 =	simm.s32 @!p2 $0x0  }
0x1d: {  	s5 =	simm.s32 @p1 $0x1;
	p0 =	seq.s32 s7, s2  }
0x1e: {  	s7 =	smul.u32 @!p0 $0xF7A, s2;
	p2 =	seq.s32 @!p0 s5, $0x0  }
0x1f: {  	s9 =	smul.u32 $0xF7A, s1;
	s8 =	simm.s32 @!p0 $0x1BF5;
	p2 =	por !p2, p0  }
0x20: {  	[sflag:s8] =	ssyncset.s32 @!p0 $0xFFFFF086;
	s6 =	sadd.s32 @!p0 s3, s7;
	s7 =	simm.s32 @!p0 $0x108  }
0x21: {  	s3 =	sadd.s32 s3, s9;
	s6 =	sadd.s32 @!p0 $0x88, s6;
	s7 =	simm.s32 @p2 $0x1082  }
0x22: {  	[simem:s7], [sflag:s8] =	dma.local @!p0 [hbm:s6], $0xF7A  }
0x23: {  	s9 =	sor.u32 $0xD0000000, s2;
	s6 =	simm.s32 $0x108;
	_ =	swait.ge @!p0 [sflag:s8], $0x0  }
0x24: {  	s3 =	sadd.s32 $0x88, s3;
	s6 =	simm.s32 @!p1 $0x1082;
	[sflag:s4] =	ssyncset.s32 $0xFFFFF086  }
0x25: {  	[simem:s6], [sflag:s4] =	dma.local [hbm:s3], $0xF7A  }
0x26: {  	[smem:$0x3F8D] =	sst s1;
	(tag) =	ssettag s2;
	_ =	strace s9  }
0x27: {  	s1 =	sld [smem:$0x3F9D]  }
0x28: {  	s2 =	sld [smem:$0x3F9E]  }
0x29: {  	s4 =	sld [smem:$0x3FA0]  }
0x2a: {  	p0 =	seq.s32 s5, $0x0;
	s5 =	sld [smem:$0x3FA1]  }
0x2b: {  	s6 =	sld [smem:$0x3FA2]  }
0x2c: {  	s7 =	sld [smem:$0x3FA3]  }
0x2d: {  	s3 =	simm.s32 $0x108;
	s8 =	sld [smem:$0x3FA4]  }
0x2e: {  	s3 =	simm.s32 @!p0 $0x1082;
	s9 =	sld [smem:$0x3FA5]  }
0x2f: {  	lr =	sadd.s32 s0, s3;
	s0 =	sld [smem:$0x3F9C]  }
0x30: {  	s3 =	sld [smem:$0x3F9F]  }
0x31: {  	[smem:$0x3FA8] =	sst s10  }
0x32: {  	s10 =	sld [smem:$0x3FA6];
	_ =	sdelay $0x3  }
0x33: {  	p0 =	seq.s32 s10, $0x1;
	s10 =	sld [smem:$0x3FA8];
	_ =	sdelay $0x3  }
0x34: {  	[smem:$0x3FA8] =	sst s10  }
0x35: {  	s10 =	sld [smem:$0x3FA7];
	_ =	sdelay $0x3  }
0x36: {  	p1 =	seq.s32 s10, $0x1;
	s10 =	sld [smem:$0x3FA8];
	_ =	sdelay $0x3  }
0x37: {  	[smem:$0x3FA8] =	sst s10  }
0x38: {  	s10 =	sld [smem:$0x3FA9]  }
0x39: {  	_ = 	snop;
	(pc) =	sbr.ind lr, $3  }
0x3a: {  	_ = 	snop  }
0x3b: {  	_ = 	snop  }
0x3c: {  	p2 =	seq.s32 s10, $0x1;
	s10 =	sld [smem:$0x3FA8]  }
0x3d: {  	_ =	shalt  }
0x3e: {  	_ =	shalt  }
0x3f: {  	_ =	shalt  }
0x40: {  	_ =	shalt  }
0x41: {  	_ =	shalt  }
0x42: {  	_ =	shalt  }
0x43: {  	_ =	shalt  }
0x44: {  	_ =	shalt  }
0x45: {  	_ =	shalt  }
0x46: {  	_ =	shalt  }
0x47: {  	_ =	shalt  }
0x48: {  	_ =	shalt  }
0x49: {  	_ =	shalt  }
0x4a: {  	_ =	shalt  }
0x4b: {  	_ =	shalt  }
0x4c: {  	_ =	shalt  }
0x4d: {  	_ =	shalt  }
0x4e: {  	_ =	shalt  }
0x4f: {  	_ =	shalt  }
0x50: {  	_ =	shalt  }
0x51: {  	_ =	shalt  }
0x52: {  	_ =	shalt  }
0x53: {  	_ =	shalt  }
0x54: {  	_ =	shalt  }
0x55: {  	_ =	shalt  }
0x56: {  	_ =	shalt  }
0x57: {  	_ =	shalt  }
0x58: {  	_ =	shalt  }
0x59: {  	_ =	shalt  }
0x5a: {  	_ =	shalt  }
0x5b: {  	_ =	shalt  }
0x5c: {  	_ =	shalt  }
0x5d: {  	_ =	shalt  }
0x5e: {  	_ =	shalt  }
0x5f: {  	_ =	shalt  }
0x60: {  	_ =	shalt  }
0x61: {  	_ =	shalt  }
0x62: {  	_ =	shalt  }
0x63: {  	_ =	shalt  }
0x64: {  	_ =	shalt  }
0x65: {  	_ =	shalt  }
0x66: {  	_ =	shalt  }
0x67: {  	_ =	shalt  }
0x68: {  	_ =	shalt  }
0x69: {  	_ =	shalt  }
0x6a: {  	_ =	shalt  }
0x6b: {  	_ =	shalt  }
0x6c: {  	_ =	shalt  }
0x6d: {  	_ =	shalt  }
0x6e: {  	_ =	shalt  }
0x6f: {  	_ =	shalt  }
0x70: {  	_ =	shalt  }
0x71: {  	_ =	shalt  }
0x72: {  	_ =	shalt  }
0x73: {  	_ =	shalt  }
0x74: {  	_ =	shalt  }
0x75: {  	_ =	shalt  }
0x76: {  	_ =	shalt  }
0x77: {  	_ =	shalt  }
0x78: {  	_ =	shalt  }
0x79: {  	_ =	shalt  }
0x7a: {  	_ =	shalt  }
0x7b: {  	_ =	shalt  }
0x7c: {  	_ =	shalt  }
0x7d: {  	_ =	shalt  }
0x7e: {  	_ =	shalt  }
0x7f: {  	_ =	shalt  }
0x80: {  	_ =	shalt  }
0x81: {  	_ =	shalt  }
0x82: {  	_ =	shalt  }
0x83: {  	_ =	shalt  }
0x84: {  	_ =	shalt  }
0x85: {  	_ =	shalt  }
0x86: {  	_ =	shalt  }
0x87: {  	_ =	shalt  }
.Lfunc_end0:
.L_simem_size_0:
called_computation_lowered:
.L_overlay_start_0:
0x88: {  	s2 =	sld [smem:$0x3FD9]  }
0x89: {  	s3 =	sld [smem:$0x3FFE];
	_ =	sdelay $0x1  }
0x8a: {  	s1 =	srdreg.scid  }
0x8b: {  	s0 =	sand.u32 $0x1, s1  }
0x8c: {  	s17 =	sshll.u32 s0, $0xA;
	s2 =	sadd.s32 s3, s2  }
0x8d: {  	s2 =	sadd.s32 s2, s17  }
0x8e: {  	[smem:$0x3FB4] =	sst s2  }
0x8f: {  	_ = 	snop  }
0x90: {  	s2 =	sld [smem:$0x3FD0];
	(tm) =	ssettm $0x1  }
0x91: {  	s18 =	sld [smem:$0x3FFB];
	_ =	sdelay $0x3  }
0x92: {  	_ =	strace s18  }
0x93: {  	s3 =	sld [smem:$0x3FFC];
	_ =	sdelay $0x3  }
0x94: {  	_ =	strace s3  }
0x95: {  	s3 =	sld [smem:$0x3FFD];
	_ =	sdelay $0x3  }
0x96: {  	_ =	strace s3  }
0x97: {  	_ =	strace $0x8FFFFFFF  }
0x98: {  	s19 =	sld [smem:$0x3FDB];
	_ =	sdelay $0x1  }
0x99: {  	s4 =	simm.s32 $_scs_section_size  }
0x9a: {  	s5 =	simm.s32 $_size__tile_overlayer_lowered;
	s6 =	simm.s32 $_tile_overlayer_lowered  }
0x9b: {  	s22 =	simm.s32 $0x1BFF;
	s21 =	sshll.u32 s6, $0x1;
	s3 =	sadd.s32 s4, s19  }
0x9c: {  	s7 =	simm.s32 $0x0;
	s20 =	sshll.u32 s5, $0x1;
	s5 =	sadd.s32 s21, s3  }
0x9d: {  	[timem:s7], [sflag:s22] =	dma.local [hbm:s5], s20  }
0x9e: {  	_ =	swait.ge [sflag:s22], s20  }
0x9f: {  	s4 =	ssub.s32 $0x0, s20;
	[sflag:s22] =	ssyncset.done $0x0  }
0xa0: {  	[sflag:s22] =	ssyncadd.s32 s4;
	_ =	sdelay $0x1  }
0xa1: {  	s23 =	simm.s32 $0x1B8B  }
0xa2: {  	_ =	swait.ge [sflag:s23], $0x1  }
0xa3: {  	[sflag:s23] =	ssyncset.done $0x0  }
0xa4: {  	s25 =	simm.s32 $0x1B8E;
	s24 =	sld [smem:$0x3FFE];
	[sflag:s23] =	ssyncadd.s32 $0xFFFFFFFF  }
0xa5: {  	s26 =	simm.s32 $execute0_lowered;
	[smem:$0x3FD2] =	sst s25  }
0xa6: {  	s5 =	sshll.u32 s26, $0x1;
	_ =	strace $0x80000046;
	[dreg:$0x1] =	wrdreg $0xFFFFFFFF  }
0xa7: {  	s28 =	simm.s32 $_size_execute0_lowered;
	s3 =	sadd.s32 s3, s5;
	[dreg:$0x0] =	wrdreg $0x0  }
0xa8: {  	s5 =	sshll.u32 s28, $0x1;
	[dreg:$0x2] =	wrdreg s3  }
0xa9: {  	[dreg:$0x3] =	wrdreg s5  }
0xaa: {  	[dreg:$0x4] =	wrdreg $0xC0  }
0xab: {  	_ =	task [dreg:s7], $0x5FFFF  }
0xac: {  	[dreg:$0x1] =	wrdreg $0xFFFFFFFF  }
0xad: {  	[dreg:$0x0] =	wrdreg $0x60  }
0xae: {  	[dreg:$0x2] =	wrdreg s24  }
0xaf: {  	[dreg:$0x3] =	wrdreg s2  }
0xb0: {  	[dreg:$0x4] =	wrdreg $0x20800  }
0xb1: {  	[dreg:$0x5] =	wrdreg $0x9  }
0xb2: {  	_ =	task.clear_ibuf [dreg:s7], $0x6FFFF;
	_ =	strace $0x90000046  }
0xb3: {  	s29 =	simm.s32 $0x9;
	_ =	strace $0x80000048  }
0xb4: {  	_ =	swait.ge [sflag:s29], $0x1  }
0xb5: {  	[sflag:s29] =	ssyncadd.s32 $0xFFFFFFFF  }
0xb6: {  	_ =	strace $0x90000048  }
0xb7: {  	_ =	sfence  }
0xb8: {  	s30 =	sld [smem:$0x0];
	_ =	sdelay $0x2  }
0xb9: {  	s31 =	sshll.u32 s1, $0xD;
	s1 =	sshrl.u32 s1, $0x2  }
0xba: {  	s3 =	sand.u32 $0x4000, s31;
	s1 =	sadd.s32 s1, s30  }
0xbb: {  	s0 =	sor.u32 s3, s0;
	s1 =	sshll.u32 s1, $0x11  }
0xbc: {  	s0 =	sor.u32 s1, s0  }
0xbd: {  	s0 =	sadd.s32 $0x8F2B, s0  }
0xbe: {  	[sflag:s0] =	ssyncadd.remote.s32 $0x1  }
0xbf: {  	_ =	sfence.sel $0xFFFF  }
0xc0: {  	[dreg:$0x0] =	wrdreg $0xFFFFFFFF;
	(pc) =	sbr.abs _section_cstart, $3  }
0xc1: {  	[dreg:$0x1] =	wrdreg $0xFFFFFFFF  }
0xc2: {  	_ =	task.clear_ibuf [dreg:s7], $0x2FFFF;
	_ =	strace $0x9FFFFFFF  }
0xc3: {  	(tm) =	ssettm $0x7FFFFFFF  }
tec
execute0_lowered:
.L_overlay_start_1:
0x0: {  	(tag) =	ssettag $0x1  }
0x1: {  	s4 =	rddreg [dreg:$0x0]  }
0x2: {  	s5 =	rddreg [dreg:$0x1]  }
0x3: {  	s2 =	rddreg [dreg:$0x2]  }
0x4: {  	s0 =	rddreg [dreg:$0x3]  }
0x5: {  	s3 =	simm.s32 $0x0;
	s1 =	stileid.u32;
	s6 =	srdreg.scid  }
0x6: {  	s13 =	simm.s32 $0x1;
	s14 =	simm.s32 $0x20;
	s15 =	simm.s32 $0x10  }
0x7: {  	s16 =	simm.s32 $0x0;
	[smem:$0x7FF] =	sst s3;
	s7 =	sshll.u32 s1, $0xA  }
0x8: {  	s6 =	sand.u32 $0x1, s6;
	s10 =	sshll.u32 s1, $0x5;
	s30 =	sshll.u32 s1, $0x6  }
0x9: {  	_ =	strace $0x80000047;
	s8 =	sadd.s32 s7, s4;
	s9 =	ssub.s32 $0x2, s6  }
0xa: {  	s12 =	sshll.u32 s6, $0xE;
	s10 =	sadd.s32 s10, s4;
	s7 =	sshrl.u32 s7, $0x2  }
0xb: {  	s6 =	sshll.u32 s6, $0x4;
	s11 =	sshrl.u32 s9, $0x1;
	s29 =	sadd.s32 s12, s8  }
0xc: {  	s31 =	sadd.s32 s7, s2;
	s6 =	sadd.s32 s5, s6;
	s5 =	sadd.s32 $0x15000, s10  }
0xd: {  	s8 =	simm.s32 $0x2;
	s12 =	simm.s32 $0x2000;
	s9 =	ssub.s32 s9, s11  }
0xe: {  	s4 =	sadd.s32 $0x5000, s29;
	s6 =	sadd.s32 s30, s6;
	s10 =	sshrl.u32 s31, $0x3  }
0xf: {  	v0 =	vimm.f32 $1.000000000e+00;
	s11 =	simm.s32 $0x80;
	s7 =	smax.u32 s9, $0x1;
	s9 =	sor.u32 $0x1C02, s30  }
.LBB2_1:
0x10: {  	[tilespmem:s3], [sflag:$0x2] =	stream.linear.gather [hbm4b:s4+s3], $0x2000, $0x38;
	[tilespmem:$0x2180] =	vst v63  }
0x11: {  	_ =	swait.ge [sflag:s8], $0x2000  }
0x12: {  	[sflag:s8] =	ssyncset.done $0x0  }
0x13: {  	[sflag:s8] =	ssyncadd.s32 $0xFFFFE000  }
0x14: {  	[tilespmem:$0x2000] =	vst v0  }
0x15: {  	[tilespmem:$0x2010] =	vst v0  }
0x16: {  	[tilespmem:$0x2020] =	vst v0  }
0x17: {  	[tilespmem:$0x2030] =	vst v0  }
0x18: {  	[tilespmem:$0x2040] =	vst v0  }
0x19: {  	[tilespmem:$0x2050] =	vst v0  }
0x1a: {  	[tilespmem:$0x2060] =	vst v0  }
0x1b: {  	[tilespmem:$0x2070] =	vst v0  }
0x1c: {  	[spmem:s10], [sflag:s9] =	dma.local [hbm:s5], $0x20  }
0x1d: {  	_ =	swait.ge [sflag:s8], $0x20  }
0x1e: {  	[sflag:s8] =	ssyncset.done $0x0  }
0x1f: {  	[sflag:s8] =	ssyncadd.s32 $0xFFFFFFE0  }
0x20: {  	s17 =	simm.s32 $0x0;
	[bflag:$0x0] =	sbarrier.arrive $0xFFFF  }
0x21: {  	[spmem:s2] =	stream.indirect.scatter.add.f32 [tilespmem:s12], [sflag:$0x1], $0x1, s17, s11, $0xb8;
	[tilespmem:$0x2180] =	vst v63  }
0x22: {  	s24 =	simm.s32 $0x80  }
0x23: {  	[spmem:s2] =	stream.indirect.scatter.add.f32 [tilespmem:s12], [sflag:$0x1], $0x1, s24, s11, $0xb8;
	[tilespmem:$0x2180] =	vst v63  }
0x24: {  	s25 =	simm.s32 $0x100  }
0x25: {  	[spmem:s2] =	stream.indirect.scatter.add.f32 [tilespmem:s12], [sflag:$0x1], $0x1, s25, s11, $0xb8;
	[tilespmem:$0x2180] =	vst v63  }
0x26: {  	s26 =	simm.s32 $0x180  }
0x27: {  	[spmem:s2] =	stream.indirect.scatter.add.f32 [tilespmem:s12], [sflag:$0x1], $0x1, s26, s11, $0xb8;
	[tilespmem:$0x2180] =	vst v63  }
0x28: {  	s28 =	simm.s32 $0x200  }
0x29: {  	[spmem:s2] =	stream.indirect.scatter.add.f32 [tilespmem:s12], [sflag:$0x1], $0x1, s28, s11, $0xb8;
	[tilespmem:$0x2180] =	vst v63  }
0x2a: {  	s29 =	simm.s32 $0x280  }
0x2b: {  	[spmem:s2] =	stream.indirect.scatter.add.f32 [tilespmem:s12], [sflag:$0x1], $0x1, s29, s11, $0xb8;
	[tilespmem:$0x2180] =	vst v63  }
0x2c: {  	s30 =	simm.s32 $0x300  }
0x2d: {  	[spmem:s2] =	stream.indirect.scatter.add.f32 [tilespmem:s12], [sflag:$0x1], $0x1, s30, s11, $0xb8;
	[tilespmem:$0x2180] =	vst v63  }
0x2e: {  	s31 =	simm.s32 $0x380  }
0x2f: {  	[spmem:s2] =	stream.indirect.scatter.add.f32 [tilespmem:s12], [sflag:$0x1], $0x1, s31, s11, $0xb8;
	[tilespmem:$0x2180] =	vst v63  }
0x30: {  	_ =	swait.ge [sflag:s13], $0x80  }
0x31: {  	[sflag:s13] =	ssyncset.done $0x0  }
0x32: {  	[sflag:s13] =	ssyncadd.s32 $0xFFFFFF80  }
0x33: {  	_ =	swait.ge [sflag:s13], $0x80  }
0x34: {  	[sflag:s13] =	ssyncset.done $0x0  }
0x35: {  	[sflag:s13] =	ssyncadd.s32 $0xFFFFFF80  }
0x36: {  	_ =	swait.ge [sflag:s13], $0x80  }
0x37: {  	[sflag:s13] =	ssyncset.done $0x0  }
0x38: {  	[sflag:s13] =	ssyncadd.s32 $0xFFFFFF80  }
0x39: {  	_ =	swait.ge [sflag:s13], $0x80  }
0x3a: {  	[sflag:s13] =	ssyncset.done $0x0  }
0x3b: {  	[sflag:s13] =	ssyncadd.s32 $0xFFFFFF80  }
0x3c: {  	_ =	swait.ge [sflag:s13], $0x80  }
0x3d: {  	[sflag:s13] =	ssyncset.done $0x0  }
0x3e: {  	[sflag:s13] =	ssyncadd.s32 $0xFFFFFF80  }
0x3f: {  	_ =	swait.ge [sflag:s13], $0x80  }
0x40: {  	[sflag:s13] =	ssyncset.done $0x0  }
0x41: {  	[sflag:s13] =	ssyncadd.s32 $0xFFFFFF80  }
0x42: {  	_ =	swait.ge [sflag:s13], $0x80  }
0x43: {  	[sflag:s13] =	ssyncset.done $0x0  }
0x44: {  	[sflag:s13] =	ssyncadd.s32 $0xFFFFFF80  }
0x45: {  	_ =	swait.ge [sflag:s13], $0x80  }
0x46: {  	s19 =	simm.s32 $0x2000;
	s17 =	simm.s32 $0x1000;
	[sflag:s13] =	ssyncset.done $0x0  }
.LBB2_2:
0x47: {  	s20 =	sshra.s32 s17, $0x2  }
0x48: {  	[sflag:s13] =	ssyncadd.s32 $0xFFFFFF80;
	s17 =	smov.u32 s19;
	s18 =	sadd.s32 $0x1000, s19  }
0x49: {  	[spmem:s2] =	stream.indirect.scatter.add.f32 [tilespmem:s12], [sflag:$0x1], $0x1, s20, s11, $0xb8;
	[tilespmem:$0x2180] =	vst v63  }
0x4a: {  	p0 =	sne.s32 s19, $0x7000;
	s19 =	sadd.s32 $0x80, s20  }
0x4b: {  	[spmem:s2] =	stream.indirect.scatter.add.f32 [tilespmem:s12], [sflag:$0x1], $0x1, s19, s11, $0xb8;
	[tilespmem:$0x2180] =	vst v63  }
0x4c: {  	s19 =	sadd.s32 $0x100, s20  }
0x4d: {  	[spmem:s2] =	stream.indirect.scatter.add.f32 [tilespmem:s12], [sflag:$0x1], $0x1, s19, s11, $0xb8;
	[tilespmem:$0x2180] =	vst v63  }
0x4e: {  	s19 =	sadd.s32 $0x180, s20  }
0x4f: {  	[spmem:s2] =	stream.indirect.scatter.add.f32 [tilespmem:s12], [sflag:$0x1], $0x1, s19, s11, $0xb8;
	[tilespmem:$0x2180] =	vst v63  }
0x50: {  	s19 =	sadd.s32 $0x200, s20  }
0x51: {  	[spmem:s2] =	stream.indirect.scatter.add.f32 [tilespmem:s12], [sflag:$0x1], $0x1, s19, s11, $0xb8;
	[tilespmem:$0x2180] =	vst v63  }
0x52: {  	s19 =	sadd.s32 $0x280, s20  }
0x53: {  	[spmem:s2] =	stream.indirect.scatter.add.f32 [tilespmem:s12], [sflag:$0x1], $0x1, s19, s11, $0xb8;
	[tilespmem:$0x2180] =	vst v63  }
0x54: {  	s19 =	sadd.s32 $0x300, s20  }
0x55: {  	[spmem:s2] =	stream.indirect.scatter.add.f32 [tilespmem:s12], [sflag:$0x1], $0x1, s19, s11, $0xb8;
	[tilespmem:$0x2180] =	vst v63  }
0x56: {  	s19 =	sadd.s32 $0x380, s20  }
0x57: {  	[spmem:s2] =	stream.indirect.scatter.add.f32 [tilespmem:s12], [sflag:$0x1], $0x1, s19, s11, $0xb8;
	[tilespmem:$0x2180] =	vst v63  }
0x58: {  	_ =	swait.ge [sflag:s13], $0x80  }
0x59: {  	[sflag:s13] =	ssyncset.done $0x0  }
0x5a: {  	[sflag:s13] =	ssyncadd.s32 $0xFFFFFF80  }
0x5b: {  	_ =	swait.ge [sflag:s13], $0x80  }
0x5c: {  	[sflag:s13] =	ssyncset.done $0x0  }
0x5d: {  	[sflag:s13] =	ssyncadd.s32 $0xFFFFFF80  }
0x5e: {  	_ =	swait.ge [sflag:s13], $0x80  }
0x5f: {  	[sflag:s13] =	ssyncset.done $0x0  }
0x60: {  	[sflag:s13] =	ssyncadd.s32 $0xFFFFFF80  }
0x61: {  	_ =	swait.ge [sflag:s13], $0x80  }
0x62: {  	[sflag:s13] =	ssyncset.done $0x0  }
0x63: {  	[sflag:s13] =	ssyncadd.s32 $0xFFFFFF80  }
0x64: {  	_ =	swait.ge [sflag:s13], $0x80  }
0x65: {  	[sflag:s13] =	ssyncset.done $0x0  }
0x66: {  	[sflag:s13] =	ssyncadd.s32 $0xFFFFFF80  }
0x67: {  	_ =	swait.ge [sflag:s13], $0x80  }
0x68: {  	[sflag:s13] =	ssyncset.done $0x0  }
0x69: {  	[sflag:s13] =	ssyncadd.s32 $0xFFFFFF80  }
.Ltmp0:
0x6a: {  	_ =	swait.ge [sflag:s13], $0x80;
	(pc) =	sbr.rel @p0 .LBB2_2-.Ltmp0, $4  }
0x6b: {  	[sflag:s13] =	ssyncset.done $0x0  }
0x6c: {  	[sflag:s13] =	ssyncadd.s32 $0xFFFFFF80  }
0x6d: {  	_ =	swait.ge [sflag:s13], $0x80  }
0x6e: {  	s19 =	smov.u32 s18;
	[sflag:s13] =	ssyncset.done $0x0  }
0x6f: {  	s17 =	sshra.s32 s17, $0x2;
	[sflag:s13] =	ssyncadd.s32 $0xFFFFFF80  }
0x70: {  	[spmem:s2] =	stream.indirect.scatter.add.f32 [tilespmem:s12], [sflag:$0x1], $0x1, s17, s11, $0xb8;
	[tilespmem:$0x2180] =	vst v63  }
0x71: {  	s18 =	sadd.s32 $0x80, s17  }
0x72: {  	[spmem:s2] =	stream.indirect.scatter.add.f32 [tilespmem:s12], [sflag:$0x1], $0x1, s18, s11, $0xb8;
	[tilespmem:$0x2180] =	vst v63  }
0x73: {  	s26 =	sadd.s32 $0x100, s17  }
0x74: {  	[spmem:s2] =	stream.indirect.scatter.add.f32 [tilespmem:s12], [sflag:$0x1], $0x1, s26, s11, $0xb8;
	[tilespmem:$0x2180] =	vst v63  }
0x75: {  	s28 =	sadd.s32 $0x180, s17  }
0x76: {  	[spmem:s2] =	stream.indirect.scatter.add.f32 [tilespmem:s12], [sflag:$0x1], $0x1, s28, s11, $0xb8;
	[tilespmem:$0x2180] =	vst v63  }
0x77: {  	s29 =	sadd.s32 $0x200, s17  }
0x78: {  	[spmem:s2] =	stream.indirect.scatter.add.f32 [tilespmem:s12], [sflag:$0x1], $0x1, s29, s11, $0xb8;
	[tilespmem:$0x2180] =	vst v63  }
0x79: {  	s30 =	sadd.s32 $0x280, s17  }
0x7a: {  	[spmem:s2] =	stream.indirect.scatter.add.f32 [tilespmem:s12], [sflag:$0x1], $0x1, s30, s11, $0xb8;
	[tilespmem:$0x2180] =	vst v63  }
0x7b: {  	s31 =	sadd.s32 $0x300, s17  }
0x7c: {  	[spmem:s2] =	stream.indirect.scatter.add.f32 [tilespmem:s12], [sflag:$0x1], $0x1, s31, s11, $0xb8;
	[tilespmem:$0x2180] =	vst v63  }
0x7d: {  	s17 =	sadd.s32 $0x380, s17  }
0x7e: {  	[spmem:s2] =	stream.indirect.scatter.add.f32 [tilespmem:s12], [sflag:$0x1], $0x1, s17, s11, $0xb8;
	[tilespmem:$0x2180] =	vst v63  }
0x7f: {  	_ =	swait.ge [sflag:s13], $0x80  }
0x80: {  	[sflag:s13] =	ssyncset.done $0x0  }
0x81: {  	[sflag:s13] =	ssyncadd.s32 $0xFFFFFF80  }
0x82: {  	_ =	swait.ge [sflag:s13], $0x80  }
0x83: {  	[sflag:s13] =	ssyncset.done $0x0  }
0x84: {  	[sflag:s13] =	ssyncadd.s32 $0xFFFFFF80  }
0x85: {  	_ =	swait.ge [sflag:s13], $0x80  }
0x86: {  	[sflag:s13] =	ssyncset.done $0x0  }
0x87: {  	[sflag:s13] =	ssyncadd.s32 $0xFFFFFF80  }
0x88: {  	_ =	swait.ge [sflag:s13], $0x80  }
0x89: {  	[sflag:s13] =	ssyncset.done $0x0  }
0x8a: {  	[sflag:s13] =	ssyncadd.s32 $0xFFFFFF80  }
0x8b: {  	_ =	swait.ge [sflag:s13], $0x80  }
0x8c: {  	[sflag:s13] =	ssyncset.done $0x0  }
0x8d: {  	[sflag:s13] =	ssyncadd.s32 $0xFFFFFF80  }
0x8e: {  	_ =	swait.ge [sflag:s13], $0x80  }
0x8f: {  	[sflag:s13] =	ssyncset.done $0x0  }
0x90: {  	[sflag:s13] =	ssyncadd.s32 $0xFFFFFF80  }
0x91: {  	_ =	swait.ge [sflag:s13], $0x80  }
0x92: {  	[sflag:s13] =	ssyncset.done $0x0  }
0x93: {  	[sflag:s13] =	ssyncadd.s32 $0xFFFFFF80  }
0x94: {  	_ =	swait.ge [sflag:s13], $0x80  }
0x95: {  	s16 =	sadd.s32 $0x1, s16;
	[sflag:s13] =	ssyncset.done $0x0  }
0x96: {  	p0 =	sne.s32 s16, s7;
	[sflag:s13] =	ssyncadd.s32 $0xFFFFFF80  }
.Ltmp1:
0x97: {  	[bflag:$0x0] =	sbarrier.arrive $0xFFFF;
	(pc) =	sbr.rel @p0 .LBB2_1-.Ltmp1, $4  }
0x98: {  	[hbm:s6@s14], [sflag:s9] =	dma.strided [spmem:s10@s15], $0x20, s13, $0x10   }
0x99: {  	_ =	swait.ge [sflag:s8], $0x20  }
0x9a: {  	[sflag:s8] =	ssyncset.done $0x0  }
0x9b: {  	[sflag:s8] =	ssyncadd.s32 $0xFFFFFFE0  }
0x9c: {  	_ =	sfence.sel $0x180000  }
0x9d: {  	[bflag:$0x0] =	sbarrier.arrive $0xFFFF  }
0x9e: {  	p0 =	sne.s32 s1, $0x0;
	_ =	strace $0x90000047  }
0x9f: {  	s0 =	sadd.s32 @!p0 $0x100000, s0;
	[bflag:$0x2] =	sbarrier.arrive $0xFFFF  }
0xa0: {  	[sflag:s0] =	ssyncadd.tile.s32 @!p0 $0x1;
	_ =	shalt  }
.Lfunc_end2:
_tile_overlayer_lowered:
.L_overlay_start_2:
0xa1: {  	(tag) =	ssettag $0x2  }
0xa2: {  	s0 =	rddreg [dreg:$0x0];
	s2 =	stileid.u32  }
0xa3: {  	s1 =	rddreg [dreg:$0x1];
	p0 =	sne.s32 s2, $0x0  }
0xa4: {  	s3 =	rddreg [dreg:$0x2];
	[bflag:$0x3] =	sbarrier.arrive $0xFFFF;
	s2 =	simm.s32 @!p0 $0x1C02  }
0xa5: {  	[timem:s3], [sflag:s2] =	dma.local @!p0 [hbm:s0], s1  }
0xa6: {  	s0 =	simm.s32 @!p0 $0x2  }
0xa7: {  	_ =	swait.ge @!p0 [sflag:s0], s1  }
0xa8: {  	s1 =	ssub.s32 @!p0 $0x0, s1;
	[sflag:s0] =	ssyncset.done @!p0 $0x0  }
0xa9: {  	[sflag:s0] =	ssyncadd.s32 @!p0 s1  }
0xaa: {  	[bflag:$0x3] =	sbarrier.arrive $0xFFFF  }
0xab: {  	_ =	shalt  }

// kernel: kernel.15.cloned.1.call-start
scs
__scs_entry_jumppad:
0x0: {  	(pc) =	sbr.rel $0x88, $3  }
0x1: {  	(tag) =	ssettag $0x0;
	lr =	simm.s32 $0x1  }
0x2: {  	[smem:$0x3F8D] =	sst lr;
	_ =	strace $0xD0000000  }
0x3: {  	_ = 	snop  }
0x4: {  	_ = 	snop  }
0x5: {  	_ = 	snop  }
0x6: {  	_ = 	snop  }
0x7: {  	_ = 	snop  }
__scs_overlays_trampoline_lowered:
0x8: {  	[smem:$0x3F9C] =	sst s0  }
0x9: {  	[smem:$0x3F9D] =	sst s1  }
0xa: {  	[smem:$0x3F9E] =	sst s2  }
0xb: {  	[smem:$0x3F9F] =	sst s3  }
0xc: {  	[smem:$0x3FA0] =	sst s4  }
0xd: {  	[smem:$0x3FA1] =	sst s5  }
0xe: {  	[smem:$0x3FA2] =	sst s6  }
0xf: {  	[smem:$0x3FA3] =	sst s7  }
0x10: {  	[smem:$0x3FA4] =	sst s8  }
0x11: {  	[smem:$0x3FA5] =	sst s9;
	s0 =	simm.s32 @!p0 $0x0  }
0x12: {  	s1 =	sld [smem:$0x3F8B];
	s0 =	simm.s32 @p0 $0x1  }
0x13: {  	[smem:$0x3FA6] =	sst s0;
	s0 =	simm.s32 @!p1 $0x0  }
0x14: {  	s2 =	sld [smem:$0x3F8A];
	s0 =	simm.s32 @p1 $0x1  }
0x15: {  	[smem:$0x3FA7] =	sst s0;
	s0 =	simm.s32 @!p2 $0x0  }
0x16: {  	s3 =	sld [smem:$0x3FDB];
	s0 =	simm.s32 @p2 $0x1  }
0x17: {  	s4 =	simm.s32 $0x1BF5;
	[smem:$0x3FA9] =	sst s0  }
0x18: {  	s0 =	sld [smem:$0x3F8C];
	_ =	swait.ge [sflag:s4], $0x0  }
0x19: {  	s7 =	sld [smem:$0x3F8D]  }
0x1a: {  	s8 =	sadd.s32 $0xFFFFE003, lr  }
0x1b: {  	s9 =	sadd.s32 $0xFFFFFEF7, lr;
	s5 =	simm.s32 $0xFFFFFFFF;
	p2 =	slt.u32 s8, $0xFFFFF086  }
0x1c: {  	p1 =	slt.u32 s9, $0xF7A;
	s5 =	simm.s32 @!p2 $0x0  }
0x1d: {  	s5 =	simm.s32 @p1 $0x1;
	p0 =	seq.s32 s7, s2  }
0x1e: {  	s7 =	smul.u32 @!p0 $0xF7A, s2;
	p2 =	seq.s32 @!p0 s5, $0x0  }
0x1f: {  	s9 =	smul.u32 $0xF7A, s1;
	s8 =	simm.s32 @!p0 $0x1BF5;
	p2 =	por !p2, p0  }
0x20: {  	[sflag:s8] =	ssyncset.s32 @!p0 $0xFFFFF086;
	s6 =	sadd.s32 @!p0 s3, s7;
	s7 =	simm.s32 @!p0 $0x108  }
0x21: {  	s3 =	sadd.s32 s3, s9;
	s6 =	sadd.s32 @!p0 $0x88, s6;
	s7 =	simm.s32 @p2 $0x1082  }
0x22: {  	[simem:s7], [sflag:s8] =	dma.local @!p0 [hbm:s6], $0xF7A  }
0x23: {  	s9 =	sor.u32 $0xD0000000, s2;
	s6 =	simm.s32 $0x108;
	_ =	swait.ge @!p0 [sflag:s8], $0x0  }
0x24: {  	s3 =	sadd.s32 $0x88, s3;
	s6 =	simm.s32 @!p1 $0x1082;
	[sflag:s4] =	ssyncset.s32 $0xFFFFF086  }
0x25: {  	[simem:s6], [sflag:s4] =	dma.local [hbm:s3], $0xF7A  }
0x26: {  	[smem:$0x3F8D] =	sst s1;
	(tag) =	ssettag s2;
	_ =	strace s9  }
0x27: {  	s1 =	sld [smem:$0x3F9D]  }
0x28: {  	s2 =	sld [smem:$0x3F9E]  }
0x29: {  	s4 =	sld [smem:$0x3FA0]  }
0x2a: {  	p0 =	seq.s32 s5, $0x0;
	s5 =	sld [smem:$0x3FA1]  }
0x2b: {  	s6 =	sld [smem:$0x3FA2]  }
0x2c: {  	s7 =	sld [smem:$0x3FA3]  }
0x2d: {  	s3 =	simm.s32 $0x108;
	s8 =	sld [smem:$0x3FA4]  }
0x2e: {  	s3 =	simm.s32 @!p0 $0x1082;
	s9 =	sld [smem:$0x3FA5]  }
0x2f: {  	lr =	sadd.s32 s0, s3;
	s0 =	sld [smem:$0x3F9C]  }
0x30: {  	s3 =	sld [smem:$0x3F9F]  }
0x31: {  	[smem:$0x3FA8] =	sst s10  }
0x32: {  	s10 =	sld [smem:$0x3FA6];
	_ =	sdelay $0x3  }
0x33: {  	p0 =	seq.s32 s10, $0x1;
	s10 =	sld [smem:$0x3FA8];
	_ =	sdelay $0x3  }
0x34: {  	[smem:$0x3FA8] =	sst s10  }
0x35: {  	s10 =	sld [smem:$0x3FA7];
	_ =	sdelay $0x3  }
0x36: {  	p1 =	seq.s32 s10, $0x1;
	s10 =	sld [smem:$0x3FA8];
	_ =	sdelay $0x3  }
0x37: {  	[smem:$0x3FA8] =	sst s10  }
0x38: {  	s10 =	sld [smem:$0x3FA9]  }
0x39: {  	_ = 	snop;
	(pc) =	sbr.ind lr, $3  }
0x3a: {  	_ = 	snop  }
0x3b: {  	_ = 	snop  }
0x3c: {  	p2 =	seq.s32 s10, $0x1;
	s10 =	sld [smem:$0x3FA8]  }
0x3d: {  	_ =	shalt  }
0x3e: {  	_ =	shalt  }
0x3f: {  	_ =	shalt  }
0x40: {  	_ =	shalt  }
0x41: {  	_ =	shalt  }
0x42: {  	_ =	shalt  }
0x43: {  	_ =	shalt  }
0x44: {  	_ =	shalt  }
0x45: {  	_ =	shalt  }
0x46: {  	_ =	shalt  }
0x47: {  	_ =	shalt  }
0x48: {  	_ =	shalt  }
0x49: {  	_ =	shalt  }
0x4a: {  	_ =	shalt  }
0x4b: {  	_ =	shalt  }
0x4c: {  	_ =	shalt  }
0x4d: {  	_ =	shalt  }
0x4e: {  	_ =	shalt  }
0x4f: {  	_ =	shalt  }
0x50: {  	_ =	shalt  }
0x51: {  	_ =	shalt  }
0x52: {  	_ =	shalt  }
0x53: {  	_ =	shalt  }
0x54: {  	_ =	shalt  }
0x55: {  	_ =	shalt  }
0x56: {  	_ =	shalt  }
0x57: {  	_ =	shalt  }
0x58: {  	_ =	shalt  }
0x59: {  	_ =	shalt  }
0x5a: {  	_ =	shalt  }
0x5b: {  	_ =	shalt  }
0x5c: {  	_ =	shalt  }
0x5d: {  	_ =	shalt  }
0x5e: {  	_ =	shalt  }
0x5f: {  	_ =	shalt  }
0x60: {  	_ =	shalt  }
0x61: {  	_ =	shalt  }
0x62: {  	_ =	shalt  }
0x63: {  	_ =	shalt  }
0x64: {  	_ =	shalt  }
0x65: {  	_ =	shalt  }
0x66: {  	_ =	shalt  }
0x67: {  	_ =	shalt  }
0x68: {  	_ =	shalt  }
0x69: {  	_ =	shalt  }
0x6a: {  	_ =	shalt  }
0x6b: {  	_ =	shalt  }
0x6c: {  	_ =	shalt  }
0x6d: {  	_ =	shalt  }
0x6e: {  	_ =	shalt  }
0x6f: {  	_ =	shalt  }
0x70: {  	_ =	shalt  }
0x71: {  	_ =	shalt  }
0x72: {  	_ =	shalt  }
0x73: {  	_ =	shalt  }
0x74: {  	_ =	shalt  }
0x75: {  	_ =	shalt  }
0x76: {  	_ =	shalt  }
0x77: {  	_ =	shalt  }
0x78: {  	_ =	shalt  }
0x79: {  	_ =	shalt  }
0x7a: {  	_ =	shalt  }
0x7b: {  	_ =	shalt  }
0x7c: {  	_ =	shalt  }
0x7d: {  	_ =	shalt  }
0x7e: {  	_ =	shalt  }
0x7f: {  	_ =	shalt  }
0x80: {  	_ =	shalt  }
0x81: {  	_ =	shalt  }
0x82: {  	_ =	shalt  }
0x83: {  	_ =	shalt  }
0x84: {  	_ =	shalt  }
0x85: {  	_ =	shalt  }
0x86: {  	_ =	shalt  }
0x87: {  	_ =	shalt  }
.Lfunc_end0:
.L_simem_size_0:
called_computation.1_lowered:
.L_overlay_start_0:
0x88: {  	s2 =	sld [smem:$0x3FD9]  }
0x89: {  	s3 =	sld [smem:$0x3FFE];
	_ =	sdelay $0x1  }
0x8a: {  	s1 =	srdreg.scid  }
0x8b: {  	s0 =	sand.u32 $0x1, s1  }
0x8c: {  	s16 =	sshll.u32 s0, $0xA;
	s2 =	sadd.s32 s3, s2  }
0x8d: {  	s2 =	sadd.s32 s2, s16  }
0x8e: {  	[smem:$0x3FB4] =	sst s2  }
0x8f: {  	_ = 	snop  }
0x90: {  	(tm) =	ssettm $0x1  }
0x91: {  	s17 =	sld [smem:$0x3FFB];
	_ =	sdelay $0x3  }
0x92: {  	_ =	strace s17  }
0x93: {  	s2 =	sld [smem:$0x3FFC];
	_ =	sdelay $0x3  }
0x94: {  	_ =	strace s2  }
0x95: {  	s2 =	sld [smem:$0x3FFD];
	_ =	sdelay $0x3  }
0x96: {  	_ =	strace s2  }
0x97: {  	_ =	strace $0x8FFFFFFF  }
0x98: {  	s18 =	sld [smem:$0x3FDB];
	_ =	sdelay $0x1  }
0x99: {  	s19 =	simm.s32 $_scs_section_size  }
0x9a: {  	s4 =	simm.s32 $_size__tile_overlayer_lowered;
	s5 =	simm.s32 $_tile_overlayer_lowered  }
0x9b: {  	s22 =	simm.s32 $0x1BFF;
	s21 =	sshll.u32 s5, $0x1;
	s2 =	sadd.s32 s19, s18  }
0x9c: {  	s6 =	simm.s32 $0x0;
	s20 =	sshll.u32 s4, $0x1;
	s4 =	sadd.s32 s21, s2  }
0x9d: {  	[timem:s6], [sflag:s22] =	dma.local [hbm:s4], s20  }
0x9e: {  	_ =	swait.ge [sflag:s22], s20  }
0x9f: {  	s3 =	ssub.s32 $0x0, s20;
	[sflag:s22] =	ssyncset.done $0x0  }
0xa0: {  	[sflag:s22] =	ssyncadd.s32 s3;
	_ =	sdelay $0x1  }
0xa1: {  	s23 =	simm.s32 $0x1B8B  }
0xa2: {  	_ =	swait.ge [sflag:s23], $0x1  }
0xa3: {  	[sflag:s23] =	ssyncset.done $0x0  }
0xa4: {  	s25 =	simm.s32 $0x1B8E;
	s24 =	sld [smem:$0x3FFE];
	[sflag:s23] =	ssyncadd.s32 $0xFFFFFFFF  }
0xa5: {  	s26 =	simm.s32 $execute0_lowered;
	[smem:$0x3FD2] =	sst s25  }
0xa6: {  	s4 =	sshll.u32 s26, $0x1;
	_ =	strace $0x80000049;
	[dreg:$0x1] =	wrdreg $0xFFFFFFFF  }
0xa7: {  	s28 =	simm.s32 $_size_execute0_lowered;
	s2 =	sadd.s32 s2, s4;
	[dreg:$0x0] =	wrdreg $0x0  }
0xa8: {  	s4 =	sshll.u32 s28, $0x1;
	[dreg:$0x2] =	wrdreg s2  }
0xa9: {  	[dreg:$0x3] =	wrdreg s4  }
0xaa: {  	[dreg:$0x4] =	wrdreg $0xC0  }
0xab: {  	_ =	task [dreg:s6], $0x5FFFF  }
0xac: {  	[dreg:$0x1] =	wrdreg $0xFFFFFFFF  }
0xad: {  	[dreg:$0x0] =	wrdreg $0x60  }
0xae: {  	[dreg:$0x2] =	wrdreg s24  }
0xaf: {  	[dreg:$0x3] =	wrdreg $0x140000  }
0xb0: {  	[dreg:$0x4] =	wrdreg $0x9  }
0xb1: {  	_ =	task.clear_ibuf [dreg:s6], $0x5FFFF;
	_ =	strace $0x90000049  }
0xb2: {  	s29 =	simm.s32 $0x9;
	_ =	strace $0x8000004B  }
0xb3: {  	_ =	swait.ge [sflag:s29], $0x1  }
0xb4: {  	[sflag:s29] =	ssyncadd.s32 $0xFFFFFFFF  }
0xb5: {  	_ =	strace $0x9000004B  }
0xb6: {  	_ =	sfence  }
0xb7: {  	s30 =	sld [smem:$0x0];
	_ =	sdelay $0x2  }
0xb8: {  	s31 =	sshll.u32 s1, $0xD;
	s1 =	sshrl.u32 s1, $0x2  }
0xb9: {  	s3 =	sand.u32 $0x4000, s31;
	s1 =	sadd.s32 s1, s30  }
0xba: {  	s0 =	sor.u32 s3, s0;
	s1 =	sshll.u32 s1, $0x11  }
0xbb: {  	s0 =	sor.u32 s1, s0  }
0xbc: {  	s0 =	sadd.s32 $0x8F2B, s0  }
0xbd: {  	[sflag:s0] =	ssyncadd.remote.s32 $0x1  }
0xbe: {  	_ =	sfence.sel $0xFFFF  }
0xbf: {  	[dreg:$0x0] =	wrdreg $0xFFFFFFFF;
	(pc) =	sbr.abs _section_cstart, $3  }
0xc0: {  	[dreg:$0x1] =	wrdreg $0xFFFFFFFF  }
0xc1: {  	_ =	task.clear_ibuf [dreg:s6], $0x2FFFF;
	_ =	strace $0x9FFFFFFF  }
0xc2: {  	(tm) =	ssettm $0x7FFFFFFF  }
0xc3: {  	_ =	shalt  }
tec
execute0_lowered:
.L_overlay_start_1:
0x0: {  	(tag) =	ssettag $0x1  }
0x1: {  	s0 =	rddreg [dreg:$0x0]  }
0x2: {  	s2 =	rddreg [dreg:$0x1];
	s1 =	srdreg.scid  }
0x3: {  	s3 =	simm.s32 $0x0;
	s12 =	stileid.u32;
	s10 =	simm.s32 $0x9  }
0x4: {  	s11 =	simm.s32 $0x2000;
	s14 =	simm.s32 $0x80;
	s15 =	simm.s32 $0x4000  }
0x5: {  	s16 =	simm.s32 $0x8000;
	s18 =	simm.s32 $0xC000;
	s19 =	simm.s32 $0x1  }
0x6: {  	s21 =	simm.s32 $0x10000;
	s22 =	simm.s32 $0x2;
	s24 =	simm.s32 $0x5  }
0x7: {  	s29 =	simm.s32 $0x6;
	s31 =	simm.s32 $0x4;
	s20 =	simm.s32 $0x8  }
0x8: {  	s23 =	simm.s32 $0x0;
	s1 =	sand.u32 $0x1, s1;
	[smem:$0x7FF] =	sst s3  }
0x9: {  	s5 =	sshll.u32 s12, $0xA;
	s7 =	sshll.u32 s12, $0xC;
	s28 =	sshll.u32 s12, $0xF  }
0xa: {  	s30 =	sshll.u32 s12, $0x6;
	s4 =	sshll.u32 s1, $0xE;
	_ =	strace $0x8000004A  }
0xb: {  	s25 =	ssub.s32 $0x2, s1;
	s1 =	sshll.u32 s1, $0x10;
	s13 =	sadd.s32 s28, s2  }
0xc: {  	s12 =	sor.u32 $0x1C09, s30;
	s4 =	sor.u32 s5, s4;
	s8 =	sshrl.u32 s25, $0x1  }
.Ltmp0:
0xd: {  	s13 =	sshrl.u32 s13, $0x3;
	s6 =	sadd.s32 s4, s0;
	(pc) =	sbr.rel .LBB2_1-.Ltmp0, $4  }
0xe: {  	s4 =	sadd.s32 $0x15000, s0;
	s0 =	sadd.s32 s7, s0;
	s9 =	ssub.s32 s25, s8  }
0xf: {  	s26 =	sadd.s32 $0xD000, s6;
	s6 =	sadd.s32 $0x5000, s6;
	s1 =	sadd.s32 s1, s0  }
0x10: {  	s7 =	sadd.s32 $0x25000, s0;
	s9 =	smax.u32 s9, $0x1;
	[dreg:$0x3] =	wrdreg s26  }
0x11: {  	s8 =	sadd.s32 $0x35000, s1;
	s26 =	simm.s32 $0x3;
	s1 =	simm.s32 $0x7  }
.LBB2_4:
0x12: {  	_ =	swait.ge [sflag:s24], $0x4000  }
0x13: {  	[sflag:s24] =	ssyncset.done $0x0  }
0x14: {  	[sflag:s24] =	ssyncadd.s32 $0xFFFFC000  }
0x15: {  	_ =	swait.ge [sflag:s29], $0x4000  }
0x16: {  	[sflag:s29] =	ssyncset.done $0x0  }
0x17: {  	[sflag:s29] =	ssyncadd.s32 $0xFFFFC000  }
0x18: {  	_ =	swait.ge [sflag:s1], $0x4000  }
0x19: {  	[sflag:s1] =	ssyncset.done $0x0  }
0x1a: {  	[sflag:s1] =	ssyncadd.s32 $0xFFFFC000  }
0x1b: {  	_ =	swait.ge [sflag:s20], $0x4000  }
0x1c: {  	s23 =	sadd.s32 $0x1, s23;
	[sflag:s20] =	ssyncset.done $0x0  }
0x1d: {  	p0 =	sne.s32 s23, s9;
	[sflag:s20] =	ssyncadd.s32 $0xFFFFC000  }
.Ltmp1:
0x1e: {  	[bflag:$0x0] =	sbarrier.arrive $0xFFFF;
	(pc) =	sbr.rel @!p0 .LBB2_5-.Ltmp1, $4  }
0x1f: {  	[hbm:s8], [sflag:s12] =	dma.local [spmem:s13], $0x1000  }
0x20: {  	_ =	swait.ge [sflag:s10], $0x1000  }
0x21: {  	[sflag:s10] =	ssyncset.done $0x0  }
0x22: {  	[sflag:s10] =	ssyncadd.s32 $0xFFFFF000  }
.LBB2_1:
0x23: {  	s0 =	rddreg [dreg:$0x3]  }
0x24: {  	[tilespmem:s3], [sflag:$0x9] =	stream.linear.gather [hbm4b:s0+s3], $0x2000, $0x38;
	[tilespmem:$0x1C000] =	vst v63  }
0x25: {  	_ =	swait.ge [sflag:s10], $0x2000  }
0x26: {  	[sflag:s10] =	ssyncset.done $0x0  }
0x27: {  	[sflag:s10] =	ssyncadd.s32 $0xFFFFE000  }
0x28: {  	[tilespmem:s11], [sflag:$0x9] =	stream.linear.gather [hbm4b:s6+s3], $0x2000, $0x38;
	[tilespmem:$0x1C000] =	vst v63  }
0x29: {  	_ =	swait.ge [sflag:s10], $0x2000  }
0x2a: {  	[sflag:s10] =	ssyncset.done $0x0  }
0x2b: {  	[sflag:s10] =	ssyncadd.s32 $0xFFFFE000  }
0x2c: {  	[spmem:s13], [sflag:s12] =	dma.local [hbm:s7], $0x1000  }
0x2d: {  	_ =	swait.ge [sflag:s10], $0x1000  }
0x2e: {  	[sflag:s10] =	ssyncset.done $0x0  }
0x2f: {  	[sflag:s10] =	ssyncadd.s32 $0xFFFFF000  }
0x30: {  	[bflag:$0x0] =	sbarrier.arrive $0xFFFF  }
0x31: {  	[tilespmem:s15], [sflag:$0x1] =	stream.indirect.gather [hbm4b:s4+s14], $0x80, s3, s14, $0xb8;
	[tilespmem:$0x1C000] =	vst v63  }
0x32: {  	_ = 	snop  }
0x33: {  	[tilespmem:s16], [sflag:$0x2] =	stream.indirect.gather [hbm4b:s4+s14], $0x80, s14, s14, $0xb8;
	[tilespmem:$0x1C000] =	vst v63  }
0x34: {  	s25 =	simm.s32 $0x100  }
0x35: {  	[tilespmem:s18], [sflag:$0x3] =	stream.indirect.gather [hbm4b:s4+s14], $0x80, s25, s14, $0xb8;
	[tilespmem:$0x1C000] =	vst v63  }
0x36: {  	_ =	swait.ge [sflag:s19], $0x4000  }
0x37: {  	[sflag:s19] =	ssyncset.done $0x0  }
0x38: {  	[sflag:s19] =	ssyncadd.s32 $0xFFFFC000  }
0x39: {  	[spmem:s2] =	stream.indirect.scatter.add.f32 [tilespmem:s15], [sflag:$0x5], $0x80, s11, s14, $0xb8;
	[tilespmem:$0x1C000] =	vst v63  }
0x3a: {  	s28 =	simm.s32 $0x180  }
0x3b: {  	[tilespmem:s21], [sflag:$0x4] =	stream.indirect.gather [hbm4b:s4+s14], $0x80, s28, s14, $0xb8;
	[tilespmem:$0x1C000] =	vst v63  }
0x3c: {  	_ =	swait.ge [sflag:s22], $0x4000  }
0x3d: {  	[sflag:s22] =	ssyncset.done $0x0  }
0x3e: {  	s30 =	simm.s32 $0x2080;
	[sflag:s22] =	ssyncadd.s32 $0xFFFFC000  }
0x3f: {  	[spmem:s2] =	stream.indirect.scatter.add.f32 [tilespmem:s16], [sflag:$0x6], $0x80, s30, s14, $0xb8;
	[tilespmem:$0x1C000] =	vst v63  }
0x40: {  	_ =	swait.ge [sflag:s24], $0x4000  }
0x41: {  	[sflag:s24] =	ssyncset.done $0x0  }
0x42: {  	s5 =	simm.s32 $0x200;
	[sflag:s24] =	ssyncadd.s32 $0xFFFFC000  }
0x43: {  	[tilespmem:s15], [sflag:$0x1] =	stream.indirect.gather [hbm4b:s4+s14], $0x80, s5, s14, $0xb8;
	[tilespmem:$0x1C000] =	vst v63  }
0x44: {  	_ =	swait.ge [sflag:s26], $0x4000  }
0x45: {  	[sflag:s26] =	ssyncset.done $0x0  }
0x46: {  	s17 =	simm.s32 $0x2100;
	[sflag:s26] =	ssyncadd.s32 $0xFFFFC000  }
0x47: {  	[spmem:s2] =	stream.indirect.scatter.add.f32 [tilespmem:s18], [sflag:$0x7], $0x80, s17, s14, $0xb8;
	[tilespmem:$0x1C000] =	vst v63  }
0x48: {  	_ =	swait.ge [sflag:s29], $0x4000  }
0x49: {  	[sflag:s29] =	ssyncset.done $0x0  }
0x4a: {  	s25 =	simm.s32 $0x280;
	[sflag:s29] =	ssyncadd.s32 $0xFFFFC000  }
0x4b: {  	[tilespmem:s16], [sflag:$0x2] =	stream.indirect.gather [hbm4b:s4+s14], $0x80, s25, s14, $0xb8;
	[tilespmem:$0x1C000] =	vst v63  }
0x4c: {  	_ =	swait.ge [sflag:s31], $0x4000  }
0x4d: {  	[sflag:s31] =	ssyncset.done $0x0  }
0x4e: {  	s28 =	simm.s32 $0x2180;
	[sflag:s31] =	ssyncadd.s32 $0xFFFFC000  }
0x4f: {  	[spmem:s2] =	stream.indirect.scatter.add.f32 [tilespmem:s21], [sflag:$0x8], $0x80, s28, s14, $0xb8;
	[tilespmem:$0x1C000] =	vst v63  }
0x50: {  	_ =	swait.ge [sflag:s1], $0x4000  }
0x51: {  	[sflag:s1] =	ssyncset.done $0x0  }
0x52: {  	s30 =	simm.s32 $0x300;
	s25 =	simm.s32 $0x0;
	[sflag:s1] =	ssyncadd.s32 $0xFFFFC000  }
0x53: {  	[tilespmem:s18], [sflag:$0x3] =	stream.indirect.gather [hbm4b:s4+s14], $0x80, s30, s14, $0xb8;
	[tilespmem:$0x1C000] =	vst v63  }
.LBB2_2:
0x54: {  	_ =	swait.ge [sflag:s19], $0x4000  }
0x55: {  	s28 =	sshra.s32 s25, $0x2;
	[sflag:s19] =	ssyncset.done $0x0  }
0x56: {  	s30 =	sadd.s32 $0x2200, s28;
	[sflag:s19] =	ssyncadd.s32 $0xFFFFC000  }
0x57: {  	[spmem:s2] =	stream.indirect.scatter.add.f32 [tilespmem:s15], [sflag:$0x5], $0x80, s30, s14, $0xb8;
	[tilespmem:$0x1C000] =	vst v63  }
0x58: {  	_ =	swait.ge [sflag:s20], $0x4000  }
0x59: {  	[sflag:s20] =	ssyncset.done $0x0  }
0x5a: {  	s5 =	sadd.s32 $0x380, s28;
	[sflag:s20] =	ssyncadd.s32 $0xFFFFC000  }
0x5b: {  	[tilespmem:s21], [sflag:$0x4] =	stream.indirect.gather [hbm4b:s4+s14], $0x80, s5, s14, $0xb8;
	[tilespmem:$0x1C000] =	vst v63  }
0x5c: {  	_ =	swait.ge [sflag:s22], $0x4000  }
0x5d: {  	p0 =	seq.s32 s25, $0x7000;
	[sflag:s22] =	ssyncset.done $0x0  }
0x5e: {  	s17 =	sadd.s32 $0x2280, s28;
	s30 =	simm.s32 @p0 $0x3;
	[sflag:s22] =	ssyncadd.s32 $0xFFFFC000  }
0x5f: {  	[spmem:s2] =	stream.indirect.scatter.add.f32 [tilespmem:s16], [sflag:$0x6], $0x80, s17, s14, $0xb8;
	[tilespmem:$0x1C000] =	vst v63  }
0x60: {  	_ =	swait.ge @p0 [sflag:s30], $0x4000  }
0x61: {  	[sflag:s30] =	ssyncset.done @p0 $0x0  }
0x62: {  	[sflag:s30] =	ssyncadd.s32 @p0 $0xFFFFC000;
	s30 =	sshra.s32 @p0 s25, $0x2  }
0x63: {  	s0 =	simm.s32 @p0 $0x80;
	s17 =	simm.s32 @p0 $0xC000;
	s30 =	sadd.s32 @p0 $0x2300, s30  }
0x64: {  	[spmem:s2] =	stream.indirect.scatter.add.f32 @p0 [tilespmem:s17], [sflag:$0x7], $0x80, s30, s0, $0xb8;
	[tilespmem:$0x1C000] =	vst v63  }
0x65: {  	s0 =	simm.s32 @!p0 $0x5  }
0x66: {  	_ =	swait.ge @!p0 [sflag:s0], $0x4000  }
0x67: {  	[sflag:s0] =	ssyncset.done @!p0 $0x0  }
0x68: {  	[sflag:s0] =	ssyncadd.s32 @!p0 $0xFFFFC000;
	s0 =	sshra.s32 @!p0 s25, $0x2  }
0x69: {  	s5 =	simm.s32 @!p0 $0x4000;
	s30 =	simm.s32 @!p0 $0x80;
	s17 =	sadd.s32 @!p0 $0x400, s0  }
0x6a: {  	[tilespmem:s5], [sflag:$0x1] =	stream.indirect.gather @!p0 [hbm4b:s4+s30], $0x80, s17, s30, $0xb8;
	[tilespmem:$0x1C000] =	vst v63  }
0x6b: {  	s5 =	simm.s32 @!p0 $0x3  }
0x6c: {  	_ =	swait.ge @!p0 [sflag:s5], $0x4000  }
0x6d: {  	[sflag:s5] =	ssyncset.done @!p0 $0x0  }
0x6e: {  	s17 =	simm.s32 @!p0 $0xC000;
	[sflag:s5] =	ssyncadd.s32 @!p0 $0xFFFFC000;
	s5 =	sadd.s32 @!p0 $0x2300, s0  }
0x6f: {  	[spmem:s2] =	stream.indirect.scatter.add.f32 @!p0 [tilespmem:s17], [sflag:$0x7], $0x80, s5, s30, $0xb8;
	[tilespmem:$0x1C000] =	vst v63  }
0x70: {  	s5 =	simm.s32 @!p0 $0x6  }
0x71: {  	_ =	swait.ge @!p0 [sflag:s5], $0x4000  }
0x72: {  	[sflag:s5] =	ssyncset.done @!p0 $0x0  }
0x73: {  	s0 =	sadd.s32 @!p0 $0x480, s0;
	[sflag:s5] =	ssyncadd.s32 @!p0 $0xFFFFC000;
	s5 =	simm.s32 @!p0 $0x8000  }
0x74: {  	[tilespmem:s5], [sflag:$0x2] =	stream.indirect.gather @!p0 [hbm4b:s4+s30], $0x80, s0, s30, $0xb8;
	[tilespmem:$0x1C000] =	vst v63  }
.Ltmp2:
0x75: {  	_ = 	snop;
	(pc) =	sbr.rel @p0 .LBB2_4-.Ltmp2, $4  }
0x76: {  	_ =	swait.ge [sflag:s31], $0x4000  }
0x77: {  	[sflag:s31] =	ssyncset.done $0x0  }
0x78: {  	s30 =	sadd.s32 $0x2380, s28;
	[sflag:s31] =	ssyncadd.s32 $0xFFFFC000  }
0x79: {  	[spmem:s2] =	stream.indirect.scatter.add.f32 [tilespmem:s21], [sflag:$0x8], $0x80, s30, s14, $0xb8;
	[tilespmem:$0x1C000] =	vst v63  }
.Ltmp3:
0x7a: {  	(pc) =	sbr.rel .LBB2_2-.Ltmp3, $4  }
0x7b: {  	_ =	swait.ge [sflag:s1], $0x4000  }
0x7c: {  	[sflag:s1] =	ssyncset.done $0x0  }
0x7d: {  	s0 =	sadd.s32 $0x500, s28;
	s25 =	sadd.s32 $0x800, s25;
	[sflag:s1] =	ssyncadd.s32 $0xFFFFC000  }
0x7e: {  	[tilespmem:s18], [sflag:$0x3] =	stream.indirect.gather [hbm4b:s4+s14], $0x80, s0, s14, $0xb8;
	[tilespmem:$0x1C000] =	vst v63  }
.LBB2_5:
0x7f: {  	_ =	sfence.sel $0x180000  }
0x80: {  	[bflag:$0x0] =	sbarrier.arrive $0xFFFF  }
0x81: {  	_ =	strace $0x9000004A  }
0x82: {  	s0 =	stileid.u32;
	[bflag:$0x2] =	sbarrier.arrive $0xFFFF  }
0x83: {  	p0 =	sne.s32 s0, $0x0;
	s0 =	rddreg [dreg:$0x2]  }
0x84: {  	s0 =	sadd.s32 @!p0 $0x100000, s0  }
0x85: {  	[sflag:s0] =	ssyncadd.tile.s32 @!p0 $0x1;
	_ =	shalt  }
.Lfunc_end2:
_tile_overlayer_lowered:
.L_overlay_start_2:
0x86: {  	(tag) =	ssettag $0x2  }
0x87: {  	s0 =	rddreg [dreg:$0x0];
	s2 =	stileid.u32  }
0x88: {  	s1 =	rddreg [dreg:$0x1];
	p0 =	sne.s32 s2, $0x0  }
0x89: {  	s3 =	rddreg [dreg:$0x2];
	[bflag:$0x3] =	sbarrier.arrive $0xFFFF;
	s2 =	simm.s32 @!p0 $0x1C09  }
0x8a: {  	[timem:s3], [sflag:s2] =	dma.local @!p0 [hbm:s0], s1  }
0x8b: {  	s0 =	simm.s32 @!p0 $0x9  }
0x8c: {  	_ =	swait.ge @!p0 [sflag:s0], s1  }
0x8d: {  	s1 =	ssub.s32 @!p0 $0x0, s1;
	[sflag:s0] =	ssyncset.done @!p0 $0x0  }
0x8e: {  	[sflag:s0] =	ssyncadd.s32 @!p0 s1  }
0x8f: {  	[bflag:$0x3] =	sbarrier.arrive $0xFFFF  }
0x90: {  	_ =	shalt  }

// kernel: kernel.18.cloned.1.call-start
scs
__scs_entry_jumppad:
0x0: {  	(pc) =	sbr.rel $0x88, $3  }
0x1: {  	(tag) =	ssettag $0x0;
	lr =	simm.s32 $0x1  }
0x2: {  	[smem:$0x3F8D] =	sst lr;
	_ =	strace $0xD0000000  }
0x3: {  	_ = 	snop  }
0x4: {  	_ = 	snop  }
0x5: {  	_ = 	snop  }
0x6: {  	_ = 	snop  }
0x7: {  	_ = 	snop  }
__scs_overlays_trampoline_lowered:
0x8: {  	[smem:$0x3F9C] =	sst s0  }
0x9: {  	[smem:$0x3F9D] =	sst s1  }
0xa: {  	[smem:$0x3F9E] =	sst s2  }
0xb: {  	[smem:$0x3F9F] =	sst s3  }
0xc: {  	[smem:$0x3FA0] =	sst s4  }
0xd: {  	[smem:$0x3FA1] =	sst s5  }
0xe: {  	[smem:$0x3FA2] =	sst s6  }
0xf: {  	[smem:$0x3FA3] =	sst s7  }
0x10: {  	[smem:$0x3FA4] =	sst s8  }
0x11: {  	[smem:$0x3FA5] =	sst s9;
	s0 =	simm.s32 @!p0 $0x0  }
0x12: {  	s1 =	sld [smem:$0x3F8B];
	s0 =	simm.s32 @p0 $0x1  }
0x13: {  	[smem:$0x3FA6] =	sst s0;
	s0 =	simm.s32 @!p1 $0x0  }
0x14: {  	s2 =	sld [smem:$0x3F8A];
	s0 =	simm.s32 @p1 $0x1  }
0x15: {  	[smem:$0x3FA7] =	sst s0;
	s0 =	simm.s32 @!p2 $0x0  }
0x16: {  	s3 =	sld [smem:$0x3FDB];
	s0 =	simm.s32 @p2 $0x1  }
0x17: {  	s4 =	simm.s32 $0x1BF5;
	[smem:$0x3FA9] =	sst s0  }
0x18: {  	s0 =	sld [smem:$0x3F8C];
	_ =	swait.ge [sflag:s4], $0x0  }
0x19: {  	s7 =	sld [smem:$0x3F8D]  }
0x1a: {  	s8 =	sadd.s32 $0xFFFFE003, lr  }
0x1b: {  	s9 =	sadd.s32 $0xFFFFFEF7, lr;
	s5 =	simm.s32 $0xFFFFFFFF;
	p2 =	slt.u32 s8, $0xFFFFF086  }
0x1c: {  	p1 =	slt.u32 s9, $0xF7A;
	s5 =	simm.s32 @!p2 $0x0  }
0x1d: {  	s5 =	simm.s32 @p1 $0x1;
	p0 =	seq.s32 s7, s2  }
0x1e: {  	s7 =	smul.u32 @!p0 $0xF7A, s2;
	p2 =	seq.s32 @!p0 s5, $0x0  }
0x1f: {  	s9 =	smul.u32 $0xF7A, s1;
	s8 =	simm.s32 @!p0 $0x1BF5;
	p2 =	por !p2, p0  }
0x20: {  	[sflag:s8] =	ssyncset.s32 @!p0 $0xFFFFF086;
	s6 =	sadd.s32 @!p0 s3, s7;
	s7 =	simm.s32 @!p0 $0x108  }
0x21: {  	s3 =	sadd.s32 s3, s9;
	s6 =	sadd.s32 @!p0 $0x88, s6;
	s7 =	simm.s32 @p2 $0x1082  }
0x22: {  	[simem:s7], [sflag:s8] =	dma.local @!p0 [hbm:s6], $0xF7A  }
0x23: {  	s9 =	sor.u32 $0xD0000000, s2;
	s6 =	simm.s32 $0x108;
	_ =	swait.ge @!p0 [sflag:s8], $0x0  }
0x24: {  	s3 =	sadd.s32 $0x88, s3;
	s6 =	simm.s32 @!p1 $0x1082;
	[sflag:s4] =	ssyncset.s32 $0xFFFFF086  }
0x25: {  	[simem:s6], [sflag:s4] =	dma.local [hbm:s3], $0xF7A  }
0x26: {  	[smem:$0x3F8D] =	sst s1;
	(tag) =	ssettag s2;
	_ =	strace s9  }
0x27: {  	s1 =	sld [smem:$0x3F9D]  }
0x28: {  	s2 =	sld [smem:$0x3F9E]  }
0x29: {  	s4 =	sld [smem:$0x3FA0]  }
0x2a: {  	p0 =	seq.s32 s5, $0x0;
	s5 =	sld [smem:$0x3FA1]  }
0x2b: {  	s6 =	sld [smem:$0x3FA2]  }
0x2c: {  	s7 =	sld [smem:$0x3FA3]  }
0x2d: {  	s3 =	simm.s32 $0x108;
	s8 =	sld [smem:$0x3FA4]  }
0x2e: {  	s3 =	simm.s32 @!p0 $0x1082;
	s9 =	sld [smem:$0x3FA5]  }
0x2f: {  	lr =	sadd.s32 s0, s3;
	s0 =	sld [smem:$0x3F9C]  }
0x30: {  	s3 =	sld [smem:$0x3F9F]  }
0x31: {  	[smem:$0x3FA8] =	sst s10  }
0x32: {  	s10 =	sld [smem:$0x3FA6];
	_ =	sdelay $0x3  }
0x33: {  	p0 =	seq.s32 s10, $0x1;
	s10 =	sld [smem:$0x3FA8];
	_ =	sdelay $0x3  }
0x34: {  	[smem:$0x3FA8] =	sst s10  }
0x35: {  	s10 =	sld [smem:$0x3FA7];
	_ =	sdelay $0x3  }
0x36: {  	p1 =	seq.s32 s10, $0x1;
	s10 =	sld [smem:$0x3FA8];
	_ =	sdelay $0x3  }
0x37: {  	[smem:$0x3FA8] =	sst s10  }
0x38: {  	s10 =	sld [smem:$0x3FA9]  }
0x39: {  	_ = 	snop;
	(pc) =	sbr.ind lr, $3  }
0x3a: {  	_ = 	snop  }
0x3b: {  	_ = 	snop  }
0x3c: {  	p2 =	seq.s32 s10, $0x1;
	s10 =	sld [smem:$0x3FA8]  }
0x3d: {  	_ =	shalt  }
0x3e: {  	_ =	shalt  }
0x3f: {  	_ =	shalt  }
0x40: {  	_ =	shalt  }
0x41: {  	_ =	shalt  }
0x42: {  	_ =	shalt  }
0x43: {  	_ =	shalt  }
0x44: {  	_ =	shalt  }
0x45: {  	_ =	shalt  }
0x46: {  	_ =	shalt  }
0x47: {  	_ =	shalt  }
0x48: {  	_ =	shalt  }
0x49: {  	_ =	shalt  }
0x4a: {  	_ =	shalt  }
0x4b: {  	_ =	shalt  }
0x4c: {  	_ =	shalt  }
0x4d: {  	_ =	shalt  }
0x4e: {  	_ =	shalt  }
0x4f: {  	_ =	shalt  }
0x50: {  	_ =	shalt  }
0x51: {  	_ =	shalt  }
0x52: {  	_ =	shalt  }
0x53: {  	_ =	shalt  }
0x54: {  	_ =	shalt  }
0x55: {  	_ =	shalt  }
0x56: {  	_ =	shalt  }
0x57: {  	_ =	shalt  }
0x58: {  	_ =	shalt  }
0x59: {  	_ =	shalt  }
0x5a: {  	_ =	shalt  }
0x5b: {  	_ =	shalt  }
0x5c: {  	_ =	shalt  }
0x5d: {  	_ =	shalt  }
0x5e: {  	_ =	shalt  }
0x5f: {  	_ =	shalt  }
0x60: {  	_ =	shalt  }
0x61: {  	_ =	shalt  }
0x62: {  	_ =	shalt  }
0x63: {  	_ =	shalt  }
0x64: {  	_ =	shalt  }
0x65: {  	_ =	shalt  }
0x66: {  	_ =	shalt  }
0x67: {  	_ =	shalt  }
0x68: {  	_ =	shalt  }
0x69: {  	_ =	shalt  }
0x6a: {  	_ =	shalt  }
0x6b: {  	_ =	shalt  }
0x6c: {  	_ =	shalt  }
0x6d: {  	_ =	shalt  }
0x6e: {  	_ =	shalt  }
0x6f: {  	_ =	shalt  }
0x70: {  	_ =	shalt  }
0x71: {  	_ =	shalt  }
0x72: {  	_ =	shalt  }
0x73: {  	_ =	shalt  }
0x74: {  	_ =	shalt  }
0x75: {  	_ =	shalt  }
0x76: {  	_ =	shalt  }
0x77: {  	_ =	shalt  }
0x78: {  	_ =	shalt  }
0x79: {  	_ =	shalt  }
0x7a: {  	_ =	shalt  }
0x7b: {  	_ =	shalt  }
0x7c: {  	_ =	shalt  }
0x7d: {  	_ =	shalt  }
0x7e: {  	_ =	shalt  }
0x7f: {  	_ =	shalt  }
0x80: {  	_ =	shalt  }
0x81: {  	_ =	shalt  }
0x82: {  	_ =	shalt  }
0x83: {  	_ =	shalt  }
0x84: {  	_ =	shalt  }
0x85: {  	_ =	shalt  }
0x86: {  	_ =	shalt  }
0x87: {  	_ =	shalt  }
.Lfunc_end0:
.L_simem_size_0:
called_computation.2_lowered:
.L_overlay_start_0:
0x88: {  	s2 =	sld [smem:$0x3FD9]  }
0x89: {  	s3 =	sld [smem:$0x3FFE];
	_ =	sdelay $0x1  }
0x8a: {  	s1 =	srdreg.scid  }
0x8b: {  	s0 =	sand.u32 $0x1, s1  }
0x8c: {  	s16 =	sshll.u32 s0, $0xA;
	s2 =	sadd.s32 s3, s2  }
0x8d: {  	s2 =	sadd.s32 s2, s16  }
0x8e: {  	[smem:$0x3FB4] =	sst s2  }
0x8f: {  	_ = 	snop  }
0x90: {  	(tm) =	ssettm $0x1  }
0x91: {  	s17 =	sld [smem:$0x3FFB];
	_ =	sdelay $0x3  }
0x92: {  	_ =	strace s17  }
0x93: {  	s2 =	sld [smem:$0x3FFC];
	_ =	sdelay $0x3  }
0x94: {  	_ =	strace s2  }
0x95: {  	s2 =	sld [smem:$0x3FFD];
	_ =	sdelay $0x3  }
0x96: {  	_ =	strace s2  }
0x97: {  	_ =	strace $0x8FFFFFFF  }
0x98: {  	s18 =	sld [smem:$0x3FDB];
	_ =	sdelay $0x1  }
0x99: {  	s19 =	simm.s32 $_scs_section_size  }
0x9a: {  	s4 =	simm.s32 $_size__tile_overlayer_lowered;
	s5 =	simm.s32 $_tile_overlayer_lowered  }
0x9b: {  	s22 =	simm.s32 $0x1BFF;
	s21 =	sshll.u32 s5, $0x1;
	s2 =	sadd.s32 s19, s18  }
0x9c: {  	s6 =	simm.s32 $0x0;
	s20 =	sshll.u32 s4, $0x1;
	s4 =	sadd.s32 s21, s2  }
0x9d: {  	[timem:s6], [sflag:s22] =	dma.local [hbm:s4], s20  }
0x9e: {  	_ =	swait.ge [sflag:s22], s20  }
0x9f: {  	s3 =	ssub.s32 $0x0, s20;
	[sflag:s22] =	ssyncset.done $0x0  }
0xa0: {  	[sflag:s22] =	ssyncadd.s32 s3;
	_ =	sdelay $0x1  }
0xa1: {  	s23 =	simm.s32 $0x1B8B  }
0xa2: {  	_ =	swait.ge [sflag:s23], $0x1  }
0xa3: {  	[sflag:s23] =	ssyncset.done $0x0  }
0xa4: {  	s25 =	simm.s32 $0x1B8E;
	s24 =	sld [smem:$0x3FFE];
	[sflag:s23] =	ssyncadd.s32 $0xFFFFFFFF  }
0xa5: {  	s26 =	simm.s32 $execute0_lowered;
	[smem:$0x3FD2] =	sst s25  }
0xa6: {  	s4 =	sshll.u32 s26, $0x1;
	_ =	strace $0x8000004C;
	[dreg:$0x1] =	wrdreg $0xFFFFFFFF  }
0xa7: {  	s28 =	simm.s32 $_size_execute0_lowered;
	s2 =	sadd.s32 s2, s4;
	[dreg:$0x0] =	wrdreg $0x0  }
0xa8: {  	s4 =	sshll.u32 s28, $0x1;
	[dreg:$0x2] =	wrdreg s2  }
0xa9: {  	[dreg:$0x3] =	wrdreg s4  }
0xaa: {  	[dreg:$0x4] =	wrdreg $0xC0  }
0xab: {  	_ =	task [dreg:s6], $0x5FFFF  }
0xac: {  	[dreg:$0x1] =	wrdreg $0xFFFFFFFF  }
0xad: {  	[dreg:$0x0] =	wrdreg $0x60  }
0xae: {  	[dreg:$0x2] =	wrdreg s24  }
0xaf: {  	[dreg:$0x3] =	wrdreg $0x140000  }
0xb0: {  	[dreg:$0x4] =	wrdreg $0x9  }
0xb1: {  	_ =	task.clear_ibuf [dreg:s6], $0x5FFFF;
	_ =	strace $0x9000004C  }
0xb2: {  	s29 =	simm.s32 $0x9;
	_ =	strace $0x8000004E  }
0xb3: {  	_ =	swait.ge [sflag:s29], $0x1  }
0xb4: {  	[sflag:s29] =	ssyncadd.s32 $0xFFFFFFFF  }
0xb5: {  	_ =	strace $0x9000004E  }
0xb6: {  	_ =	sfence  }
0xb7: {  	s30 =	sld [smem:$0x0];
	_ =	sdelay $0x2  }
0xb8: {  	s31 =	sshll.u32 s1, $0xD;
	s1 =	sshrl.u32 s1, $0x2  }
0xb9: {  	s3 =	sand.u32 $0x4000, s31;
	s1 =	sadd.s32 s1, s30  }
0xba: {  	s0 =	sor.u32 s3, s0;
	s1 =	sshll.u32 s1, $0x11  }
0xbb: {  	s0 =	sor.u32 s1, s0  }
0xbc: {  	s0 =	sadd.s32 $0x8F2B, s0  }
0xbd: {  	[sflag:s0] =	ssyncadd.remote.s32 $0x1  }
0xbe: {  	_ =	sfence.sel $0xFFFF  }
0xbf: {  	[dreg:$0x0] =	wrdreg $0xFFFFFFFF;
	(pc) =	sbr.abs _section_cstart, $3  }
0xc0: {  	[dreg:$0x1] =	wrdreg $0xFFFFFFFF  }
0xc1: {  	_ =	task.clear_ibuf [dreg:s6], $0x2FFFF;
	_ =	strace $0x9FFFFFFF  }
0xc2: {  	(tm) =	ssettm $0x7FFFFFFF  }
0xc3: {  	_ =	shalt  }
tec
execute0_lowered:
.L_overlay_start_1:
0x0: {  	(tag) =	ssettag $0x1  }
0x1: {  	s0 =	rddreg [dreg:$0x0]  }
0x2: {  	s2 =	rddreg [dreg:$0x1];
	s1 =	srdreg.scid  }
0x3: {  	s3 =	simm.s32 $0x0;
	s12 =	stileid.u32;
	s10 =	simm.s32 $0x9  }
0x4: {  	s11 =	simm.s32 $0x2000;
	s14 =	simm.s32 $0x80;
	s15 =	simm.s32 $0x4000  }
0x5: {  	s16 =	simm.s32 $0x8000;
	s18 =	simm.s32 $0xC000;
	s19 =	simm.s32 $0x1  }
0x6: {  	s21 =	simm.s32 $0x10000;
	s22 =	simm.s32 $0x2;
	s24 =	simm.s32 $0x5  }
0x7: {  	s29 =	simm.s32 $0x6;
	s31 =	simm.s32 $0x4;
	s20 =	simm.s32 $0x8  }
0x8: {  	s23 =	simm.s32 $0x0;
	s1 =	sand.u32 $0x1, s1;
	[smem:$0x7FF] =	sst s3  }
0x9: {  	s5 =	sshll.u32 s12, $0xA;
	s7 =	sshll.u32 s12, $0xC;
	s28 =	sshll.u32 s12, $0xF  }
0xa: {  	s30 =	sshll.u32 s12, $0x6;
	s4 =	sshll.u32 s1, $0xE;
	_ =	strace $0x8000004D  }
0xb: {  	s25 =	ssub.s32 $0x2, s1;
	s1 =	sshll.u32 s1, $0x10;
	s13 =	sadd.s32 s28, s2  }
0xc: {  	s12 =	sor.u32 $0x1C09, s30;
	s4 =	sor.u32 s5, s4;
	s8 =	sshrl.u32 s25, $0x1  }
.Ltmp0:
0xd: {  	s13 =	sshrl.u32 s13, $0x3;
	s6 =	sadd.s32 s4, s0;
	(pc) =	sbr.rel .LBB2_1-.Ltmp0, $4  }
0xe: {  	s4 =	sadd.s32 $0x15000, s0;
	s0 =	sadd.s32 s7, s0;
	s9 =	ssub.s32 s25, s8  }
0xf: {  	s26 =	sadd.s32 $0xD000, s6;
	s6 =	sadd.s32 $0x5000, s6;
	s1 =	sadd.s32 s1, s0  }
0x10: {  	s7 =	sadd.s32 $0x25000, s0;
	s9 =	smax.u32 s9, $0x1;
	[dreg:$0x3] =	wrdreg s26  }
0x11: {  	s8 =	sadd.s32 $0x35000, s1;
	s26 =	simm.s32 $0x3;
	s1 =	simm.s32 $0x7  }
.LBB2_4:
0x12: {  	_ =	swait.ge [sflag:s24], $0x4000  }
0x13: {  	[sflag:s24] =	ssyncset.done $0x0  }
0x14: {  	[sflag:s24] =	ssyncadd.s32 $0xFFFFC000  }
0x15: {  	_ =	swait.ge [sflag:s29], $0x4000  }
0x16: {  	[sflag:s29] =	ssyncset.done $0x0  }
0x17: {  	[sflag:s29] =	ssyncadd.s32 $0xFFFFC000  }
0x18: {  	_ =	swait.ge [sflag:s1], $0x4000  }
0x19: {  	[sflag:s1] =	ssyncset.done $0x0  }
0x1a: {  	[sflag:s1] =	ssyncadd.s32 $0xFFFFC000  }
0x1b: {  	_ =	swait.ge [sflag:s20], $0x4000  }
0x1c: {  	s23 =	sadd.s32 $0x1, s23;
	[sflag:s20] =	ssyncset.done $0x0  }
0x1d: {  	p0 =	sne.s32 s23, s9;
	[sflag:s20] =	ssyncadd.s32 $0xFFFFC000  }
.Ltmp1:
0x1e: {  	[bflag:$0x0] =	sbarrier.arrive $0xFFFF;
	(pc) =	sbr.rel @!p0 .LBB2_5-.Ltmp1, $4  }
0x1f: {  	[hbm:s8], [sflag:s12] =	dma.local [spmem:s13], $0x1000  }
0x20: {  	_ =	swait.ge [sflag:s10], $0x1000  }
0x21: {  	[sflag:s10] =	ssyncset.done $0x0  }
0x22: {  	[sflag:s10] =	ssyncadd.s32 $0xFFFFF000  }
.LBB2_1:
0x23: {  	s0 =	rddreg [dreg:$0x3]  }
0x24: {  	[tilespmem:s3], [sflag:$0x9] =	stream.linear.gather [hbm4b:s0+s3], $0x2000, $0x38;
	[tilespmem:$0x1C000] =	vst v63  }
0x25: {  	_ =	swait.ge [sflag:s10], $0x2000  }
0x26: {  	[sflag:s10] =	ssyncset.done $0x0  }
0x27: {  	[sflag:s10] =	ssyncadd.s32 $0xFFFFE000  }
0x28: {  	[tilespmem:s11], [sflag:$0x9] =	stream.linear.gather [hbm4b:s6+s3], $0x2000, $0x38;
	[tilespmem:$0x1C000] =	vst v63  }
0x29: {  	_ =	swait.ge [sflag:s10], $0x2000  }
0x2a: {  	[sflag:s10] =	ssyncset.done $0x0  }
0x2b: {  	[sflag:s10] =	ssyncadd.s32 $0xFFFFE000  }
0x2c: {  	[spmem:s13], [sflag:s12] =	dma.local [hbm:s7], $0x1000  }
0x2d: {  	_ =	swait.ge [sflag:s10], $0x1000  }
0x2e: {  	[sflag:s10] =	ssyncset.done $0x0  }
0x2f: {  	[sflag:s10] =	ssyncadd.s32 $0xFFFFF000  }
0x30: {  	[bflag:$0x0] =	sbarrier.arrive $0xFFFF  }
0x31: {  	[tilespmem:s15], [sflag:$0x1] =	stream.indirect.gather [hbm4b:s4+s14], $0x80, s3, s14, $0xb8;
	[tilespmem:$0x1C000] =	vst v63  }
0x32: {  	_ = 	snop  }
0x33: {  	[tilespmem:s16], [sflag:$0x2] =	stream.indirect.gather [hbm4b:s4+s14], $0x80, s14, s14, $0xb8;
	[tilespmem:$0x1C000] =	vst v63  }
0x34: {  	s25 =	simm.s32 $0x100  }
0x35: {  	[tilespmem:s18], [sflag:$0x3] =	stream.indirect.gather [hbm4b:s4+s14], $0x80, s25, s14, $0xb8;
	[tilespmem:$0x1C000] =	vst v63  }
0x36: {  	_ =	swait.ge [sflag:s19], $0x4000  }
0x37: {  	[sflag:s19] =	ssyncset.done $0x0  }
0x38: {  	[sflag:s19] =	ssyncadd.s32 $0xFFFFC000  }
0x39: {  	[spmem:s2] =	stream.indirect.scatter.add.f32 [tilespmem:s15], [sflag:$0x5], $0x80, s11, s14, $0xb8;
	[tilespmem:$0x1C000] =	vst v63  }
0x3a: {  	s28 =	simm.s32 $0x180  }
0x3b: {  	[tilespmem:s21], [sflag:$0x4] =	stream.indirect.gather [hbm4b:s4+s14], $0x80, s28, s14, $0xb8;
	[tilespmem:$0x1C000] =	vst v63  }
0x3c: {  	_ =	swait.ge [sflag:s22], $0x4000  }
0x3d: {  	[sflag:s22] =	ssyncset.done $0x0  }
0x3e: {  	s30 =	simm.s32 $0x2080;
	[sflag:s22] =	ssyncadd.s32 $0xFFFFC000  }
0x3f: {  	[spmem:s2] =	stream.indirect.scatter.add.f32 [tilespmem:s16], [sflag:$0x6], $0x80, s30, s14, $0xb8;
	[tilespmem:$0x1C000] =	vst v63  }
0x40: {  	_ =	swait.ge [sflag:s24], $0x4000  }
0x41: {  	[sflag:s24] =	ssyncset.done $0x0  }
0x42: {  	s5 =	simm.s32 $0x200;
	[sflag:s24] =	ssyncadd.s32 $0xFFFFC000  }
0x43: {  	[tilespmem:s15], [sflag:$0x1] =	stream.indirect.gather [hbm4b:s4+s14], $0x80, s5, s14, $0xb8;
	[tilespmem:$0x1C000] =	vst v63  }
0x44: {  	_ =	swait.ge [sflag:s26], $0x4000  }
0x45: {  	[sflag:s26] =	ssyncset.done $0x0  }
0x46: {  	s17 =	simm.s32 $0x2100;
	[sflag:s26] =	ssyncadd.s32 $0xFFFFC000  }
0x47: {  	[spmem:s2] =	stream.indirect.scatter.add.f32 [tilespmem:s18], [sflag:$0x7], $0x80, s17, s14, $0xb8;
	[tilespmem:$0x1C000] =	vst v63  }
0x48: {  	_ =	swait.ge [sflag:s29], $0x4000  }
0x49: {  	[sflag:s29] =	ssyncset.done $0x0  }
0x4a: {  	s25 =	simm.s32 $0x280;
	[sflag:s29] =	ssyncadd.s32 $0xFFFFC000  }
0x4b: {  	[tilespmem:s16], [sflag:$0x2] =	stream.indirect.gather [hbm4b:s4+s14], $0x80, s25, s14, $0xb8;
	[tilespmem:$0x1C000] =	vst v63  }
0x4c: {  	_ =	swait.ge [sflag:s31], $0x4000  }
0x4d: {  	[sflag:s31] =	ssyncset.done $0x0  }
0x4e: {  	s28 =	simm.s32 $0x2180;
	[sflag:s31] =	ssyncadd.s32 $0xFFFFC000  }
0x4f: {  	[spmem:s2] =	stream.indirect.scatter.add.f32 [tilespmem:s21], [sflag:$0x8], $0x80, s28, s14, $0xb8;
	[tilespmem:$0x1C000] =	vst v63  }
0x50: {  	_ =	swait.ge [sflag:s1], $0x4000  }
0x51: {  	[sflag:s1] =	ssyncset.done $0x0  }
0x52: {  	s30 =	simm.s32 $0x300;
	s25 =	simm.s32 $0x0;
	[sflag:s1] =	ssyncadd.s32 $0xFFFFC000  }
0x53: {  	[tilespmem:s18], [sflag:$0x3] =	stream.indirect.gather [hbm4b:s4+s14], $0x80, s30, s14, $0xb8;
	[tilespmem:$0x1C000] =	vst v63  }
.LBB2_2:
0x54: {  	_ =	swait.ge [sflag:s19], $0x4000  }
0x55: {  	s28 =	sshra.s32 s25, $0x2;
	[sflag:s19] =	ssyncset.done $0x0  }
0x56: {  	s30 =	sadd.s32 $0x2200, s28;
	[sflag:s19] =	ssyncadd.s32 $0xFFFFC000  }
0x57: {  	[spmem:s2] =	stream.indirect.scatter.add.f32 [tilespmem:s15], [sflag:$0x5], $0x80, s30, s14, $0xb8;
	[tilespmem:$0x1C000] =	vst v63  }
0x58: {  	_ =	swait.ge [sflag:s20], $0x4000  }
0x59: {  	[sflag:s20] =	ssyncset.done $0x0  }
0x5a: {  	s5 =	sadd.s32 $0x380, s28;
	[sflag:s20] =	ssyncadd.s32 $0xFFFFC000  }
0x5b: {  	[tilespmem:s21], [sflag:$0x4] =	stream.indirect.gather [hbm4b:s4+s14], $0x80, s5, s14, $0xb8;
	[tilespmem:$0x1C000] =	vst v63  }
0x5c: {  	_ =	swait.ge [sflag:s22], $0x4000  }
0x5d: {  	p0 =	seq.s32 s25, $0x7000;
	[sflag:s22] =	ssyncset.done $0x0  }
0x5e: {  	s17 =	sadd.s32 $0x2280, s28;
	s30 =	simm.s32 @p0 $0x3;
	[sflag:s22] =	ssyncadd.s32 $0xFFFFC000  }
0x5f: {  	[spmem:s2] =	stream.indirect.scatter.add.f32 [tilespmem:s16], [sflag:$0x6], $0x80, s17, s14, $0xb8;
	[tilespmem:$0x1C000] =	vst v63  }
0x60: {  	_ =	swait.ge @p0 [sflag:s30], $0x4000  }
0x61: {  	[sflag:s30] =	ssyncset.done @p0 $0x0  }
0x62: {  	[sflag:s30] =	ssyncadd.s32 @p0 $0xFFFFC000;
	s30 =	sshra.s32 @p0 s25, $0x2  }
0x63: {  	s0 =	simm.s32 @p0 $0x80;
	s17 =	simm.s32 @p0 $0xC000;
	s30 =	sadd.s32 @p0 $0x2300, s30  }
0x64: {  	[spmem:s2] =	stream.indirect.scatter.add.f32 @p0 [tilespmem:s17], [sflag:$0x7], $0x80, s30, s0, $0xb8;
	[tilespmem:$0x1C000] =	vst v63  }
0x65: {  	s0 =	simm.s32 @!p0 $0x5  }
0x66: {  	_ =	swait.ge @!p0 [sflag:s0], $0x4000  }
0x67: {  	[sflag:s0] =	ssyncset.done @!p0 $0x0  }
0x68: {  	[sflag:s0] =	ssyncadd.s32 @!p0 $0xFFFFC000;
	s0 =	sshra.s32 @!p0 s25, $0x2  }
0x69: {  	s5 =	simm.s32 @!p0 $0x4000;
	s30 =	simm.s32 @!p0 $0x80;
	s17 =	sadd.s32 @!p0 $0x400, s0  }
0x6a: {  	[tilespmem:s5], [sflag:$0x1] =	stream.indirect.gather @!p0 [hbm4b:s4+s30], $0x80, s17, s30, $0xb8;
	[tilespmem:$0x1C000] =	vst v63  }
0x6b: {  	s5 =	simm.s32 @!p0 $0x3  }
0x6c: {  	_ =	swait.ge @!p0 [sflag:s5], $0x4000  }
0x6d: {  	[sflag:s5] =	ssyncset.done @!p0 $0x0  }
0x6e: {  	s17 =	simm.s32 @!p0 $0xC000;
	[sflag:s5] =	ssyncadd.s32 @!p0 $0xFFFFC000;
	s5 =	sadd.s32 @!p0 $0x2300, s0  }
0x6f: {  	[spmem:s2] =	stream.indirect.scatter.add.f32 @!p0 [tilespmem:s17], [sflag:$0x7], $0x80, s5, s30, $0xb8;
	[tilespmem:$0x1C000] =	vst v63  }
0x70: {  	s5 =	simm.s32 @!p0 $0x6  }
0x71: {  	_ =	swait.ge @!p0 [sflag:s5], $0x4000  }
0x72: {  	[sflag:s5] =	ssyncset.done @!p0 $0x0  }
0x73: {  	s0 =	sadd.s32 @!p0 $0x480, s0;
	[sflag:s5] =	ssyncadd.s32 @!p0 $0xFFFFC000;
	s5 =	simm.s32 @!p0 $0x8000  }
0x74: {  	[tilespmem:s5], [sflag:$0x2] =	stream.indirect.gather @!p0 [hbm4b:s4+s30], $0x80, s0, s30, $0xb8;
	[tilespmem:$0x1C000] =	vst v63  }
.Ltmp2:
0x75: {  	_ = 	snop;
	(pc) =	sbr.rel @p0 .LBB2_4-.Ltmp2, $4  }
0x76: {  	_ =	swait.ge [sflag:s31], $0x4000  }
0x77: {  	[sflag:s31] =	ssyncset.done $0x0  }
0x78: {  	s30 =	sadd.s32 $0x2380, s28;
	[sflag:s31] =	ssyncadd.s32 $0xFFFFC000  }
0x79: {  	[spmem:s2] =	stream.indirect.scatter.add.f32 [tilespmem:s21], [sflag:$0x8], $0x80, s30, s14, $0xb8;
	[tilespmem:$0x1C000] =	vst v63  }
.Ltmp3:
0x7a: {  	(pc) =	sbr.rel .LBB2_2-.Ltmp3, $4  }
0x7b: {  	_ =	swait.ge [sflag:s1], $0x4000  }
0x7c: {  	[sflag:s1] =	ssyncset.done $0x0  }
0x7d: {  	s0 =	sadd.s32 $0x500, s28;
	s25 =	sadd.s32 $0x800, s25;
	[sflag:s1] =	ssyncadd.s32 $0xFFFFC000  }
0x7e: {  	[tilespmem:s18], [sflag:$0x3] =	stream.indirect.gather [hbm4b:s4+s14], $0x80, s0, s14, $0xb8;
	[tilespmem:$0x1C000] =	vst v63  }
.LBB2_5:
0x7f: {  	_ =	sfence.sel $0x180000  }
0x80: {  	[bflag:$0x0] =	sbarrier.arrive $0xFFFF  }
0x81: {  	_ =	strace $0x9000004D  }
0x82: {  	s0 =	stileid.u32;
	[bflag:$0x2] =	sbarrier.arrive $0xFFFF  }
0x83: {  	p0 =	sne.s32 s0, $0x0;
	s0 =	rddreg [dreg:$0x2]  }
0x84: {  	s0 =	sadd.s32 @!p0 $0x100000, s0  }
0x85: {  	[sflag:s0] =	ssyncadd.tile.s32 @!p0 $0x1;
	_ =	shalt  }
.Lfunc_end2:
_tile_overlayer_lowered:
.L_overlay_start_2:
0x86: {  	(tag) =	ssettag $0x2  }
0x87: {  	s0 =	rddreg [dreg:$0x0];
	s2 =	stileid.u32  }
0x88: {  	s1 =	rddreg [dreg:$0x1];
	p0 =	sne.s32 s2, $0x0  }
0x89: {  	s3 =	rddreg [dreg:$0x2];
	[bflag:$0x3] =	sbarrier.arrive $0xFFFF;
	s2 =	simm.s32 @!p0 $0x1C09  }
0x8a: {  	[timem:s3], [sflag:s2] =	dma.local @!p0 [hbm:s0], s1  }
0x8b: {  	s0 =	simm.s32 @!p0 $0x9  }
0x8c: {  	_ =	swait.ge @!p0 [sflag:s0], s1  }
0x8d: {  	s1 =	ssub.s32 @!p0 $0x0, s1;
	[sflag:s0] =	ssyncset.done @!p0 $0x0  }
0x8e: {  	[sflag:s0] =	ssyncadd.s32 @!p0 s1  }
0x8f: {  	[bflag:$0x3] =	sbarrier.arrive $0xFFFF  }
0x90: {  	_ =	shalt  }

// kernel: kernel.21.cloned.1.call-start
scs
__scs_entry_jumppad:
0x0: {  	(pc) =	sbr.rel $0x88, $3  }
0x1: {  	(tag) =	ssettag $0x0;
	lr =	simm.s32 $0x1  }
0x2: {  	[smem:$0x3F8D] =	sst lr;
	_ =	strace $0xD0000000  }
0x3: {  	_ = 	snop  }
0x4: {  	_ = 	snop  }
0x5: {  	_ = 	snop  }
0x6: {  	_ = 	snop  }
0x7: {  	_ = 	snop  }
__scs_overlays_trampoline_lowered:
0x8: {  	[smem:$0x3F9C] =	sst s0  }
0x9: {  	[smem:$0x3F9D] =	sst s1  }
0xa: {  	[smem:$0x3F9E] =	sst s2  }
0xb: {  	[smem:$0x3F9F] =	sst s3  }
0xc: {  	[smem:$0x3FA0] =	sst s4  }
0xd: {  	[smem:$0x3FA1] =	sst s5  }
0xe: {  	[smem:$0x3FA2] =	sst s6  }
0xf: {  	[smem:$0x3FA3] =	sst s7  }
0x10: {  	[smem:$0x3FA4] =	sst s8  }
0x11: {  	[smem:$0x3FA5] =	sst s9;
	s0 =	simm.s32 @!p0 $0x0  }
0x12: {  	s1 =	sld [smem:$0x3F8B];
	s0 =	simm.s32 @p0 $0x1  }
0x13: {  	[smem:$0x3FA6] =	sst s0;
	s0 =	simm.s32 @!p1 $0x0  }
0x14: {  	s2 =	sld [smem:$0x3F8A];
	s0 =	simm.s32 @p1 $0x1  }
0x15: {  	[smem:$0x3FA7] =	sst s0;
	s0 =	simm.s32 @!p2 $0x0  }
0x16: {  	s3 =	sld [smem:$0x3FDB];
	s0 =	simm.s32 @p2 $0x1  }
0x17: {  	s4 =	simm.s32 $0x1BF5;
	[smem:$0x3FA9] =	sst s0  }
0x18: {  	s0 =	sld [smem:$0x3F8C];
	_ =	swait.ge [sflag:s4], $0x0  }
0x19: {  	s7 =	sld [smem:$0x3F8D]  }
0x1a: {  	s8 =	sadd.s32 $0xFFFFE003, lr  }
0x1b: {  	s9 =	sadd.s32 $0xFFFFFEF7, lr;
	s5 =	simm.s32 $0xFFFFFFFF;
	p2 =	slt.u32 s8, $0xFFFFF086  }
0x1c: {  	p1 =	slt.u32 s9, $0xF7A;
	s5 =	simm.s32 @!p2 $0x0  }
0x1d: {  	s5 =	simm.s32 @p1 $0x1;
	p0 =	seq.s32 s7, s2  }
0x1e: {  	s7 =	smul.u32 @!p0 $0xF7A, s2;
	p2 =	seq.s32 @!p0 s5, $0x0  }
0x1f: {  	s9 =	smul.u32 $0xF7A, s1;
	s8 =	simm.s32 @!p0 $0x1BF5;
	p2 =	por !p2, p0  }
0x20: {  	[sflag:s8] =	ssyncset.s32 @!p0 $0xFFFFF086;
	s6 =	sadd.s32 @!p0 s3, s7;
	s7 =	simm.s32 @!p0 $0x108  }
0x21: {  	s3 =	sadd.s32 s3, s9;
	s6 =	sadd.s32 @!p0 $0x88, s6;
	s7 =	simm.s32 @p2 $0x1082  }
0x22: {  	[simem:s7], [sflag:s8] =	dma.local @!p0 [hbm:s6], $0xF7A  }
0x23: {  	s9 =	sor.u32 $0xD0000000, s2;
	s6 =	simm.s32 $0x108;
	_ =	swait.ge @!p0 [sflag:s8], $0x0  }
0x24: {  	s3 =	sadd.s32 $0x88, s3;
	s6 =	simm.s32 @!p1 $0x1082;
	[sflag:s4] =	ssyncset.s32 $0xFFFFF086  }
0x25: {  	[simem:s6], [sflag:s4] =	dma.local [hbm:s3], $0xF7A  }
0x26: {  	[smem:$0x3F8D] =	sst s1;
	(tag) =	ssettag s2;
	_ =	strace s9  }
0x27: {  	s1 =	sld [smem:$0x3F9D]  }
0x28: {  	s2 =	sld [smem:$0x3F9E]  }
0x29: {  	s4 =	sld [smem:$0x3FA0]  }
0x2a: {  	p0 =	seq.s32 s5, $0x0;
	s5 =	sld [smem:$0x3FA1]  }
0x2b: {  	s6 =	sld [smem:$0x3FA2]  }
0x2c: {  	s7 =	sld [smem:$0x3FA3]  }
0x2d: {  	s3 =	simm.s32 $0x108;
	s8 =	sld [smem:$0x3FA4]  }
0x2e: {  	s3 =	simm.s32 @!p0 $0x1082;
	s9 =	sld [smem:$0x3FA5]  }
0x2f: {  	lr =	sadd.s32 s0, s3;
	s0 =	sld [smem:$0x3F9C]  }
0x30: {  	s3 =	sld [smem:$0x3F9F]  }
0x31: {  	[smem:$0x3FA8] =	sst s10  }
0x32: {  	s10 =	sld [smem:$0x3FA6];
	_ =	sdelay $0x3  }
0x33: {  	p0 =	seq.s32 s10, $0x1;
	s10 =	sld [smem:$0x3FA8];
	_ =	sdelay $0x3  }
0x34: {  	[smem:$0x3FA8] =	sst s10  }
0x35: {  	s10 =	sld [smem:$0x3FA7];
	_ =	sdelay $0x3  }
0x36: {  	p1 =	seq.s32 s10, $0x1;
	s10 =	sld [smem:$0x3FA8];
	_ =	sdelay $0x3  }
0x37: {  	[smem:$0x3FA8] =	sst s10  }
0x38: {  	s10 =	sld [smem:$0x3FA9]  }
0x39: {  	_ = 	snop;
	(pc) =	sbr.ind lr, $3  }
0x3a: {  	_ = 	snop  }
0x3b: {  	_ = 	snop  }
0x3c: {  	p2 =	seq.s32 s10, $0x1;
	s10 =	sld [smem:$0x3FA8]  }
0x3d: {  	_ =	shalt  }
0x3e: {  	_ =	shalt  }
0x3f: {  	_ =	shalt  }
0x40: {  	_ =	shalt  }
0x41: {  	_ =	shalt  }
0x42: {  	_ =	shalt  }
0x43: {  	_ =	shalt  }
0x44: {  	_ =	shalt  }
0x45: {  	_ =	shalt  }
0x46: {  	_ =	shalt  }
0x47: {  	_ =	shalt  }
0x48: {  	_ =	shalt  }
0x49: {  	_ =	shalt  }
0x4a: {  	_ =	shalt  }
0x4b: {  	_ =	shalt  }
0x4c: {  	_ =	shalt  }
0x4d: {  	_ =	shalt  }
0x4e: {  	_ =	shalt  }
0x4f: {  	_ =	shalt  }
0x50: {  	_ =	shalt  }
0x51: {  	_ =	shalt  }
0x52: {  	_ =	shalt  }
0x53: {  	_ =	shalt  }
0x54: {  	_ =	shalt  }
0x55: {  	_ =	shalt  }
0x56: {  	_ =	shalt  }
0x57: {  	_ =	shalt  }
0x58: {  	_ =	shalt  }
0x59: {  	_ =	shalt  }
0x5a: {  	_ =	shalt  }
0x5b: {  	_ =	shalt  }
0x5c: {  	_ =	shalt  }
0x5d: {  	_ =	shalt  }
0x5e: {  	_ =	shalt  }
0x5f: {  	_ =	shalt  }
0x60: {  	_ =	shalt  }
0x61: {  	_ =	shalt  }
0x62: {  	_ =	shalt  }
0x63: {  	_ =	shalt  }
0x64: {  	_ =	shalt  }
0x65: {  	_ =	shalt  }
0x66: {  	_ =	shalt  }
0x67: {  	_ =	shalt  }
0x68: {  	_ =	shalt  }
0x69: {  	_ =	shalt  }
0x6a: {  	_ =	shalt  }
0x6b: {  	_ =	shalt  }
0x6c: {  	_ =	shalt  }
0x6d: {  	_ =	shalt  }
0x6e: {  	_ =	shalt  }
0x6f: {  	_ =	shalt  }
0x70: {  	_ =	shalt  }
0x71: {  	_ =	shalt  }
0x72: {  	_ =	shalt  }
0x73: {  	_ =	shalt  }
0x74: {  	_ =	shalt  }
0x75: {  	_ =	shalt  }
0x76: {  	_ =	shalt  }
0x77: {  	_ =	shalt  }
0x78: {  	_ =	shalt  }
0x79: {  	_ =	shalt  }
0x7a: {  	_ =	shalt  }
0x7b: {  	_ =	shalt  }
0x7c: {  	_ =	shalt  }
0x7d: {  	_ =	shalt  }
0x7e: {  	_ =	shalt  }
0x7f: {  	_ =	shalt  }
0x80: {  	_ =	shalt  }
0x81: {  	_ =	shalt  }
0x82: {  	_ =	shalt  }
0x83: {  	_ =	shalt  }
0x84: {  	_ =	shalt  }
0x85: {  	_ =	shalt  }
0x86: {  	_ =	shalt  }
0x87: {  	_ =	shalt  }
.Lfunc_end0:
.L_simem_size_0:
called_computation.3_lowered:
.L_overlay_start_0:
0x88: {  	s2 =	sld [smem:$0x3FD9]  }
0x89: {  	s3 =	sld [smem:$0x3FFE];
	_ =	sdelay $0x1  }
0x8a: {  	s1 =	srdreg.scid  }
0x8b: {  	s0 =	sand.u32 $0x1, s1  }
0x8c: {  	s16 =	sshll.u32 s0, $0xA;
	s2 =	sadd.s32 s3, s2  }
0x8d: {  	s2 =	sadd.s32 s2, s16  }
0x8e: {  	[smem:$0x3FB4] =	sst s2  }
0x8f: {  	_ = 	snop  }
0x90: {  	(tm) =	ssettm $0x1  }
0x91: {  	s17 =	sld [smem:$0x3FFB];
	_ =	sdelay $0x3  }
0x92: {  	_ =	strace s17  }
0x93: {  	s2 =	sld [smem:$0x3FFC];
	_ =	sdelay $0x3  }
0x94: {  	_ =	strace s2  }
0x95: {  	s2 =	sld [smem:$0x3FFD];
	_ =	sdelay $0x3  }
0x96: {  	_ =	strace s2  }
0x97: {  	_ =	strace $0x8FFFFFFF  }
0x98: {  	s18 =	sld [smem:$0x3FDB];
	_ =	sdelay $0x1  }
0x99: {  	s19 =	simm.s32 $_scs_section_size  }
0x9a: {  	s4 =	simm.s32 $_size__tile_overlayer_lowered;
	s5 =	simm.s32 $_tile_overlayer_lowered  }
0x9b: {  	s22 =	simm.s32 $0x1BFF;
	s21 =	sshll.u32 s5, $0x1;
	s2 =	sadd.s32 s19, s18  }
0x9c: {  	s6 =	simm.s32 $0x0;
	s20 =	sshll.u32 s4, $0x1;
	s4 =	sadd.s32 s21, s2  }
0x9d: {  	[timem:s6], [sflag:s22] =	dma.local [hbm:s4], s20  }
0x9e: {  	_ =	swait.ge [sflag:s22], s20  }
0x9f: {  	s3 =	ssub.s32 $0x0, s20;
	[sflag:s22] =	ssyncset.done $0x0  }
0xa0: {  	[sflag:s22] =	ssyncadd.s32 s3;
	_ =	sdelay $0x1  }
0xa1: {  	s23 =	simm.s32 $0x1B8B  }
0xa2: {  	_ =	swait.ge [sflag:s23], $0x1  }
0xa3: {  	[sflag:s23] =	ssyncset.done $0x0  }
0xa4: {  	s25 =	simm.s32 $0x1B8E;
	s24 =	sld [smem:$0x3FFE];
	[sflag:s23] =	ssyncadd.s32 $0xFFFFFFFF  }
0xa5: {  	s26 =	simm.s32 $execute0_lowered;
	[smem:$0x3FD2] =	sst s25  }
0xa6: {  	s4 =	sshll.u32 s26, $0x1;
	_ =	strace $0x8000004F;
	[dreg:$0x1] =	wrdreg $0xFFFFFFFF  }
0xa7: {  	s28 =	simm.s32 $_size_execute0_lowered;
	s2 =	sadd.s32 s2, s4;
	[dreg:$0x0] =	wrdreg $0x0  }
0xa8: {  	s4 =	sshll.u32 s28, $0x1;
	[dreg:$0x2] =	wrdreg s2  }
0xa9: {  	[dreg:$0x3] =	wrdreg s4  }
0xaa: {  	[dreg:$0x4] =	wrdreg $0xC0  }
0xab: {  	_ =	task [dreg:s6], $0x5FFFF  }
0xac: {  	[dreg:$0x1] =	wrdreg $0xFFFFFFFF  }
0xad: {  	[dreg:$0x0] =	wrdreg $0x60  }
0xae: {  	[dreg:$0x2] =	wrdreg s24  }
0xaf: {  	[dreg:$0x3] =	wrdreg $0x140000  }
0xb0: {  	[dreg:$0x4] =	wrdreg $0x9  }
0xb1: {  	_ =	task.clear_ibuf [dreg:s6], $0x5FFFF;
	_ =	strace $0x9000004F  }
0xb2: {  	s29 =	simm.s32 $0x9;
	_ =	strace $0x80000051  }
0xb3: {  	_ =	swait.ge [sflag:s29], $0x1  }
0xb4: {  	[sflag:s29] =	ssyncadd.s32 $0xFFFFFFFF  }
0xb5: {  	_ =	strace $0x90000051  }
0xb6: {  	_ =	sfence  }
0xb7: {  	s30 =	sld [smem:$0x0];
	_ =	sdelay $0x2  }
0xb8: {  	s31 =	sshll.u32 s1, $0xD;
	s1 =	sshrl.u32 s1, $0x2  }
0xb9: {  	s3 =	sand.u32 $0x4000, s31;
	s1 =	sadd.s32 s1, s30  }
0xba: {  	s0 =	sor.u32 s3, s0;
	s1 =	sshll.u32 s1, $0x11  }
0xbb: {  	s0 =	sor.u32 s1, s0  }
0xbc: {  	s0 =	sadd.s32 $0x8F2B, s0  }
0xbd: {  	[sflag:s0] =	ssyncadd.remote.s32 $0x1  }
0xbe: {  	_ =	sfence.sel $0xFFFF  }
0xbf: {  	[dreg:$0x0] =	wrdreg $0xFFFFFFFF;
	(pc) =	sbr.abs _section_cstart, $3  }
0xc0: {  	[dreg:$0x1] =	wrdreg $0xFFFFFFFF  }
0xc1: {  	_ =	task.clear_ibuf [dreg:s6], $0x2FFFF;
	_ =	strace $0x9FFFFFFF  }
0xc2: {  	(tm) =	ssettm $0x7FFFFFFF  }
0xc3: {  	_ =	shalt  }
tec
execute0_lowered:
.L_overlay_start_1:
0x0: {  	(tag) =	ssettag $0x1  }
0x1: {  	s0 =	rddreg [dreg:$0x0]  }
0x2: {  	s2 =	rddreg [dreg:$0x1];
	s1 =	srdreg.scid  }
0x3: {  	s3 =	simm.s32 $0x0;
	s12 =	stileid.u32;
	s10 =	simm.s32 $0x9  }
0x4: {  	s11 =	simm.s32 $0x2000;
	s14 =	simm.s32 $0x80;
	s15 =	simm.s32 $0x4000  }
0x5: {  	s16 =	simm.s32 $0x8000;
	s18 =	simm.s32 $0xC000;
	s19 =	simm.s32 $0x1  }
0x6: {  	s21 =	simm.s32 $0x10000;
	s22 =	simm.s32 $0x2;
	s24 =	simm.s32 $0x5  }
0x7: {  	s29 =	simm.s32 $0x6;
	s31 =	simm.s32 $0x4;
	s20 =	simm.s32 $0x8  }
0x8: {  	s23 =	simm.s32 $0x0;
	s1 =	sand.u32 $0x1, s1;
	[smem:$0x7FF] =	sst s3  }
0x9: {  	s5 =	sshll.u32 s12, $0xA;
	s7 =	sshll.u32 s12, $0xC;
	s28 =	sshll.u32 s12, $0xF  }
0xa: {  	s30 =	sshll.u32 s12, $0x6;
	s4 =	sshll.u32 s1, $0xE;
	_ =	strace $0x80000050  }
0xb: {  	s25 =	ssub.s32 $0x2, s1;
	s1 =	sshll.u32 s1, $0x10;
	s13 =	sadd.s32 s28, s2  }
0xc: {  	s12 =	sor.u32 $0x1C09, s30;
	s4 =	sor.u32 s5, s4;
	s8 =	sshrl.u32 s25, $0x1  }
.Ltmp0:
0xd: {  	s13 =	sshrl.u32 s13, $0x3;
	s6 =	sadd.s32 s4, s0;
	(pc) =	sbr.rel .LBB2_1-.Ltmp0, $4  }
0xe: {  	s4 =	sadd.s32 $0x15000, s0;
	s0 =	sadd.s32 s7, s0;
	s9 =	ssub.s32 s25, s8  }
0xf: {  	s26 =	sadd.s32 $0xD000, s6;
	s6 =	sadd.s32 $0x5000, s6;
	s1 =	sadd.s32 s1, s0  }
0x10: {  	s7 =	sadd.s32 $0x25000, s0;
	s9 =	smax.u32 s9, $0x1;
	[dreg:$0x3] =	wrdreg s26  }
0x11: {  	s8 =	sadd.s32 $0x35000, s1;
	s26 =	simm.s32 $0x3;
	s1 =	simm.s32 $0x7  }
.LBB2_4:
0x12: {  	_ =	swait.ge [sflag:s24], $0x4000  }
0x13: {  	[sflag:s24] =	ssyncset.done $0x0  }
0x14: {  	[sflag:s24] =	ssyncadd.s32 $0xFFFFC000  }
0x15: {  	_ =	swait.ge [sflag:s29], $0x4000  }
0x16: {  	[sflag:s29] =	ssyncset.done $0x0  }
0x17: {  	[sflag:s29] =	ssyncadd.s32 $0xFFFFC000  }
0x18: {  	_ =	swait.ge [sflag:s1], $0x4000  }
0x19: {  	[sflag:s1] =	ssyncset.done $0x0  }
0x1a: {  	[sflag:s1] =	ssyncadd.s32 $0xFFFFC000  }
0x1b: {  	_ =	swait.ge [sflag:s20], $0x4000  }
0x1c: {  	s23 =	sadd.s32 $0x1, s23;
	[sflag:s20] =	ssyncset.done $0x0  }
0x1d: {  	p0 =	sne.s32 s23, s9;
	[sflag:s20] =	ssyncadd.s32 $0xFFFFC000  }
.Ltmp1:
0x1e: {  	[bflag:$0x0] =	sbarrier.arrive $0xFFFF;
	(pc) =	sbr.rel @!p0 .LBB2_5-.Ltmp1, $4  }
0x1f: {  	[hbm:s8], [sflag:s12] =	dma.local [spmem:s13], $0x1000  }
0x20: {  	_ =	swait.ge [sflag:s10], $0x1000  }
0x21: {  	[sflag:s10] =	ssyncset.done $0x0  }
0x22: {  	[sflag:s10] =	ssyncadd.s32 $0xFFFFF000  }
.LBB2_1:
0x23: {  	s0 =	rddreg [dreg:$0x3]  }
0x24: {  	[tilespmem:s3], [sflag:$0x9] =	stream.linear.gather [hbm4b:s0+s3], $0x2000, $0x38;
	[tilespmem:$0x1C000] =	vst v63  }
0x25: {  	_ =	swait.ge [sflag:s10], $0x2000  }
0x26: {  	[sflag:s10] =	ssyncset.done $0x0  }
0x27: {  	[sflag:s10] =	ssyncadd.s32 $0xFFFFE000  }
0x28: {  	[tilespmem:s11], [sflag:$0x9] =	stream.linear.gather [hbm4b:s6+s3], $0x2000, $0x38;
	[tilespmem:$0x1C000] =	vst v63  }
0x29: {  	_ =	swait.ge [sflag:s10], $0x2000  }
0x2a: {  	[sflag:s10] =	ssyncset.done $0x0  }
0x2b: {  	[sflag:s10] =	ssyncadd.s32 $0xFFFFE000  }
0x2c: {  	[spmem:s13], [sflag:s12] =	dma.local [hbm:s7], $0x1000  }
0x2d: {  	_ =	swait.ge [sflag:s10], $0x1000  }
0x2e: {  	[sflag:s10] =	ssyncset.done $0x0  }
0x2f: {  	[sflag:s10] =	ssyncadd.s32 $0xFFFFF000  }
0x30: {  	[bflag:$0x0] =	sbarrier.arrive $0xFFFF  }
0x31: {  	[tilespmem:s15], [sflag:$0x1] =	stream.indirect.gather [hbm4b:s4+s14], $0x80, s3, s14, $0xb8;
	[tilespmem:$0x1C000] =	vst v63  }
0x32: {  	_ = 	snop  }
0x33: {  	[tilespmem:s16], [sflag:$0x2] =	stream.indirect.gather [hbm4b:s4+s14], $0x80, s14, s14, $0xb8;
	[tilespmem:$0x1C000] =	vst v63  }
0x34: {  	s25 =	simm.s32 $0x100  }
0x35: {  	[tilespmem:s18], [sflag:$0x3] =	stream.indirect.gather [hbm4b:s4+s14], $0x80, s25, s14, $0xb8;
	[tilespmem:$0x1C000] =	vst v63  }
0x36: {  	_ =	swait.ge [sflag:s19], $0x4000  }
0x37: {  	[sflag:s19] =	ssyncset.done $0x0  }
0x38: {  	[sflag:s19] =	ssyncadd.s32 $0xFFFFC000  }
0x39: {  	[spmem:s2] =	stream.indirect.scatter.add.f32 [tilespmem:s15], [sflag:$0x5], $0x80, s11, s14, $0xb8;
	[tilespmem:$0x1C000] =	vst v63  }
0x3a: {  	s28 =	simm.s32 $0x180  }
0x3b: {  	[tilespmem:s21], [sflag:$0x4] =	stream.indirect.gather [hbm4b:s4+s14], $0x80, s28, s14, $0xb8;
	[tilespmem:$0x1C000] =	vst v63  }
0x3c: {  	_ =	swait.ge [sflag:s22], $0x4000  }
0x3d: {  	[sflag:s22] =	ssyncset.done $0x0  }
0x3e: {  	s30 =	simm.s32 $0x2080;
	[sflag:s22] =	ssyncadd.s32 $0xFFFFC000  }
0x3f: {  	[spmem:s2] =	stream.indirect.scatter.add.f32 [tilespmem:s16], [sflag:$0x6], $0x80, s30, s14, $0xb8;
	[tilespmem:$0x1C000] =	vst v63  }
0x40: {  	_ =	swait.ge [sflag:s24], $0x4000  }
0x41: {  	[sflag:s24] =	ssyncset.done $0x0  }
0x42: {  	s5 =	simm.s32 $0x200;
	[sflag:s24] =	ssyncadd.s32 $0xFFFFC000  }
0x43: {  	[tilespmem:s15], [sflag:$0x1] =	stream.indirect.gather [hbm4b:s4+s14], $0x80, s5, s14, $0xb8;
	[tilespmem:$0x1C000] =	vst v63  }
0x44: {  	_ =	swait.ge [sflag:s26], $0x4000  }
0x45: {  	[sflag:s26] =	ssyncset.done $0x0  }
0x46: {  	s17 =	simm.s32 $0x2100;
	[sflag:s26] =	ssyncadd.s32 $0xFFFFC000  }
0x47: {  	[spmem:s2] =	stream.indirect.scatter.add.f32 [tilespmem:s18], [sflag:$0x7], $0x80, s17, s14, $0xb8;
	[tilespmem:$0x1C000] =	vst v63  }
0x48: {  	_ =	swait.ge [sflag:s29], $0x4000  }
0x49: {  	[sflag:s29] =	ssyncset.done $0x0  }
0x4a: {  	s25 =	simm.s32 $0x280;
	[sflag:s29] =	ssyncadd.s32 $0xFFFFC000  }
0x4b: {  	[tilespmem:s16], [sflag:$0x2] =	stream.indirect.gather [hbm4b:s4+s14], $0x80, s25, s14, $0xb8;
	[tilespmem:$0x1C000] =	vst v63  }
0x4c: {  	_ =	swait.ge [sflag:s31], $0x4000  }
0x4d: {  	[sflag:s31] =	ssyncset.done $0x0  }
0x4e: {  	s28 =	simm.s32 $0x2180;
	[sflag:s31] =	ssyncadd.s32 $0xFFFFC000  }
0x4f: {  	[spmem:s2] =	stream.indirect.scatter.add.f32 [tilespmem:s21], [sflag:$0x8], $0x80, s28, s14, $0xb8;
	[tilespmem:$0x1C000] =	vst v63  }
0x50: {  	_ =	swait.ge [sflag:s1], $0x4000  }
0x51: {  	[sflag:s1] =	ssyncset.done $0x0  }
0x52: {  	s30 =	simm.s32 $0x300;
	s25 =	simm.s32 $0x0;
	[sflag:s1] =	ssyncadd.s32 $0xFFFFC000  }
0x53: {  	[tilespmem:s18], [sflag:$0x3] =	stream.indirect.gather [hbm4b:s4+s14], $0x80, s30, s14, $0xb8;
	[tilespmem:$0x1C000] =	vst v63  }
.LBB2_2:
0x54: {  	_ =	swait.ge [sflag:s19], $0x4000  }
0x55: {  	s28 =	sshra.s32 s25, $0x2;
	[sflag:s19] =	ssyncset.done $0x0  }
0x56: {  	s30 =	sadd.s32 $0x2200, s28;
	[sflag:s19] =	ssyncadd.s32 $0xFFFFC000  }
0x57: {  	[spmem:s2] =	stream.indirect.scatter.add.f32 [tilespmem:s15], [sflag:$0x5], $0x80, s30, s14, $0xb8;
	[tilespmem:$0x1C000] =	vst v63  }
0x58: {  	_ =	swait.ge [sflag:s20], $0x4000  }
0x59: {  	[sflag:s20] =	ssyncset.done $0x0  }
0x5a: {  	s5 =	sadd.s32 $0x380, s28;
	[sflag:s20] =	ssyncadd.s32 $0xFFFFC000  }
0x5b: {  	[tilespmem:s21], [sflag:$0x4] =	stream.indirect.gather [hbm4b:s4+s14], $0x80, s5, s14, $0xb8;
	[tilespmem:$0x1C000] =	vst v63  }
0x5c: {  	_ =	swait.ge [sflag:s22], $0x4000  }
0x5d: {  	p0 =	seq.s32 s25, $0x7000;
	[sflag:s22] =	ssyncset.done $0x0  }
0x5e: {  	s17 =	sadd.s32 $0x2280, s28;
	s30 =	simm.s32 @p0 $0x3;
	[sflag:s22] =	ssyncadd.s32 $0xFFFFC000  }
0x5f: {  	[spmem:s2] =	stream.indirect.scatter.add.f32 [tilespmem:s16], [sflag:$0x6], $0x80, s17, s14, $0xb8;
	[tilespmem:$0x1C000] =	vst v63  }
0x60: {  	_ =	swait.ge @p0 [sflag:s30], $0x4000  }
0x61: {  	[sflag:s30] =	ssyncset.done @p0 $0x0  }
0x62: {  	[sflag:s30] =	ssyncadd.s32 @p0 $0xFFFFC000;
	s30 =	sshra.s32 @p0 s25, $0x2  }
0x63: {  	s0 =	simm.s32 @p0 $0x80;
	s17 =	simm.s32 @p0 $0xC000;
	s30 =	sadd.s32 @p0 $0x2300, s30  }
0x64: {  	[spmem:s2] =	stream.indirect.scatter.add.f32 @p0 [tilespmem:s17], [sflag:$0x7], $0x80, s30, s0, $0xb8;
	[tilespmem:$0x1C000] =	vst v63  }
0x65: {  	s0 =	simm.s32 @!p0 $0x5  }
0x66: {  	_ =	swait.ge @!p0 [sflag:s0], $0x4000  }
0x67: {  	[sflag:s0] =	ssyncset.done @!p0 $0x0  }
0x68: {  	[sflag:s0] =	ssyncadd.s32 @!p0 $0xFFFFC000;
	s0 =	sshra.s32 @!p0 s25, $0x2  }
0x69: {  	s5 =	simm.s32 @!p0 $0x4000;
	s30 =	simm.s32 @!p0 $0x80;
	s17 =	sadd.s32 @!p0 $0x400, s0  }
0x6a: {  	[tilespmem:s5], [sflag:$0x1] =	stream.indirect.gather @!p0 [hbm4b:s4+s30], $0x80, s17, s30, $0xb8;
	[tilespmem:$0x1C000] =	vst v63  }
0x6b: {  	s5 =	simm.s32 @!p0 $0x3  }
0x6c: {  	_ =	swait.ge @!p0 [sflag:s5], $0x4000  }
0x6d: {  	[sflag:s5] =	ssyncset.done @!p0 $0x0  }
0x6e: {  	s17 =	simm.s32 @!p0 $0xC000;
	[sflag:s5] =	ssyncadd.s32 @!p0 $0xFFFFC000;
	s5 =	sadd.s32 @!p0 $0x2300, s0  }
0x6f: {  	[spmem:s2] =	stream.indirect.scatter.add.f32 @!p0 [tilespmem:s17], [sflag:$0x7], $0x80, s5, s30, $0xb8;
	[tilespmem:$0x1C000] =	vst v63  }
0x70: {  	s5 =	simm.s32 @!p0 $0x6  }
0x71: {  	_ =	swait.ge @!p0 [sflag:s5], $0x4000  }
0x72: {  	[sflag:s5] =	ssyncset.done @!p0 $0x0  }
0x73: {  	s0 =	sadd.s32 @!p0 $0x480, s0;
	[sflag:s5] =	ssyncadd.s32 @!p0 $0xFFFFC000;
	s5 =	simm.s32 @!p0 $0x8000  }
0x74: {  	[tilespmem:s5], [sflag:$0x2] =	stream.indirect.gather @!p0 [hbm4b:s4+s30], $0x80, s0, s30, $0xb8;
	[tilespmem:$0x1C000] =	vst v63  }
.Ltmp2:
0x75: {  	_ = 	snop;
	(pc) =	sbr.rel @p0 .LBB2_4-.Ltmp2, $4  }
0x76: {  	_ =	swait.ge [sflag:s31], $0x4000  }
0x77: {  	[sflag:s31] =	ssyncset.done $0x0  }
0x78: {  	s30 =	sadd.s32 $0x2380, s28;
	[sflag:s31] =	ssyncadd.s32 $0xFFFFC000  }
0x79: {  	[spmem:s2] =	stream.indirect.scatter.add.f32 [tilespmem:s21], [sflag:$0x8], $0x80, s30, s14, $0xb8;
	[tilespmem:$0x1C000] =	vst v63  }
.Ltmp3:
0x7a: {  	(pc) =	sbr.rel .LBB2_2-.Ltmp3, $4  }
0x7b: {  	_ =	swait.ge [sflag:s1], $0x4000  }
0x7c: {  	[sflag:s1] =	ssyncset.done $0x0  }
0x7d: {  	s0 =	sadd.s32 $0x500, s28;
	s25 =	sadd.s32 $0x800, s25;
	[sflag:s1] =	ssyncadd.s32 $0xFFFFC000  }
0x7e: {  	[tilespmem:s18], [sflag:$0x3] =	stream.indirect.gather [hbm4b:s4+s14], $0x80, s0, s14, $0xb8;
	[tilespmem:$0x1C000] =	vst v63  }
.LBB2_5:
0x7f: {  	_ =	sfence.sel $0x180000  }
0x80: {  	[bflag:$0x0] =	sbarrier.arrive $0xFFFF  }
0x81: {  	_ =	strace $0x90000050  }
0x82: {  	s0 =	stileid.u32;
	[bflag:$0x2] =	sbarrier.arrive $0xFFFF  }
0x83: {  	p0 =	sne.s32 s0, $0x0;
	s0 =	rddreg [dreg:$0x2]  }
0x84: {  	s0 =	sadd.s32 @!p0 $0x100000, s0  }
0x85: {  	[sflag:s0] =	ssyncadd.tile.s32 @!p0 $0x1;
	_ =	shalt  }
.Lfunc_end2:
_tile_overlayer_lowered:
.L_overlay_start_2:
0x86: {  	(tag) =	ssettag $0x2  }
0x87: {  	s0 =	rddreg [dreg:$0x0];
	s2 =	stileid.u32  }
0x88: {  	s1 =	rddreg [dreg:$0x1];
	p0 =	sne.s32 s2, $0x0  }
0x89: {  	s3 =	rddreg [dreg:$0x2];
	[bflag:$0x3] =	sbarrier.arrive $0xFFFF;
	s2 =	simm.s32 @!p0 $0x1C09  }
0x8a: {  	[timem:s3], [sflag:s2] =	dma.local @!p0 [hbm:s0], s1  }
0x8b: {  	s0 =	simm.s32 @!p0 $0x9  }
0x8c: {  	_ =	swait.ge @!p0 [sflag:s0], s1  }
0x8d: {  	s1 =	ssub.s32 @!p0 $0x0, s1;
	[sflag:s0] =	ssyncset.done @!p0 $0x0  }
0x8e: {  	[sflag:s0] =	ssyncadd.s32 @!p0 s1  }
0x8f: {  	[bflag:$0x3] =	sbarrier.arrive $0xFFFF  }
0x90: {  	_ =	shalt  }

</sc_bundles>
